<compile_context>
chip_gen: v7x
topology: tpu7x:2x2x1
jax: 0.10.2.dev20260603
libtpu: 0.0.44.dev20260713+nightly
codegen_flags: <defaults>
</compile_context>

<pallas_src>
import functools

import jax
import jax.numpy as jnp
from jax import lax
from jax.experimental import pallas as pl
from jax.experimental.pallas import tpu as pltpu
from jax.experimental.pallas import tpu_sc as plsc

N = 10000
NPAD = 10240
ROWW = 128
NTILES = 16
EPT = 20000
CHUNK = 128
IDXBLK = 16
NSUPER = 10
EPT_PAD = NSUPER * IDXBLK * CHUNK
ZROWS = NPAD // NTILES
OROWS = N // NTILES


def _sc_aggregate(f0, f1e, src3, dst3):
    mesh = plsc.VectorSubcoreMesh(core_axis_name="c", subcore_axis_name="s")

    @functools.partial(
        pl.kernel,
        mesh=mesh,
        out_type=[
            jax.ShapeDtypeStruct((NPAD, ROWW), jnp.float32),
            jax.ShapeDtypeStruct((NPAD, ROWW), jnp.float32),
        ],
        scratch_types=[
            pltpu.VMEM_SHARED((NPAD, ROWW), jnp.float32),
            pltpu.VMEM((IDXBLK, CHUNK), jnp.int32),
            pltpu.VMEM((IDXBLK, CHUNK), jnp.int32),
            pltpu.VMEM((CHUNK, ROWW), jnp.float32),
            pltpu.VMEM((CHUNK, ROWW), jnp.float32),
            pltpu.SemaphoreType.DMA,
            pltpu.SemaphoreType.DMA,
            pltpu.SemaphoreType.DMA,
            pltpu.SemaphoreType.DMA,
        ],
    )
    def agg(f0_hbm, f1e_hbm, src_hbm, dst_hbm, s0_hbm, s1e_hbm,
            acc, src_v, dst_v, rows, rows1, sem, sem1, ssem, ssem1):
        c = lax.axis_index("c")
        s = lax.axis_index("s")

        zero = jnp.zeros((16,), jnp.float32)

        def zrow(i, carry):
            for k in range(ROWW // 16):
                rows[i, pl.ds(k * 16, 16)] = zero
            return carry

        lax.fori_loop(0, CHUNK, zrow, 0)

        def zcp(b, carry):
            pltpu.sync_copy(rows, acc.at[pl.ds(s * ZROWS + b * CHUNK, CHUNK)])
            return carry

        lax.fori_loop(0, ZROWS // CHUNK, zcp, 0)

        plsc.subcore_barrier()

        def run(table_hbm, out_hbm):
            bufs = (rows, rows1)
            gsems = (sem, sem1)
            ssems = (ssem, ssem1)

            def super_step(g, carry):
                pltpu.sync_copy(src_hbm.at[s, g], src_v)
                pltpu.sync_copy(dst_hbm.at[s, g], dst_v)
                gp = [pltpu.async_copy(table_hbm.at[src_v.at[0]],
                                       bufs[0], gsems[0]), None]
                sp = [None, None]
                for j in range(IDXBLK):
                    b = j % 2
                    if j + 1 < IDXBLK:
                        nb = (j + 1) % 2
                        if sp[nb] is not None:
                            sp[nb].wait()
                            sp[nb] = None
                        gp[nb] = pltpu.async_copy(
                            table_hbm.at[src_v.at[j + 1]],
                            bufs[nb], gsems[nb])
                    gp[b].wait()
                    sp[b] = pltpu.async_copy(bufs[b], acc.at[dst_v.at[j]],
                                             ssems[b], add=True)
                for p in sp:
                    if p is not None:
                        p.wait()
                return carry

            lax.fori_loop(0, NSUPER, super_step, 0)
            plsc.subcore_barrier()
            pltpu.sync_copy(acc.at[pl.ds(s * ZROWS, ZROWS)],
                            out_hbm.at[pl.ds(s * ZROWS, ZROWS)])

        @pl.when(c == 0)
        def _():
            run(f0_hbm, s0_hbm)

        @pl.when(c == 1)
        def _():
            run(f1e_hbm, s1e_hbm)

    return agg(f0, f1e, src3, dst3)


def _tc_finish(f0, s0, f1m, s1e, w0l, w0o, w1l, w1o):
    B = 2000

    def body(f0_ref, s0_ref, f1_ref, s1_ref, w0l_ref, w0o_ref,
             w1l_ref, w1o_ref, o0_ref, o1_ref):
        wc0t = lax.dot_general(w0l_ref[...], w0o_ref[...],
                               (((0,), (1,)), ((), ())),
                               preferred_element_type=jnp.float32)
        wc1t = lax.dot_general(w1l_ref[...], w1o_ref[...],
                               (((0,), (1,)), ((), ())),
                               preferred_element_type=jnp.float32)
        z = jnp.zeros((32, 32), jnp.float32)
        bd = jnp.concatenate([
            jnp.concatenate([wc1t, z, z], axis=1),
            jnp.concatenate([z, wc1t, z], axis=1),
            jnp.concatenate([z, z, wc1t], axis=1),
        ], axis=0)
        rdeg = 1.0 / jnp.maximum(s1_ref[:, 96:97], 1.0)
        a0 = f0_ref[...] + s0_ref[...] * rdeg
        o0_ref[...] = jnp.dot(a0, wc0t, preferred_element_type=jnp.float32)
        a1 = f1_ref[...] + s1_ref[:, :96] * rdeg
        o1_ref[...] = jnp.dot(a1, bd, preferred_element_type=jnp.float32)

    return pl.pallas_call(
        body,
        grid=(N // B,),
        in_specs=[
            pl.BlockSpec((B, 128), lambda i: (i, 0)),
            pl.BlockSpec((B, 128), lambda i: (i, 0)),
            pl.BlockSpec((B, 96), lambda i: (i, 0)),
            pl.BlockSpec((B, 128), lambda i: (i, 0)),
            pl.BlockSpec((128, 128), lambda i: (0, 0)),
            pl.BlockSpec((128, 128), lambda i: (0, 0)),
            pl.BlockSpec((32, 32), lambda i: (0, 0)),
            pl.BlockSpec((32, 32), lambda i: (0, 0)),
        ],
        out_specs=[
            pl.BlockSpec((B, 128), lambda i: (i, 0)),
            pl.BlockSpec((B, 96), lambda i: (i, 0)),
        ],
        out_shape=[
            jax.ShapeDtypeStruct((N, 128), jnp.float32),
            jax.ShapeDtypeStruct((N, 96), jnp.float32),
        ],
    )(f0, s0, f1m, s1e, w0l, w0o, w1l, w1o)


def kernel(node_feat_0, node_feat_1, edge_index, W0_lin, W1_lin, W0_out, W1_out):
    f0 = node_feat_0.reshape(N, 128)
    f1m = node_feat_1.transpose(0, 2, 1).reshape(N, 96)
    f1e = jnp.concatenate(
        [f1m, jnp.ones((N, 1), jnp.float32), jnp.zeros((N, 31), jnp.float32)],
        axis=1)
    src = edge_index[0].astype(jnp.int32)
    dst = edge_index[1].astype(jnp.int32)
    src4 = jnp.concatenate(
        [src.reshape(NTILES, EPT),
         jnp.zeros((NTILES, EPT_PAD - EPT), jnp.int32)],
        axis=1).reshape(NTILES, NSUPER, IDXBLK, CHUNK)
    dst4 = jnp.concatenate(
        [dst.reshape(NTILES, EPT),
         jnp.full((NTILES, EPT_PAD - EPT), N, jnp.int32)],
        axis=1).reshape(NTILES, NSUPER, IDXBLK, CHUNK)

    s0, s1e = _sc_aggregate(f0, f1e, src4, dst4)
    o0, o1 = _tc_finish(f0, s0[:N], f1m, s1e[:N], W0_lin, W0_out, W1_lin, W1_out)
    return o0.reshape(N, 128, 1), o1.reshape(N, 3, 32).transpose(0, 2, 1)

# --- scband reference (transcript-rebuilt; emitter-appended) ---
"""Pipeline reference for scband-model-56599079027126 (READ-ONLY COPY).

The authoritative reference and input builder live on the scoring server;
editing this copy changes nothing except your own understanding.
"""

import jax, jax.numpy as jnp
import numpy as np

N = 10000
E = 320000
C0 = 128
C1 = 32


def setup_inputs(seed: int = 0) -> dict:
    key = jax.random.key(seed)
    ks = jax.random.split(key, 8)
    node_feat_0 = jax.random.normal(ks[0], (N, C0, 1), dtype=jnp.float32)
    node_feat_1 = jax.random.normal(ks[1], (N, C1, 3), dtype=jnp.float32)
    edge_index = jax.random.randint(ks[2], (2, E), 0, N)
    # Learned parameters: per-degree channel-mixing linears (SE(3)-equivariant linear
    # acts only on the channel axis, leaving the representation axis untouched),
    # for both the input LinearModule and the InteractionModule output projection.
    W0_lin = jax.random.normal(ks[3], (C0, C0), dtype=jnp.float32) / np.sqrt(C0)
    W1_lin = jax.random.normal(ks[4], (C1, C1), dtype=jnp.float32) / np.sqrt(C1)
    W0_out = jax.random.normal(ks[5], (C0, C0), dtype=jnp.float32) / np.sqrt(C0)
    W1_out = jax.random.normal(ks[6], (C1, C1), dtype=jnp.float32) / np.sqrt(C1)
    return {
        "node_feat_0": node_feat_0,
        "node_feat_1": node_feat_1,
        "edge_index": edge_index,
        "W0_lin": W0_lin,
        "W1_lin": W1_lin,
        "W0_out": W0_out,
        "W1_out": W1_out,
    }


def reference(node_feat_0, node_feat_1, edge_index, W0_lin, W1_lin, W0_out, W1_out):
    # --- LinearModule: per-degree channel mixing (equivariant linear) ---
    h0 = jnp.einsum('ncm,dc->ndm', node_feat_0, W0_lin)
    h1 = jnp.einsum('ncm,dc->ndm', node_feat_1, W1_lin)

    # --- InteractionModule: message passing over the DGL graph ---
    src = edge_index[0]
    dst = edge_index[1]
    # gather source-node features along edges (SparseCore gather)
    msg0 = h0[src]  # [E, C0, 1]
    msg1 = h1[src]  # [E, C1, 3]
    # scatter-add aggregation to destination nodes (SparseCore scatter-add)
    agg0 = jax.ops.segment_sum(msg0, dst, num_segments=N)
    agg1 = jax.ops.segment_sum(msg1, dst, num_segments=N)
    deg = jax.ops.segment_sum(jnp.ones((E,), jnp.float32), dst, num_segments=N)
    deg = jnp.maximum(deg, 1.0)[:, None, None]
    # mean aggregation + residual self connection
    a0 = h0 + agg0 / deg
    a1 = h1 + agg1 / deg
    # output per-degree equivariant linear projection
    out0 = jnp.einsum('ncm,dc->ndm', a0, W0_out)
    out1 = jnp.einsum('ncm,dc->ndm', a1, W1_out)
    return out0, out1

if __name__ == "__main__":
    import jax
    _d = setup_inputs()
    print(jax.jit(kernel)(*tuple(_d.values())))

</pallas_src>

<mosaic_0001>
#map = affine_map<(d0, d1) -> (0, 0)>
#map1 = affine_map<(d0, d1) -> (0, 0, 0, 0)>
module attributes {stable_mosaic.version = 14 : i64} {
  func.func @agg(%arg0: i32, %arg1: i32, %arg2: memref<10000x128xf32, #tpu.memory_space<hbm>>, %arg3: memref<10000x128xf32, #tpu.memory_space<hbm>>, %arg4: memref<16x10x16x128xi32, #tpu.memory_space<hbm>>, %arg5: memref<16x10x16x128xi32, #tpu.memory_space<hbm>>, %arg6: memref<10240x128xf32, #tpu.memory_space<hbm>>, %arg7: memref<10240x128xf32, #tpu.memory_space<hbm>>, %arg8: memref<10240x128xf32, #tpu.memory_space<vmem_shared>>, %arg9: memref<16x128xi32, #tpu.memory_space<vmem>>, %arg10: memref<16x128xi32, #tpu.memory_space<vmem>>, %arg11: memref<128x128xf32, #tpu.memory_space<vmem>>, %arg12: memref<128x128xf32, #tpu.memory_space<vmem>>, %arg13: memref<!tpu.dma_semaphore, #tpu.memory_space<semaphore_mem>>, %arg14: memref<!tpu.dma_semaphore, #tpu.memory_space<semaphore_mem>>, %arg15: memref<!tpu.dma_semaphore, #tpu.memory_space<semaphore_mem>>, %arg16: memref<!tpu.dma_semaphore, #tpu.memory_space<semaphore_mem>>) attributes {dimension_semantics = [#tpu.dimension_semantics<core_parallel>, #tpu.dimension_semantics<subcore_parallel>], iteration_bounds = array<i64: 2, 16>, scalar_prefetch = 0 : i64, scratch_operands = 9 : i64, tpu.core_type = #tpu.core_type<sc_vector_subcore>, window_params = [{transform_indices = #map}, {transform_indices = #map}, {transform_indices = #map1}, {transform_indices = #map1}, {transform_indices = #map}, {transform_indices = #map}]} {
    %broadcast_in_dim3A = arith.constant 0.000000e+00 : f32
    %broadcast_in_dim3A_0 = vector.broadcast %broadcast_in_dim3A : f32 to vector<16xf32>
    %scan3A = arith.constant 0 : i32
    %scan3A_1 = arith.constant 0 : i32
    %scan3A_2 = arith.constant 128 : i32
    %scan3A_3 = arith.addi %scan3A_1, %scan3A_2 : i32
    %scan3A_4 = arith.constant 1 : i32
    scf.for %scan3A_19 = %scan3A_1 to %scan3A_3 step %scan3A_4  : i32 {
      %swap3A = arith.index_cast %scan3A_19 : i32 to index
      %swap3A_20 = arith.constant 0 : index
      %swap3A_21 = tpu.vector_load %arg11[%swap3A, %swap3A_20] {strides = array<i32>} : memref<128x128xf32, #tpu.memory_space<vmem>>, vector<1x16xf32>,
      %swap3A_22 = vector.shape_cast %swap3A_21 : vector<1x16xf32> to vector<16xf32>
      %swap3A_23 = vector.shape_cast %broadcast_in_dim3A_0 : vector<16xf32> to vector<1x16xf32>
      tpu.vector_store %arg11[%swap3A, %swap3A_20], %swap3A_23 {strides = array<i32>} : memref<128x128xf32, #tpu.memory_space<vmem>>, vector<1x16xf32>,
      %swap3A_24 = arith.index_cast %scan3A_19 : i32 to index
      %swap3A_25 = arith.constant 16 : index
      %swap3A_26 = tpu.vector_load %arg11[%swap3A_24, %swap3A_25] {strides = array<i32>} : memref<128x128xf32, #tpu.memory_space<vmem>>, vector<1x16xf32>,
      %swap3A_27 = vector.shape_cast %swap3A_26 : vector<1x16xf32> to vector<16xf32>
      %swap3A_28 = vector.shape_cast %broadcast_in_dim3A_0 : vector<16xf32> to vector<1x16xf32>
      tpu.vector_store %arg11[%swap3A_24, %swap3A_25], %swap3A_28 {strides = array<i32>} : memref<128x128xf32, #tpu.memory_space<vmem>>, vector<1x16xf32>,
      %swap3A_29 = arith.index_cast %scan3A_19 : i32 to index
      %swap3A_30 = arith.constant 32 : index
      %swap3A_31 = tpu.vector_load %arg11[%swap3A_29, %swap3A_30] {strides = array<i32>} : memref<128x128xf32, #tpu.memory_space<vmem>>, vector<1x16xf32>,
      %swap3A_32 = vector.shape_cast %swap3A_31 : vector<1x16xf32> to vector<16xf32>
      %swap3A_33 = vector.shape_cast %broadcast_in_dim3A_0 : vector<16xf32> to vector<1x16xf32>
      tpu.vector_store %arg11[%swap3A_29, %swap3A_30], %swap3A_33 {strides = array<i32>} : memref<128x128xf32, #tpu.memory_space<vmem>>, vector<1x16xf32>,
      %swap3A_34 = arith.index_cast %scan3A_19 : i32 to index
      %swap3A_35 = arith.constant 48 : index
      %swap3A_36 = tpu.vector_load %arg11[%swap3A_34, %swap3A_35] {strides = array<i32>} : memref<128x128xf32, #tpu.memory_space<vmem>>, vector<1x16xf32>,
      %swap3A_37 = vector.shape_cast %swap3A_36 : vector<1x16xf32> to vector<16xf32>
      %swap3A_38 = vector.shape_cast %broadcast_in_dim3A_0 : vector<16xf32> to vector<1x16xf32>
      tpu.vector_store %arg11[%swap3A_34, %swap3A_35], %swap3A_38 {strides = array<i32>} : memref<128x128xf32, #tpu.memory_space<vmem>>, vector<1x16xf32>,
      %swap3A_39 = arith.index_cast %scan3A_19 : i32 to index
      %swap3A_40 = arith.constant 64 : index
      %swap3A_41 = tpu.vector_load %arg11[%swap3A_39, %swap3A_40] {strides = array<i32>} : memref<128x128xf32, #tpu.memory_space<vmem>>, vector<1x16xf32>,
      %swap3A_42 = vector.shape_cast %swap3A_41 : vector<1x16xf32> to vector<16xf32>
      %swap3A_43 = vector.shape_cast %broadcast_in_dim3A_0 : vector<16xf32> to vector<1x16xf32>
      tpu.vector_store %arg11[%swap3A_39, %swap3A_40], %swap3A_43 {strides = array<i32>} : memref<128x128xf32, #tpu.memory_space<vmem>>, vector<1x16xf32>,
      %swap3A_44 = arith.index_cast %scan3A_19 : i32 to index
      %swap3A_45 = arith.constant 80 : index
      %swap3A_46 = tpu.vector_load %arg11[%swap3A_44, %swap3A_45] {strides = array<i32>} : memref<128x128xf32, #tpu.memory_space<vmem>>, vector<1x16xf32>,
      %swap3A_47 = vector.shape_cast %swap3A_46 : vector<1x16xf32> to vector<16xf32>
      %swap3A_48 = vector.shape_cast %broadcast_in_dim3A_0 : vector<16xf32> to vector<1x16xf32>
      tpu.vector_store %arg11[%swap3A_44, %swap3A_45], %swap3A_48 {strides = array<i32>} : memref<128x128xf32, #tpu.memory_space<vmem>>, vector<1x16xf32>,
      %swap3A_49 = arith.index_cast %scan3A_19 : i32 to index
      %swap3A_50 = arith.constant 96 : index
      %swap3A_51 = tpu.vector_load %arg11[%swap3A_49, %swap3A_50] {strides = array<i32>} : memref<128x128xf32, #tpu.memory_space<vmem>>, vector<1x16xf32>,
      %swap3A_52 = vector.shape_cast %swap3A_51 : vector<1x16xf32> to vector<16xf32>
      %swap3A_53 = vector.shape_cast %broadcast_in_dim3A_0 : vector<16xf32> to vector<1x16xf32>
      tpu.vector_store %arg11[%swap3A_49, %swap3A_50], %swap3A_53 {strides = array<i32>} : memref<128x128xf32, #tpu.memory_space<vmem>>, vector<1x16xf32>,
      %swap3A_54 = arith.index_cast %scan3A_19 : i32 to index
      %swap3A_55 = arith.constant 112 : index
      %swap3A_56 = tpu.vector_load %arg11[%swap3A_54, %swap3A_55] {strides = array<i32>} : memref<128x128xf32, #tpu.memory_space<vmem>>, vector<1x16xf32>,
      %swap3A_57 = vector.shape_cast %swap3A_56 : vector<1x16xf32> to vector<16xf32>
      %swap3A_58 = vector.shape_cast %broadcast_in_dim3A_0 : vector<16xf32> to vector<1x16xf32>
      tpu.vector_store %arg11[%swap3A_54, %swap3A_55], %swap3A_58 {strides = array<i32>} : memref<128x128xf32, #tpu.memory_space<vmem>>, vector<1x16xf32>,
    }
    %scan3A_5 = arith.constant 128 : i32
    %scan3A_6 = arith.constant 0 : i32
    %scan3A_7 = arith.constant 0 : i32
    %scan3A_8 = arith.constant 5 : i32
    %scan3A_9 = arith.addi %scan3A_7, %scan3A_8 : i32
    %scan3A_10 = arith.constant 1 : i32
    scf.for %scan3A_19 = %scan3A_7 to %scan3A_9 step %scan3A_10  : i32 {
      %mul3A = arith.constant 640 : i32
      %mul3A_20 = arith.muli %arg1, %mul3A : i32
      %mul3A_21 = arith.constant 128 : i32
      %mul3A_22 = arith.muli %scan3A_19, %mul3A_21 : i32
      %add3A = arith.addi %mul3A_20, %mul3A_22 : i32
      "tpu.region"() ({
        %run_scoped3A = tpu.sem_alloc : memref<!tpu.dma_semaphore, #tpu.memory_space<semaphore_mem>>
        %dma_start3A = arith.constant 0 : i32
        %dma_start3A_23 = tpu.memref_slice %arg8[%add3A, %dma_start3A] : memref<10240x128xf32, #tpu.memory_space<vmem_shared>> -> memref<128x128xf32, #tpu.memory_space<vmem_shared>>
        %dma_start3A_24 = arith.constant 0 : i32
        %dma_start3A_25 = tpu.memref_slice %arg8[%add3A, %dma_start3A_24] : memref<10240x128xf32, #tpu.memory_space<vmem_shared>> -> memref<128x128xf32, #tpu.memory_space<vmem_shared>>
        tpu.enqueue_dma source(%arg11 : memref<128x128xf32, #tpu.memory_space<vmem>>) target(%dma_start3A_25 : memref<128x128xf32, #tpu.memory_space<vmem_shared>>) target_semaphore(%run_scoped3A : memref<!tpu.dma_semaphore, #tpu.memory_space<semaphore_mem>>)
        %dma_wait3A = arith.constant 0 : i32
        %dma_wait3A_26 = tpu.memref_slice %arg8[%add3A, %dma_wait3A] : memref<10240x128xf32, #tpu.memory_space<vmem_shared>> -> memref<128x128xf32, #tpu.memory_space<vmem_shared>>
        %dma_wait3A_27 = arith.constant 0 : i32
        %dma_wait3A_28 = tpu.memref_slice %arg8[%add3A, %dma_wait3A_27] : memref<10240x128xf32, #tpu.memory_space<vmem_shared>> -> memref<128x128xf32, #tpu.memory_space<vmem_shared>>
        tpu.wait_dma2 semaphore(%run_scoped3A : memref<!tpu.dma_semaphore, #tpu.memory_space<semaphore_mem>>) src(%arg11 : memref<128x128xf32, #tpu.memory_space<vmem>>) dst(%dma_wait3A_28 : memref<128x128xf32, #tpu.memory_space<vmem_shared>>)
        tpu.yield
      }) : () -> ()
    }
    %scan3A_11 = arith.constant 5 : i32
    %barrier3A = arith.constant 0 : index
    tpu.barrier barrier_id(%barrier3A)
    %eq3A = arith.constant 0 : i32
    %eq3A_12 = arith.cmpi eq, %arg0, %eq3A : i32
    %convert_element_type3A = arith.extui %eq3A_12 : i1 to i32
    %cond3A = arith.constant 0 : i32
    %cond3A_13 = arith.cmpi ne, %convert_element_type3A, %cond3A : i32
    scf.if %cond3A_13 {
      %scan3A_19 = arith.constant 0 : i32
      %scan3A_20 = arith.constant 0 : i32
      %scan3A_21 = arith.constant 10 : i32
      %scan3A_22 = arith.addi %scan3A_20, %scan3A_21 : i32
      %scan3A_23 = arith.constant 1 : i32
      scf.for %scan3A_29 = %scan3A_20 to %scan3A_22 step %scan3A_23  : i32 {
        "tpu.region"() ({
          %run_scoped3A = tpu.sem_alloc : memref<!tpu.dma_semaphore, #tpu.memory_space<semaphore_mem>>
          %dma_start3A_476 = arith.constant 0 : i32
          %dma_start3A_477 = arith.constant 0 : i32
          %dma_start3A_478 = tpu.memref_slice %arg4[%arg1, %scan3A_29, %dma_start3A_476, %dma_start3A_477] : memref<16x10x16x128xi32, #tpu.memory_space<hbm>> -> memref<1x1x16x128xi32, #tpu.memory_space<hbm>>
          %dma_start3A_479 = tpu.memref_squeeze %dma_start3A_478 : memref<1x1x16x128xi32, #tpu.memory_space<hbm>> -> memref<16x128xi32, #tpu.memory_space<hbm>>
          %dma_start3A_480 = arith.constant 0 : i32
          %dma_start3A_481 = arith.constant 0 : i32
          %dma_start3A_482 = tpu.memref_slice %arg4[%arg1, %scan3A_29, %dma_start3A_480, %dma_start3A_481] : memref<16x10x16x128xi32, #tpu.memory_space<hbm>> -> memref<1x1x16x128xi32, #tpu.memory_space<hbm>>
          %dma_start3A_483 = tpu.memref_squeeze %dma_start3A_482 : memref<1x1x16x128xi32, #tpu.memory_space<hbm>> -> memref<16x128xi32, #tpu.memory_space<hbm>>
          tpu.enqueue_dma source(%dma_start3A_483 : memref<16x128xi32, #tpu.memory_space<hbm>>) target(%arg9 : memref<16x128xi32, #tpu.memory_space<vmem>>) target_semaphore(%run_scoped3A : memref<!tpu.dma_semaphore, #tpu.memory_space<semaphore_mem>>)
          %dma_wait3A_484 = arith.constant 0 : i32
          %dma_wait3A_485 = arith.constant 0 : i32
          %dma_wait3A_486 = tpu.memref_slice %arg4[%arg1, %scan3A_29, %dma_wait3A_484, %dma_wait3A_485] : memref<16x10x16x128xi32, #tpu.memory_space<hbm>> -> memref<1x1x16x128xi32, #tpu.memory_space<hbm>>
          %dma_wait3A_487 = tpu.memref_squeeze %dma_wait3A_486 : memref<1x1x16x128xi32, #tpu.memory_space<hbm>> -> memref<16x128xi32, #tpu.memory_space<hbm>>
          %dma_wait3A_488 = arith.constant 0 : i32
          %dma_wait3A_489 = arith.constant 0 : i32
          %dma_wait3A_490 = tpu.memref_slice %arg4[%arg1, %scan3A_29, %dma_wait3A_488, %dma_wait3A_489] : memref<16x10x16x128xi32, #tpu.memory_space<hbm>> -> memref<1x1x16x128xi32, #tpu.memory_space<hbm>>
          %dma_wait3A_491 = tpu.memref_squeeze %dma_wait3A_490 : memref<1x1x16x128xi32, #tpu.memory_space<hbm>> -> memref<16x128xi32, #tpu.memory_space<hbm>>
          tpu.wait_dma2 semaphore(%run_scoped3A : memref<!tpu.dma_semaphore, #tpu.memory_space<semaphore_mem>>) src(%dma_wait3A_491 : memref<16x128xi32, #tpu.memory_space<hbm>>) dst(%arg9 : memref<16x128xi32, #tpu.memory_space<vmem>>)
          tpu.yield
        }) : () -> ()
        "tpu.region"() ({
          %run_scoped3A = tpu.sem_alloc : memref<!tpu.dma_semaphore, #tpu.memory_space<semaphore_mem>>
          %dma_start3A_476 = arith.constant 0 : i32
          %dma_start3A_477 = arith.constant 0 : i32
          %dma_start3A_478 = tpu.memref_slice %arg5[%arg1, %scan3A_29, %dma_start3A_476, %dma_start3A_477] : memref<16x10x16x128xi32, #tpu.memory_space<hbm>> -> memref<1x1x16x128xi32, #tpu.memory_space<hbm>>
          %dma_start3A_479 = tpu.memref_squeeze %dma_start3A_478 : memref<1x1x16x128xi32, #tpu.memory_space<hbm>> -> memref<16x128xi32, #tpu.memory_space<hbm>>
          %dma_start3A_480 = arith.constant 0 : i32
          %dma_start3A_481 = arith.constant 0 : i32
          %dma_start3A_482 = tpu.memref_slice %arg5[%arg1, %scan3A_29, %dma_start3A_480, %dma_start3A_481] : memref<16x10x16x128xi32, #tpu.memory_space<hbm>> -> memref<1x1x16x128xi32, #tpu.memory_space<hbm>>
          %dma_start3A_483 = tpu.memref_squeeze %dma_start3A_482 : memref<1x1x16x128xi32, #tpu.memory_space<hbm>> -> memref<16x128xi32, #tpu.memory_space<hbm>>
          tpu.enqueue_dma source(%dma_start3A_483 : memref<16x128xi32, #tpu.memory_space<hbm>>) target(%arg10 : memref<16x128xi32, #tpu.memory_space<vmem>>) target_semaphore(%run_scoped3A : memref<!tpu.dma_semaphore, #tpu.memory_space<semaphore_mem>>)
          %dma_wait3A_484 = arith.constant 0 : i32
          %dma_wait3A_485 = arith.constant 0 : i32
          %dma_wait3A_486 = tpu.memref_slice %arg5[%arg1, %scan3A_29, %dma_wait3A_484, %dma_wait3A_485] : memref<16x10x16x128xi32, #tpu.memory_space<hbm>> -> memref<1x1x16x128xi32, #tpu.memory_space<hbm>>
          %dma_wait3A_487 = tpu.memref_squeeze %dma_wait3A_486 : memref<1x1x16x128xi32, #tpu.memory_space<hbm>> -> memref<16x128xi32, #tpu.memory_space<hbm>>
          %dma_wait3A_488 = arith.constant 0 : i32
          %dma_wait3A_489 = arith.constant 0 : i32
          %dma_wait3A_490 = tpu.memref_slice %arg5[%arg1, %scan3A_29, %dma_wait3A_488, %dma_wait3A_489] : memref<16x10x16x128xi32, #tpu.memory_space<hbm>> -> memref<1x1x16x128xi32, #tpu.memory_space<hbm>>
          %dma_wait3A_491 = tpu.memref_squeeze %dma_wait3A_490 : memref<1x1x16x128xi32, #tpu.memory_space<hbm>> -> memref<16x128xi32, #tpu.memory_space<hbm>>
          tpu.wait_dma2 semaphore(%run_scoped3A : memref<!tpu.dma_semaphore, #tpu.memory_space<semaphore_mem>>) src(%dma_wait3A_491 : memref<16x128xi32, #tpu.memory_space<hbm>>) dst(%arg10 : memref<16x128xi32, #tpu.memory_space<vmem>>)
          tpu.yield
        }) : () -> ()
        %dma_start3A = arith.constant 0 : i32
        %dma_start3A_30 = arith.constant 0 : i32
        %dma_start3A_31 = tpu.memref_slice %arg9[%dma_start3A, %dma_start3A_30] : memref<16x128xi32, #tpu.memory_space<vmem>> -> memref<1x128xi32, #tpu.memory_space<vmem>>
        %dma_start3A_32 = tpu.memref_squeeze %dma_start3A_31 : memref<1x128xi32, #tpu.memory_space<vmem>> -> memref<128xi32, #tpu.memory_space<vmem>>
        %dma_start3A_33 = arith.constant 0 : i32
        %dma_start3A_34 = arith.constant 0 : i32
        %dma_start3A_35 = tpu.memref_slice %arg2[%dma_start3A_33, %dma_start3A_34] : memref<10000x128xf32, #tpu.memory_space<hbm>> -> memref<10000x128xf32, #tpu.memory_space<hbm>>
        tpu.enqueue_indirect_dma source(%dma_start3A_35 : memref<10000x128xf32, #tpu.memory_space<hbm>>) target(%arg11 : memref<128x128xf32, #tpu.memory_space<vmem>>) offsets(%dma_start3A_32 : memref<128xi32, #tpu.memory_space<vmem>>) semaphore(%arg13 : memref<!tpu.dma_semaphore, #tpu.memory_space<semaphore_mem>>)
        %dma_start3A_36 = arith.constant 1 : i32
        %dma_start3A_37 = arith.constant 0 : i32
        %dma_start3A_38 = tpu.memref_slice %arg9[%dma_start3A_36, %dma_start3A_37] : memref<16x128xi32, #tpu.memory_space<vmem>> -> memref<1x128xi32, #tpu.memory_space<vmem>>
        %dma_start3A_39 = tpu.memref_squeeze %dma_start3A_38 : memref<1x128xi32, #tpu.memory_space<vmem>> -> memref<128xi32, #tpu.memory_space<vmem>>
        %dma_start3A_40 = arith.constant 0 : i32
        %dma_start3A_41 = arith.constant 0 : i32
        %dma_start3A_42 = tpu.memref_slice %arg2[%dma_start3A_40, %dma_start3A_41] : memref<10000x128xf32, #tpu.memory_space<hbm>> -> memref<10000x128xf32, #tpu.memory_space<hbm>>
        tpu.enqueue_indirect_dma source(%dma_start3A_42 : memref<10000x128xf32, #tpu.memory_space<hbm>>) target(%arg12 : memref<128x128xf32, #tpu.memory_space<vmem>>) offsets(%dma_start3A_39 : memref<128xi32, #tpu.memory_space<vmem>>) semaphore(%arg14 : memref<!tpu.dma_semaphore, #tpu.memory_space<semaphore_mem>>)
        %dma_wait3A = arith.constant 0 : i32
        %dma_wait3A_43 = arith.constant 0 : i32
        %dma_wait3A_44 = tpu.memref_slice %arg9[%dma_wait3A, %dma_wait3A_43] : memref<16x128xi32, #tpu.memory_space<vmem>> -> memref<1x128xi32, #tpu.memory_space<vmem>>
        %dma_wait3A_45 = tpu.memref_squeeze %dma_wait3A_44 : memref<1x128xi32, #tpu.memory_space<vmem>> -> memref<128xi32, #tpu.memory_space<vmem>>
        %dma_wait3A_46 = arith.constant 0 : i32
        %dma_wait3A_47 = arith.constant 0 : i32
        %dma_wait3A_48 = tpu.memref_slice %arg2[%dma_wait3A_46, %dma_wait3A_47] : memref<10000x128xf32, #tpu.memory_space<hbm>> -> memref<10000x128xf32, #tpu.memory_space<hbm>>
        tpu.wait_indirect_dma semaphore(%arg13 : memref<!tpu.dma_semaphore, #tpu.memory_space<semaphore_mem>>) src(%dma_wait3A_48 : memref<10000x128xf32, #tpu.memory_space<hbm>>) dst(%arg11 : memref<128x128xf32, #tpu.memory_space<vmem>>)
        %dma_start3A_49 = arith.constant 0 : i32
        %dma_start3A_50 = arith.constant 0 : i32
        %dma_start3A_51 = tpu.memref_slice %arg10[%dma_start3A_49, %dma_start3A_50] : memref<16x128xi32, #tpu.memory_space<vmem>> -> memref<1x128xi32, #tpu.memory_space<vmem>>
        %dma_start3A_52 = tpu.memref_squeeze %dma_start3A_51 : memref<1x128xi32, #tpu.memory_space<vmem>> -> memref<128xi32, #tpu.memory_space<vmem>>
        %dma_start3A_53 = arith.constant 0 : i32
        %dma_start3A_54 = arith.constant 0 : i32
        %dma_start3A_55 = tpu.memref_slice %arg8[%dma_start3A_53, %dma_start3A_54] : memref<10240x128xf32, #tpu.memory_space<vmem_shared>> -> memref<10240x128xf32, #tpu.memory_space<vmem_shared>>
        tpu.enqueue_indirect_dma source(%arg11 : memref<128x128xf32, #tpu.memory_space<vmem>>) target(%dma_start3A_55 : memref<10240x128xf32, #tpu.memory_space<vmem_shared>>) offsets(%dma_start3A_52 : memref<128xi32, #tpu.memory_space<vmem>>) semaphore(%arg15 : memref<!tpu.dma_semaphore, #tpu.memory_space<semaphore_mem>>) {add = true}
        %dma_wait3A_56 = arith.constant 0 : i32
        %dma_wait3A_57 = arith.constant 0 : i32
        %dma_wait3A_58 = tpu.memref_slice %arg10[%dma_wait3A_56, %dma_wait3A_57] : memref<16x128xi32, #tpu.memory_space<vmem>> -> memref<1x128xi32, #tpu.memory_space<vmem>>
        %dma_wait3A_59 = tpu.memref_squeeze %dma_wait3A_58 : memref<1x128xi32, #tpu.memory_space<vmem>> -> memref<128xi32, #tpu.memory_space<vmem>>
        %dma_wait3A_60 = arith.constant 0 : i32
        %dma_wait3A_61 = arith.constant 0 : i32
        %dma_wait3A_62 = tpu.memref_slice %arg8[%dma_wait3A_60, %dma_wait3A_61] : memref<10240x128xf32, #tpu.memory_space<vmem_shared>> -> memref<10240x128xf32, #tpu.memory_space<vmem_shared>>
        tpu.wait_indirect_dma semaphore(%arg15 : memref<!tpu.dma_semaphore, #tpu.memory_space<semaphore_mem>>) src(%arg11 : memref<128x128xf32, #tpu.memory_space<vmem>>) dst(%dma_wait3A_62 : memref<10240x128xf32, #tpu.memory_space<vmem_shared>>)
        %dma_start3A_63 = arith.constant 2 : i32
        %dma_start3A_64 = arith.constant 0 : i32
        %dma_start3A_65 = tpu.memref_slice %arg9[%dma_start3A_63, %dma_start3A_64] : memref<16x128xi32, #tpu.memory_space<vmem>> -> memref<1x128xi32, #tpu.memory_space<vmem>>
        %dma_start3A_66 = tpu.memref_squeeze %dma_start3A_65 : memref<1x128xi32, #tpu.memory_space<vmem>> -> memref<128xi32, #tpu.memory_space<vmem>>
        %dma_start3A_67 = arith.constant 0 : i32
        %dma_start3A_68 = arith.constant 0 : i32
        %dma_start3A_69 = tpu.memref_slice %arg2[%dma_start3A_67, %dma_start3A_68] : memref<10000x128xf32, #tpu.memory_space<hbm>> -> memref<10000x128xf32, #tpu.memory_space<hbm>>
        tpu.enqueue_indirect_dma source(%dma_start3A_69 : memref<10000x128xf32, #tpu.memory_space<hbm>>) target(%arg11 : memref<128x128xf32, #tpu.memory_space<vmem>>) offsets(%dma_start3A_66 : memref<128xi32, #tpu.memory_space<vmem>>) semaphore(%arg13 : memref<!tpu.dma_semaphore, #tpu.memory_space<semaphore_mem>>)
        %dma_wait3A_70 = arith.constant 1 : i32
        %dma_wait3A_71 = arith.constant 0 : i32
        %dma_wait3A_72 = tpu.memref_slice %arg9[%dma_wait3A_70, %dma_wait3A_71] : memref<16x128xi32, #tpu.memory_space<vmem>> -> memref<1x128xi32, #tpu.memory_space<vmem>>
        %dma_wait3A_73 = tpu.memref_squeeze %dma_wait3A_72 : memref<1x128xi32, #tpu.memory_space<vmem>> -> memref<128xi32, #tpu.memory_space<vmem>>
        %dma_wait3A_74 = arith.constant 0 : i32
        %dma_wait3A_75 = arith.constant 0 : i32
        %dma_wait3A_76 = tpu.memref_slice %arg2[%dma_wait3A_74, %dma_wait3A_75] : memref<10000x128xf32, #tpu.memory_space<hbm>> -> memref<10000x128xf32, #tpu.memory_space<hbm>>
        tpu.wait_indirect_dma semaphore(%arg14 : memref<!tpu.dma_semaphore, #tpu.memory_space<semaphore_mem>>) src(%dma_wait3A_76 : memref<10000x128xf32, #tpu.memory_space<hbm>>) dst(%arg12 : memref<128x128xf32, #tpu.memory_space<vmem>>)
        %dma_start3A_77 = arith.constant 1 : i32
        %dma_start3A_78 = arith.constant 0 : i32
        %dma_start3A_79 = tpu.memref_slice %arg10[%dma_start3A_77, %dma_start3A_78] : memref<16x128xi32, #tpu.memory_space<vmem>> -> memref<1x128xi32, #tpu.memory_space<vmem>>
        %dma_start3A_80 = tpu.memref_squeeze %dma_start3A_79 : memref<1x128xi32, #tpu.memory_space<vmem>> -> memref<128xi32, #tpu.memory_space<vmem>>
        %dma_start3A_81 = arith.constant 0 : i32
        %dma_start3A_82 = arith.constant 0 : i32
        %dma_start3A_83 = tpu.memref_slice %arg8[%dma_start3A_81, %dma_start3A_82] : memref<10240x128xf32, #tpu.memory_space<vmem_shared>> -> memref<10240x128xf32, #tpu.memory_space<vmem_shared>>
        tpu.enqueue_indirect_dma source(%arg12 : memref<128x128xf32, #tpu.memory_space<vmem>>) target(%dma_start3A_83 : memref<10240x128xf32, #tpu.memory_space<vmem_shared>>) offsets(%dma_start3A_80 : memref<128xi32, #tpu.memory_space<vmem>>) semaphore(%arg16 : memref<!tpu.dma_semaphore, #tpu.memory_space<semaphore_mem>>) {add = true}
        %dma_wait3A_84 = arith.constant 1 : i32
        %dma_wait3A_85 = arith.constant 0 : i32
        %dma_wait3A_86 = tpu.memref_slice %arg10[%dma_wait3A_84, %dma_wait3A_85] : memref<16x128xi32, #tpu.memory_space<vmem>> -> memref<1x128xi32, #tpu.memory_space<vmem>>
        %dma_wait3A_87 = tpu.memref_squeeze %dma_wait3A_86 : memref<1x128xi32, #tpu.memory_space<vmem>> -> memref<128xi32, #tpu.memory_space<vmem>>
        %dma_wait3A_88 = arith.constant 0 : i32
        %dma_wait3A_89 = arith.constant 0 : i32
        %dma_wait3A_90 = tpu.memref_slice %arg8[%dma_wait3A_88, %dma_wait3A_89] : memref<10240x128xf32, #tpu.memory_space<vmem_shared>> -> memref<10240x128xf32, #tpu.memory_space<vmem_shared>>
        tpu.wait_indirect_dma semaphore(%arg16 : memref<!tpu.dma_semaphore, #tpu.memory_space<semaphore_mem>>) src(%arg12 : memref<128x128xf32, #tpu.memory_space<vmem>>) dst(%dma_wait3A_90 : memref<10240x128xf32, #tpu.memory_space<vmem_shared>>)
        %dma_start3A_91 = arith.constant 3 : i32
        %dma_start3A_92 = arith.constant 0 : i32
        %dma_start3A_93 = tpu.memref_slice %arg9[%dma_start3A_91, %dma_start3A_92] : memref<16x128xi32, #tpu.memory_space<vmem>> -> memref<1x128xi32, #tpu.memory_space<vmem>>
        %dma_start3A_94 = tpu.memref_squeeze %dma_start3A_93 : memref<1x128xi32, #tpu.memory_space<vmem>> -> memref<128xi32, #tpu.memory_space<vmem>>
        %dma_start3A_95 = arith.constant 0 : i32
        %dma_start3A_96 = arith.constant 0 : i32
        %dma_start3A_97 = tpu.memref_slice %arg2[%dma_start3A_95, %dma_start3A_96] : memref<10000x128xf32, #tpu.memory_space<hbm>> -> memref<10000x128xf32, #tpu.memory_space<hbm>>
        tpu.enqueue_indirect_dma source(%dma_start3A_97 : memref<10000x128xf32, #tpu.memory_space<hbm>>) target(%arg12 : memref<128x128xf32, #tpu.memory_space<vmem>>) offsets(%dma_start3A_94 : memref<128xi32, #tpu.memory_space<vmem>>) semaphore(%arg14 : memref<!tpu.dma_semaphore, #tpu.memory_space<semaphore_mem>>)
        %dma_wait3A_98 = arith.constant 2 : i32
        %dma_wait3A_99 = arith.constant 0 : i32
        %dma_wait3A_100 = tpu.memref_slice %arg9[%dma_wait3A_98, %dma_wait3A_99] : memref<16x128xi32, #tpu.memory_space<vmem>> -> memref<1x128xi32, #tpu.memory_space<vmem>>
        %dma_wait3A_101 = tpu.memref_squeeze %dma_wait3A_100 : memref<1x128xi32, #tpu.memory_space<vmem>> -> memref<128xi32, #tpu.memory_space<vmem>>
        %dma_wait3A_102 = arith.constant 0 : i32
        %dma_wait3A_103 = arith.constant 0 : i32
        %dma_wait3A_104 = tpu.memref_slice %arg2[%dma_wait3A_102, %dma_wait3A_103] : memref<10000x128xf32, #tpu.memory_space<hbm>> -> memref<10000x128xf32, #tpu.memory_space<hbm>>
        tpu.wait_indirect_dma semaphore(%arg13 : memref<!tpu.dma_semaphore, #tpu.memory_space<semaphore_mem>>) src(%dma_wait3A_104 : memref<10000x128xf32, #tpu.memory_space<hbm>>) dst(%arg11 : memref<128x128xf32, #tpu.memory_space<vmem>>)
        %dma_start3A_105 = arith.constant 2 : i32
        %dma_start3A_106 = arith.constant 0 : i32
        %dma_start3A_107 = tpu.memref_slice %arg10[%dma_start3A_105, %dma_start3A_106] : memref<16x128xi32, #tpu.memory_space<vmem>> -> memref<1x128xi32, #tpu.memory_space<vmem>>
        %dma_start3A_108 = tpu.memref_squeeze %dma_start3A_107 : memref<1x128xi32, #tpu.memory_space<vmem>> -> memref<128xi32, #tpu.memory_space<vmem>>
        %dma_start3A_109 = arith.constant 0 : i32
        %dma_start3A_110 = arith.constant 0 : i32
        %dma_start3A_111 = tpu.memref_slice %arg8[%dma_start3A_109, %dma_start3A_110] : memref<10240x128xf32, #tpu.memory_space<vmem_shared>> -> memref<10240x128xf32, #tpu.memory_space<vmem_shared>>
        tpu.enqueue_indirect_dma source(%arg11 : memref<128x128xf32, #tpu.memory_space<vmem>>) target(%dma_start3A_111 : memref<10240x128xf32, #tpu.memory_space<vmem_shared>>) offsets(%dma_start3A_108 : memref<128xi32, #tpu.memory_space<vmem>>) semaphore(%arg15 : memref<!tpu.dma_semaphore, #tpu.memory_space<semaphore_mem>>) {add = true}
        %dma_wait3A_112 = arith.constant 2 : i32
        %dma_wait3A_113 = arith.constant 0 : i32
        %dma_wait3A_114 = tpu.memref_slice %arg10[%dma_wait3A_112, %dma_wait3A_113] : memref<16x128xi32, #tpu.memory_space<vmem>> -> memref<1x128xi32, #tpu.memory_space<vmem>>
        %dma_wait3A_115 = tpu.memref_squeeze %dma_wait3A_114 : memref<1x128xi32, #tpu.memory_space<vmem>> -> memref<128xi32, #tpu.memory_space<vmem>>
        %dma_wait3A_116 = arith.constant 0 : i32
        %dma_wait3A_117 = arith.constant 0 : i32
        %dma_wait3A_118 = tpu.memref_slice %arg8[%dma_wait3A_116, %dma_wait3A_117] : memref<10240x128xf32, #tpu.memory_space<vmem_shared>> -> memref<10240x128xf32, #tpu.memory_space<vmem_shared>>
        tpu.wait_indirect_dma semaphore(%arg15 : memref<!tpu.dma_semaphore, #tpu.memory_space<semaphore_mem>>) src(%arg11 : memref<128x128xf32, #tpu.memory_space<vmem>>) dst(%dma_wait3A_118 : memref<10240x128xf32, #tpu.memory_space<vmem_shared>>)
        %dma_start3A_119 = arith.constant 4 : i32
        %dma_start3A_120 = arith.constant 0 : i32
        %dma_start3A_121 = tpu.memref_slice %arg9[%dma_start3A_119, %dma_start3A_120] : memref<16x128xi32, #tpu.memory_space<vmem>> -> memref<1x128xi32, #tpu.memory_space<vmem>>
        %dma_start3A_122 = tpu.memref_squeeze %dma_start3A_121 : memref<1x128xi32, #tpu.memory_space<vmem>> -> memref<128xi32, #tpu.memory_space<vmem>>
        %dma_start3A_123 = arith.constant 0 : i32
        %dma_start3A_124 = arith.constant 0 : i32
        %dma_start3A_125 = tpu.memref_slice %arg2[%dma_start3A_123, %dma_start3A_124] : memref<10000x128xf32, #tpu.memory_space<hbm>> -> memref<10000x128xf32, #tpu.memory_space<hbm>>
        tpu.enqueue_indirect_dma source(%dma_start3A_125 : memref<10000x128xf32, #tpu.memory_space<hbm>>) target(%arg11 : memref<128x128xf32, #tpu.memory_space<vmem>>) offsets(%dma_start3A_122 : memref<128xi32, #tpu.memory_space<vmem>>) semaphore(%arg13 : memref<!tpu.dma_semaphore, #tpu.memory_space<semaphore_mem>>)
        %dma_wait3A_126 = arith.constant 3 : i32
        %dma_wait3A_127 = arith.constant 0 : i32
        %dma_wait3A_128 = tpu.memref_slice %arg9[%dma_wait3A_126, %dma_wait3A_127] : memref<16x128xi32, #tpu.memory_space<vmem>> -> memref<1x128xi32, #tpu.memory_space<vmem>>
        %dma_wait3A_129 = tpu.memref_squeeze %dma_wait3A_128 : memref<1x128xi32, #tpu.memory_space<vmem>> -> memref<128xi32, #tpu.memory_space<vmem>>
        %dma_wait3A_130 = arith.constant 0 : i32
        %dma_wait3A_131 = arith.constant 0 : i32
        %dma_wait3A_132 = tpu.memref_slice %arg2[%dma_wait3A_130, %dma_wait3A_131] : memref<10000x128xf32, #tpu.memory_space<hbm>> -> memref<10000x128xf32, #tpu.memory_space<hbm>>
        tpu.wait_indirect_dma semaphore(%arg14 : memref<!tpu.dma_semaphore, #tpu.memory_space<semaphore_mem>>) src(%dma_wait3A_132 : memref<10000x128xf32, #tpu.memory_space<hbm>>) dst(%arg12 : memref<128x128xf32, #tpu.memory_space<vmem>>)
        %dma_start3A_133 = arith.constant 3 : i32
        %dma_start3A_134 = arith.constant 0 : i32
        %dma_start3A_135 = tpu.memref_slice %arg10[%dma_start3A_133, %dma_start3A_134] : memref<16x128xi32, #tpu.memory_space<vmem>> -> memref<1x128xi32, #tpu.memory_space<vmem>>
        %dma_start3A_136 = tpu.memref_squeeze %dma_start3A_135 : memref<1x128xi32, #tpu.memory_space<vmem>> -> memref<128xi32, #tpu.memory_space<vmem>>
        %dma_start3A_137 = arith.constant 0 : i32
        %dma_start3A_138 = arith.constant 0 : i32
        %dma_start3A_139 = tpu.memref_slice %arg8[%dma_start3A_137, %dma_start3A_138] : memref<10240x128xf32, #tpu.memory_space<vmem_shared>> -> memref<10240x128xf32, #tpu.memory_space<vmem_shared>>
        tpu.enqueue_indirect_dma source(%arg12 : memref<128x128xf32, #tpu.memory_space<vmem>>) target(%dma_start3A_139 : memref<10240x128xf32, #tpu.memory_space<vmem_shared>>) offsets(%dma_start3A_136 : memref<128xi32, #tpu.memory_space<vmem>>) semaphore(%arg16 : memref<!tpu.dma_semaphore, #tpu.memory_space<semaphore_mem>>) {add = true}
        %dma_wait3A_140 = arith.constant 3 : i32
        %dma_wait3A_141 = arith.constant 0 : i32
        %dma_wait3A_142 = tpu.memref_slice %arg10[%dma_wait3A_140, %dma_wait3A_141] : memref<16x128xi32, #tpu.memory_space<vmem>> -> memref<1x128xi32, #tpu.memory_space<vmem>>
        %dma_wait3A_143 = tpu.memref_squeeze %dma_wait3A_142 : memref<1x128xi32, #tpu.memory_space<vmem>> -> memref<128xi32, #tpu.memory_space<vmem>>
        %dma_wait3A_144 = arith.constant 0 : i32
        %dma_wait3A_145 = arith.constant 0 : i32
        %dma_wait3A_146 = tpu.memref_slice %arg8[%dma_wait3A_144, %dma_wait3A_145] : memref<10240x128xf32, #tpu.memory_space<vmem_shared>> -> memref<10240x128xf32, #tpu.memory_space<vmem_shared>>
        tpu.wait_indirect_dma semaphore(%arg16 : memref<!tpu.dma_semaphore, #tpu.memory_space<semaphore_mem>>) src(%arg12 : memref<128x128xf32, #tpu.memory_space<vmem>>) dst(%dma_wait3A_146 : memref<10240x128xf32, #tpu.memory_space<vmem_shared>>)
        %dma_start3A_147 = arith.constant 5 : i32
        %dma_start3A_148 = arith.constant 0 : i32
        %dma_start3A_149 = tpu.memref_slice %arg9[%dma_start3A_147, %dma_start3A_148] : memref<16x128xi32, #tpu.memory_space<vmem>> -> memref<1x128xi32, #tpu.memory_space<vmem>>
        %dma_start3A_150 = tpu.memref_squeeze %dma_start3A_149 : memref<1x128xi32, #tpu.memory_space<vmem>> -> memref<128xi32, #tpu.memory_space<vmem>>
        %dma_start3A_151 = arith.constant 0 : i32
        %dma_start3A_152 = arith.constant 0 : i32
        %dma_start3A_153 = tpu.memref_slice %arg2[%dma_start3A_151, %dma_start3A_152] : memref<10000x128xf32, #tpu.memory_space<hbm>> -> memref<10000x128xf32, #tpu.memory_space<hbm>>
        tpu.enqueue_indirect_dma source(%dma_start3A_153 : memref<10000x128xf32, #tpu.memory_space<hbm>>) target(%arg12 : memref<128x128xf32, #tpu.memory_space<vmem>>) offsets(%dma_start3A_150 : memref<128xi32, #tpu.memory_space<vmem>>) semaphore(%arg14 : memref<!tpu.dma_semaphore, #tpu.memory_space<semaphore_mem>>)
        %dma_wait3A_154 = arith.constant 4 : i32
        %dma_wait3A_155 = arith.constant 0 : i32
        %dma_wait3A_156 = tpu.memref_slice %arg9[%dma_wait3A_154, %dma_wait3A_155] : memref<16x128xi32, #tpu.memory_space<vmem>> -> memref<1x128xi32, #tpu.memory_space<vmem>>
        %dma_wait3A_157 = tpu.memref_squeeze %dma_wait3A_156 : memref<1x128xi32, #tpu.memory_space<vmem>> -> memref<128xi32, #tpu.memory_space<vmem>>
        %dma_wait3A_158 = arith.constant 0 : i32
        %dma_wait3A_159 = arith.constant 0 : i32
        %dma_wait3A_160 = tpu.memref_slice %arg2[%dma_wait3A_158, %dma_wait3A_159] : memref<10000x128xf32, #tpu.memory_space<hbm>> -> memref<10000x128xf32, #tpu.memory_space<hbm>>
        tpu.wait_indirect_dma semaphore(%arg13 : memref<!tpu.dma_semaphore, #tpu.memory_space<semaphore_mem>>) src(%dma_wait3A_160 : memref<10000x128xf32, #tpu.memory_space<hbm>>) dst(%arg11 : memref<128x128xf32, #tpu.memory_space<vmem>>)
        %dma_start3A_161 = arith.constant 4 : i32
        %dma_start3A_162 = arith.constant 0 : i32
        %dma_start3A_163 = tpu.memref_slice %arg10[%dma_start3A_161, %dma_start3A_162] : memref<16x128xi32, #tpu.memory_space<vmem>> -> memref<1x128xi32, #tpu.memory_space<vmem>>
        %dma_start3A_164 = tpu.memref_squeeze %dma_start3A_163 : memref<1x128xi32, #tpu.memory_space<vmem>> -> memref<128xi32, #tpu.memory_space<vmem>>
        %dma_start3A_165 = arith.constant 0 : i32
        %dma_start3A_166 = arith.constant 0 : i32
        %dma_start3A_167 = tpu.memref_slice %arg8[%dma_start3A_165, %dma_start3A_166] : memref<10240x128xf32, #tpu.memory_space<vmem_shared>> -> memref<10240x128xf32, #tpu.memory_space<vmem_shared>>
        tpu.enqueue_indirect_dma source(%arg11 : memref<128x128xf32, #tpu.memory_space<vmem>>) target(%dma_start3A_167 : memref<10240x128xf32, #tpu.memory_space<vmem_shared>>) offsets(%dma_start3A_164 : memref<128xi32, #tpu.memory_space<vmem>>) semaphore(%arg15 : memref<!tpu.dma_semaphore, #tpu.memory_space<semaphore_mem>>) {add = true}
        %dma_wait3A_168 = arith.constant 4 : i32
        %dma_wait3A_169 = arith.constant 0 : i32
        %dma_wait3A_170 = tpu.memref_slice %arg10[%dma_wait3A_168, %dma_wait3A_169] : memref<16x128xi32, #tpu.memory_space<vmem>> -> memref<1x128xi32, #tpu.memory_space<vmem>>
        %dma_wait3A_171 = tpu.memref_squeeze %dma_wait3A_170 : memref<1x128xi32, #tpu.memory_space<vmem>> -> memref<128xi32, #tpu.memory_space<vmem>>
        %dma_wait3A_172 = arith.constant 0 : i32
        %dma_wait3A_173 = arith.constant 0 : i32
        %dma_wait3A_174 = tpu.memref_slice %arg8[%dma_wait3A_172, %dma_wait3A_173] : memref<10240x128xf32, #tpu.memory_space<vmem_shared>> -> memref<10240x128xf32, #tpu.memory_space<vmem_shared>>
        tpu.wait_indirect_dma semaphore(%arg15 : memref<!tpu.dma_semaphore, #tpu.memory_space<semaphore_mem>>) src(%arg11 : memref<128x128xf32, #tpu.memory_space<vmem>>) dst(%dma_wait3A_174 : memref<10240x128xf32, #tpu.memory_space<vmem_shared>>)
        %dma_start3A_175 = arith.constant 6 : i32
        %dma_start3A_176 = arith.constant 0 : i32
        %dma_start3A_177 = tpu.memref_slice %arg9[%dma_start3A_175, %dma_start3A_176] : memref<16x128xi32, #tpu.memory_space<vmem>> -> memref<1x128xi32, #tpu.memory_space<vmem>>
        %dma_start3A_178 = tpu.memref_squeeze %dma_start3A_177 : memref<1x128xi32, #tpu.memory_space<vmem>> -> memref<128xi32, #tpu.memory_space<vmem>>
        %dma_start3A_179 = arith.constant 0 : i32
        %dma_start3A_180 = arith.constant 0 : i32
        %dma_start3A_181 = tpu.memref_slice %arg2[%dma_start3A_179, %dma_start3A_180] : memref<10000x128xf32, #tpu.memory_space<hbm>> -> memref<10000x128xf32, #tpu.memory_space<hbm>>
        tpu.enqueue_indirect_dma source(%dma_start3A_181 : memref<10000x128xf32, #tpu.memory_space<hbm>>) target(%arg11 : memref<128x128xf32, #tpu.memory_space<vmem>>) offsets(%dma_start3A_178 : memref<128xi32, #tpu.memory_space<vmem>>) semaphore(%arg13 : memref<!tpu.dma_semaphore, #tpu.memory_space<semaphore_mem>>)
        %dma_wait3A_182 = arith.constant 5 : i32
        %dma_wait3A_183 = arith.constant 0 : i32
        %dma_wait3A_184 = tpu.memref_slice %arg9[%dma_wait3A_182, %dma_wait3A_183] : memref<16x128xi32, #tpu.memory_space<vmem>> -> memref<1x128xi32, #tpu.memory_space<vmem>>
        %dma_wait3A_185 = tpu.memref_squeeze %dma_wait3A_184 : memref<1x128xi32, #tpu.memory_space<vmem>> -> memref<128xi32, #tpu.memory_space<vmem>>
        %dma_wait3A_186 = arith.constant 0 : i32
        %dma_wait3A_187 = arith.constant 0 : i32
        %dma_wait3A_188 = tpu.memref_slice %arg2[%dma_wait3A_186, %dma_wait3A_187] : memref<10000x128xf32, #tpu.memory_space<hbm>> -> memref<10000x128xf32, #tpu.memory_space<hbm>>
        tpu.wait_indirect_dma semaphore(%arg14 : memref<!tpu.dma_semaphore, #tpu.memory_space<semaphore_mem>>) src(%dma_wait3A_188 : memref<10000x128xf32, #tpu.memory_space<hbm>>) dst(%arg12 : memref<128x128xf32, #tpu.memory_space<vmem>>)
        %dma_start3A_189 = arith.constant 5 : i32
        %dma_start3A_190 = arith.constant 0 : i32
        %dma_start3A_191 = tpu.memref_slice %arg10[%dma_start3A_189, %dma_start3A_190] : memref<16x128xi32, #tpu.memory_space<vmem>> -> memref<1x128xi32, #tpu.memory_space<vmem>>
        %dma_start3A_192 = tpu.memref_squeeze %dma_start3A_191 : memref<1x128xi32, #tpu.memory_space<vmem>> -> memref<128xi32, #tpu.memory_space<vmem>>
        %dma_start3A_193 = arith.constant 0 : i32
        %dma_start3A_194 = arith.constant 0 : i32
        %dma_start3A_195 = tpu.memref_slice %arg8[%dma_start3A_193, %dma_start3A_194] : memref<10240x128xf32, #tpu.memory_space<vmem_shared>> -> memref<10240x128xf32, #tpu.memory_space<vmem_shared>>
        tpu.enqueue_indirect_dma source(%arg12 : memref<128x128xf32, #tpu.memory_space<vmem>>) target(%dma_start3A_195 : memref<10240x128xf32, #tpu.memory_space<vmem_shared>>) offsets(%dma_start3A_192 : memref<128xi32, #tpu.memory_space<vmem>>) semaphore(%arg16 : memref<!tpu.dma_semaphore, #tpu.memory_space<semaphore_mem>>) {add = true}
        %dma_wait3A_196 = arith.constant 5 : i32
        %dma_wait3A_197 = arith.constant 0 : i32
        %dma_wait3A_198 = tpu.memref_slice %arg10[%dma_wait3A_196, %dma_wait3A_197] : memref<16x128xi32, #tpu.memory_space<vmem>> -> memref<1x128xi32, #tpu.memory_space<vmem>>
        %dma_wait3A_199 = tpu.memref_squeeze %dma_wait3A_198 : memref<1x128xi32, #tpu.memory_space<vmem>> -> memref<128xi32, #tpu.memory_space<vmem>>
        %dma_wait3A_200 = arith.constant 0 : i32
        %dma_wait3A_201 = arith.constant 0 : i32
        %dma_wait3A_202 = tpu.memref_slice %arg8[%dma_wait3A_200, %dma_wait3A_201] : memref<10240x128xf32, #tpu.memory_space<vmem_shared>> -> memref<10240x128xf32, #tpu.memory_space<vmem_shared>>
        tpu.wait_indirect_dma semaphore(%arg16 : memref<!tpu.dma_semaphore, #tpu.memory_space<semaphore_mem>>) src(%arg12 : memref<128x128xf32, #tpu.memory_space<vmem>>) dst(%dma_wait3A_202 : memref<10240x128xf32, #tpu.memory_space<vmem_shared>>)
        %dma_start3A_203 = arith.constant 7 : i32
        %dma_start3A_204 = arith.constant 0 : i32
        %dma_start3A_205 = tpu.memref_slice %arg9[%dma_start3A_203, %dma_start3A_204] : memref<16x128xi32, #tpu.memory_space<vmem>> -> memref<1x128xi32, #tpu.memory_space<vmem>>
        %dma_start3A_206 = tpu.memref_squeeze %dma_start3A_205 : memref<1x128xi32, #tpu.memory_space<vmem>> -> memref<128xi32, #tpu.memory_space<vmem>>
        %dma_start3A_207 = arith.constant 0 : i32
        %dma_start3A_208 = arith.constant 0 : i32
        %dma_start3A_209 = tpu.memref_slice %arg2[%dma_start3A_207, %dma_start3A_208] : memref<10000x128xf32, #tpu.memory_space<hbm>> -> memref<10000x128xf32, #tpu.memory_space<hbm>>
        tpu.enqueue_indirect_dma source(%dma_start3A_209 : memref<10000x128xf32, #tpu.memory_space<hbm>>) target(%arg12 : memref<128x128xf32, #tpu.memory_space<vmem>>) offsets(%dma_start3A_206 : memref<128xi32, #tpu.memory_space<vmem>>) semaphore(%arg14 : memref<!tpu.dma_semaphore, #tpu.memory_space<semaphore_mem>>)
        %dma_wait3A_210 = arith.constant 6 : i32
        %dma_wait3A_211 = arith.constant 0 : i32
        %dma_wait3A_212 = tpu.memref_slice %arg9[%dma_wait3A_210, %dma_wait3A_211] : memref<16x128xi32, #tpu.memory_space<vmem>> -> memref<1x128xi32, #tpu.memory_space<vmem>>
        %dma_wait3A_213 = tpu.memref_squeeze %dma_wait3A_212 : memref<1x128xi32, #tpu.memory_space<vmem>> -> memref<128xi32, #tpu.memory_space<vmem>>
        %dma_wait3A_214 = arith.constant 0 : i32
        %dma_wait3A_215 = arith.constant 0 : i32
        %dma_wait3A_216 = tpu.memref_slice %arg2[%dma_wait3A_214, %dma_wait3A_215] : memref<10000x128xf32, #tpu.memory_space<hbm>> -> memref<10000x128xf32, #tpu.memory_space<hbm>>
        tpu.wait_indirect_dma semaphore(%arg13 : memref<!tpu.dma_semaphore, #tpu.memory_space<semaphore_mem>>) src(%dma_wait3A_216 : memref<10000x128xf32, #tpu.memory_space<hbm>>) dst(%arg11 : memref<128x128xf32, #tpu.memory_space<vmem>>)
        %dma_start3A_217 = arith.constant 6 : i32
        %dma_start3A_218 = arith.constant 0 : i32
        %dma_start3A_219 = tpu.memref_slice %arg10[%dma_start3A_217, %dma_start3A_218] : memref<16x128xi32, #tpu.memory_space<vmem>> -> memref<1x128xi32, #tpu.memory_space<vmem>>
        %dma_start3A_220 = tpu.memref_squeeze %dma_start3A_219 : memref<1x128xi32, #tpu.memory_space<vmem>> -> memref<128xi32, #tpu.memory_space<vmem>>
        %dma_start3A_221 = arith.constant 0 : i32
        %dma_start3A_222 = arith.constant 0 : i32
        %dma_start3A_223 = tpu.memref_slice %arg8[%dma_start3A_221, %dma_start3A_222] : memref<10240x128xf32, #tpu.memory_space<vmem_shared>> -> memref<10240x128xf32, #tpu.memory_space<vmem_shared>>
        tpu.enqueue_indirect_dma source(%arg11 : memref<128x128xf32, #tpu.memory_space<vmem>>) target(%dma_start3A_223 : memref<10240x128xf32, #tpu.memory_space<vmem_shared>>) offsets(%dma_start3A_220 : memref<128xi32, #tpu.memory_space<vmem>>) semaphore(%arg15 : memref<!tpu.dma_semaphore, #tpu.memory_space<semaphore_mem>>) {add = true}
        %dma_wait3A_224 = arith.constant 6 : i32
        %dma_wait3A_225 = arith.constant 0 : i32
        %dma_wait3A_226 = tpu.memref_slice %arg10[%dma_wait3A_224, %dma_wait3A_225] : memref<16x128xi32, #tpu.memory_space<vmem>> -> memref<1x128xi32, #tpu.memory_space<vmem>>
        %dma_wait3A_227 = tpu.memref_squeeze %dma_wait3A_226 : memref<1x128xi32, #tpu.memory_space<vmem>> -> memref<128xi32, #tpu.memory_space<vmem>>
        %dma_wait3A_228 = arith.constant 0 : i32
        %dma_wait3A_229 = arith.constant 0 : i32
        %dma_wait3A_230 = tpu.memref_slice %arg8[%dma_wait3A_228, %dma_wait3A_229] : memref<10240x128xf32, #tpu.memory_space<vmem_shared>> -> memref<10240x128xf32, #tpu.memory_space<vmem_shared>>
        tpu.wait_indirect_dma semaphore(%arg15 : memref<!tpu.dma_semaphore, #tpu.memory_space<semaphore_mem>>) src(%arg11 : memref<128x128xf32, #tpu.memory_space<vmem>>) dst(%dma_wait3A_230 : memref<10240x128xf32, #tpu.memory_space<vmem_shared>>)
        %dma_start3A_231 = arith.constant 8 : i32
        %dma_start3A_232 = arith.constant 0 : i32
        %dma_start3A_233 = tpu.memref_slice %arg9[%dma_start3A_231, %dma_start3A_232] : memref<16x128xi32, #tpu.memory_space<vmem>> -> memref<1x128xi32, #tpu.memory_space<vmem>>
        %dma_start3A_234 = tpu.memref_squeeze %dma_start3A_233 : memref<1x128xi32, #tpu.memory_space<vmem>> -> memref<128xi32, #tpu.memory_space<vmem>>
        %dma_start3A_235 = arith.constant 0 : i32
        %dma_start3A_236 = arith.constant 0 : i32
        %dma_start3A_237 = tpu.memref_slice %arg2[%dma_start3A_235, %dma_start3A_236] : memref<10000x128xf32, #tpu.memory_space<hbm>> -> memref<10000x128xf32, #tpu.memory_space<hbm>>
        tpu.enqueue_indirect_dma source(%dma_start3A_237 : memref<10000x128xf32, #tpu.memory_space<hbm>>) target(%arg11 : memref<128x128xf32, #tpu.memory_space<vmem>>) offsets(%dma_start3A_234 : memref<128xi32, #tpu.memory_space<vmem>>) semaphore(%arg13 : memref<!tpu.dma_semaphore, #tpu.memory_space<semaphore_mem>>)
        %dma_wait3A_238 = arith.constant 7 : i32
        %dma_wait3A_239 = arith.constant 0 : i32
        %dma_wait3A_240 = tpu.memref_slice %arg9[%dma_wait3A_238, %dma_wait3A_239] : memref<16x128xi32, #tpu.memory_space<vmem>> -> memref<1x128xi32, #tpu.memory_space<vmem>>
        %dma_wait3A_241 = tpu.memref_squeeze %dma_wait3A_240 : memref<1x128xi32, #tpu.memory_space<vmem>> -> memref<128xi32, #tpu.memory_space<vmem>>
        %dma_wait3A_242 = arith.constant 0 : i32
        %dma_wait3A_243 = arith.constant 0 : i32
        %dma_wait3A_244 = tpu.memref_slice %arg2[%dma_wait3A_242, %dma_wait3A_243] : memref<10000x128xf32, #tpu.memory_space<hbm>> -> memref<10000x128xf32, #tpu.memory_space<hbm>>
        tpu.wait_indirect_dma semaphore(%arg14 : memref<!tpu.dma_semaphore, #tpu.memory_space<semaphore_mem>>) src(%dma_wait3A_244 : memref<10000x128xf32, #tpu.memory_space<hbm>>) dst(%arg12 : memref<128x128xf32, #tpu.memory_space<vmem>>)
        %dma_start3A_245 = arith.constant 7 : i32
        %dma_start3A_246 = arith.constant 0 : i32
        %dma_start3A_247 = tpu.memref_slice %arg10[%dma_start3A_245, %dma_start3A_246] : memref<16x128xi32, #tpu.memory_space<vmem>> -> memref<1x128xi32, #tpu.memory_space<vmem>>
        %dma_start3A_248 = tpu.memref_squeeze %dma_start3A_247 : memref<1x128xi32, #tpu.memory_space<vmem>> -> memref<128xi32, #tpu.memory_space<vmem>>
        %dma_start3A_249 = arith.constant 0 : i32
        %dma_start3A_250 = arith.constant 0 : i32
        %dma_start3A_251 = tpu.memref_slice %arg8[%dma_start3A_249, %dma_start3A_250] : memref<10240x128xf32, #tpu.memory_space<vmem_shared>> -> memref<10240x128xf32, #tpu.memory_space<vmem_shared>>
        tpu.enqueue_indirect_dma source(%arg12 : memref<128x128xf32, #tpu.memory_space<vmem>>) target(%dma_start3A_251 : memref<10240x128xf32, #tpu.memory_space<vmem_shared>>) offsets(%dma_start3A_248 : memref<128xi32, #tpu.memory_space<vmem>>) semaphore(%arg16 : memref<!tpu.dma_semaphore, #tpu.memory_space<semaphore_mem>>) {add = true}
        %dma_wait3A_252 = arith.constant 7 : i32
        %dma_wait3A_253 = arith.constant 0 : i32
        %dma_wait3A_254 = tpu.memref_slice %arg10[%dma_wait3A_252, %dma_wait3A_253] : memref<16x128xi32, #tpu.memory_space<vmem>> -> memref<1x128xi32, #tpu.memory_space<vmem>>
        %dma_wait3A_255 = tpu.memref_squeeze %dma_wait3A_254 : memref<1x128xi32, #tpu.memory_space<vmem>> -> memref<128xi32, #tpu.memory_space<vmem>>
        %dma_wait3A_256 = arith.constant 0 : i32
        %dma_wait3A_257 = arith.constant 0 : i32
        %dma_wait3A_258 = tpu.memref_slice %arg8[%dma_wait3A_256, %dma_wait3A_257] : memref<10240x128xf32, #tpu.memory_space<vmem_shared>> -> memref<10240x128xf32, #tpu.memory_space<vmem_shared>>
        tpu.wait_indirect_dma semaphore(%arg16 : memref<!tpu.dma_semaphore, #tpu.memory_space<semaphore_mem>>) src(%arg12 : memref<128x128xf32, #tpu.memory_space<vmem>>) dst(%dma_wait3A_258 : memref<10240x128xf32, #tpu.memory_space<vmem_shared>>)
        %dma_start3A_259 = arith.constant 9 : i32
        %dma_start3A_260 = arith.constant 0 : i32
        %dma_start3A_261 = tpu.memref_slice %arg9[%dma_start3A_259, %dma_start3A_260] : memref<16x128xi32, #tpu.memory_space<vmem>> -> memref<1x128xi32, #tpu.memory_space<vmem>>
        %dma_start3A_262 = tpu.memref_squeeze %dma_start3A_261 : memref<1x128xi32, #tpu.memory_space<vmem>> -> memref<128xi32, #tpu.memory_space<vmem>>
        %dma_start3A_263 = arith.constant 0 : i32
        %dma_start3A_264 = arith.constant 0 : i32
        %dma_start3A_265 = tpu.memref_slice %arg2[%dma_start3A_263, %dma_start3A_264] : memref<10000x128xf32, #tpu.memory_space<hbm>> -> memref<10000x128xf32, #tpu.memory_space<hbm>>
        tpu.enqueue_indirect_dma source(%dma_start3A_265 : memref<10000x128xf32, #tpu.memory_space<hbm>>) target(%arg12 : memref<128x128xf32, #tpu.memory_space<vmem>>) offsets(%dma_start3A_262 : memref<128xi32, #tpu.memory_space<vmem>>) semaphore(%arg14 : memref<!tpu.dma_semaphore, #tpu.memory_space<semaphore_mem>>)
        %dma_wait3A_266 = arith.constant 8 : i32
        %dma_wait3A_267 = arith.constant 0 : i32
        %dma_wait3A_268 = tpu.memref_slice %arg9[%dma_wait3A_266, %dma_wait3A_267] : memref<16x128xi32, #tpu.memory_space<vmem>> -> memref<1x128xi32, #tpu.memory_space<vmem>>
        %dma_wait3A_269 = tpu.memref_squeeze %dma_wait3A_268 : memref<1x128xi32, #tpu.memory_space<vmem>> -> memref<128xi32, #tpu.memory_space<vmem>>
        %dma_wait3A_270 = arith.constant 0 : i32
        %dma_wait3A_271 = arith.constant 0 : i32
        %dma_wait3A_272 = tpu.memref_slice %arg2[%dma_wait3A_270, %dma_wait3A_271] : memref<10000x128xf32, #tpu.memory_space<hbm>> -> memref<10000x128xf32, #tpu.memory_space<hbm>>
        tpu.wait_indirect_dma semaphore(%arg13 : memref<!tpu.dma_semaphore, #tpu.memory_space<semaphore_mem>>) src(%dma_wait3A_272 : memref<10000x128xf32, #tpu.memory_space<hbm>>) dst(%arg11 : memref<128x128xf32, #tpu.memory_space<vmem>>)
        %dma_start3A_273 = arith.constant 8 : i32
        %dma_start3A_274 = arith.constant 0 : i32
        %dma_start3A_275 = tpu.memref_slice %arg10[%dma_start3A_273, %dma_start3A_274] : memref<16x128xi32, #tpu.memory_space<vmem>> -> memref<1x128xi32, #tpu.memory_space<vmem>>
        %dma_start3A_276 = tpu.memref_squeeze %dma_start3A_275 : memref<1x128xi32, #tpu.memory_space<vmem>> -> memref<128xi32, #tpu.memory_space<vmem>>
        %dma_start3A_277 = arith.constant 0 : i32
        %dma_start3A_278 = arith.constant 0 : i32
        %dma_start3A_279 = tpu.memref_slice %arg8[%dma_start3A_277, %dma_start3A_278] : memref<10240x128xf32, #tpu.memory_space<vmem_shared>> -> memref<10240x128xf32, #tpu.memory_space<vmem_shared>>
        tpu.enqueue_indirect_dma source(%arg11 : memref<128x128xf32, #tpu.memory_space<vmem>>) target(%dma_start3A_279 : memref<10240x128xf32, #tpu.memory_space<vmem_shared>>) offsets(%dma_start3A_276 : memref<128xi32, #tpu.memory_space<vmem>>) semaphore(%arg15 : memref<!tpu.dma_semaphore, #tpu.memory_space<semaphore_mem>>) {add = true}
        %dma_wait3A_280 = arith.constant 8 : i32
        %dma_wait3A_281 = arith.constant 0 : i32
        %dma_wait3A_282 = tpu.memref_slice %arg10[%dma_wait3A_280, %dma_wait3A_281] : memref<16x128xi32, #tpu.memory_space<vmem>> -> memref<1x128xi32, #tpu.memory_space<vmem>>
        %dma_wait3A_283 = tpu.memref_squeeze %dma_wait3A_282 : memref<1x128xi32, #tpu.memory_space<vmem>> -> memref<128xi32, #tpu.memory_space<vmem>>
        %dma_wait3A_284 = arith.constant 0 : i32
        %dma_wait3A_285 = arith.constant 0 : i32
        %dma_wait3A_286 = tpu.memref_slice %arg8[%dma_wait3A_284, %dma_wait3A_285] : memref<10240x128xf32, #tpu.memory_space<vmem_shared>> -> memref<10240x128xf32, #tpu.memory_space<vmem_shared>>
        tpu.wait_indirect_dma semaphore(%arg15 : memref<!tpu.dma_semaphore, #tpu.memory_space<semaphore_mem>>) src(%arg11 : memref<128x128xf32, #tpu.memory_space<vmem>>) dst(%dma_wait3A_286 : memref<10240x128xf32, #tpu.memory_space<vmem_shared>>)
        %dma_start3A_287 = arith.constant 10 : i32
        %dma_start3A_288 = arith.constant 0 : i32
        %dma_start3A_289 = tpu.memref_slice %arg9[%dma_start3A_287, %dma_start3A_288] : memref<16x128xi32, #tpu.memory_space<vmem>> -> memref<1x128xi32, #tpu.memory_space<vmem>>
        %dma_start3A_290 = tpu.memref_squeeze %dma_start3A_289 : memref<1x128xi32, #tpu.memory_space<vmem>> -> memref<128xi32, #tpu.memory_space<vmem>>
        %dma_start3A_291 = arith.constant 0 : i32
        %dma_start3A_292 = arith.constant 0 : i32
        %dma_start3A_293 = tpu.memref_slice %arg2[%dma_start3A_291, %dma_start3A_292] : memref<10000x128xf32, #tpu.memory_space<hbm>> -> memref<10000x128xf32, #tpu.memory_space<hbm>>
        tpu.enqueue_indirect_dma source(%dma_start3A_293 : memref<10000x128xf32, #tpu.memory_space<hbm>>) target(%arg11 : memref<128x128xf32, #tpu.memory_space<vmem>>) offsets(%dma_start3A_290 : memref<128xi32, #tpu.memory_space<vmem>>) semaphore(%arg13 : memref<!tpu.dma_semaphore, #tpu.memory_space<semaphore_mem>>)
        %dma_wait3A_294 = arith.constant 9 : i32
        %dma_wait3A_295 = arith.constant 0 : i32
        %dma_wait3A_296 = tpu.memref_slice %arg9[%dma_wait3A_294, %dma_wait3A_295] : memref<16x128xi32, #tpu.memory_space<vmem>> -> memref<1x128xi32, #tpu.memory_space<vmem>>
        %dma_wait3A_297 = tpu.memref_squeeze %dma_wait3A_296 : memref<1x128xi32, #tpu.memory_space<vmem>> -> memref<128xi32, #tpu.memory_space<vmem>>
        %dma_wait3A_298 = arith.constant 0 : i32
        %dma_wait3A_299 = arith.constant 0 : i32
        %dma_wait3A_300 = tpu.memref_slice %arg2[%dma_wait3A_298, %dma_wait3A_299] : memref<10000x128xf32, #tpu.memory_space<hbm>> -> memref<10000x128xf32, #tpu.memory_space<hbm>>
        tpu.wait_indirect_dma semaphore(%arg14 : memref<!tpu.dma_semaphore, #tpu.memory_space<semaphore_mem>>) src(%dma_wait3A_300 : memref<10000x128xf32, #tpu.memory_space<hbm>>) dst(%arg12 : memref<128x128xf32, #tpu.memory_space<vmem>>)
        %dma_start3A_301 = arith.constant 9 : i32
        %dma_start3A_302 = arith.constant 0 : i32
        %dma_start3A_303 = tpu.memref_slice %arg10[%dma_start3A_301, %dma_start3A_302] : memref<16x128xi32, #tpu.memory_space<vmem>> -> memref<1x128xi32, #tpu.memory_space<vmem>>
        %dma_start3A_304 = tpu.memref_squeeze %dma_start3A_303 : memref<1x128xi32, #tpu.memory_space<vmem>> -> memref<128xi32, #tpu.memory_space<vmem>>
        %dma_start3A_305 = arith.constant 0 : i32
        %dma_start3A_306 = arith.constant 0 : i32
        %dma_start3A_307 = tpu.memref_slice %arg8[%dma_start3A_305, %dma_start3A_306] : memref<10240x128xf32, #tpu.memory_space<vmem_shared>> -> memref<10240x128xf32, #tpu.memory_space<vmem_shared>>
        tpu.enqueue_indirect_dma source(%arg12 : memref<128x128xf32, #tpu.memory_space<vmem>>) target(%dma_start3A_307 : memref<10240x128xf32, #tpu.memory_space<vmem_shared>>) offsets(%dma_start3A_304 : memref<128xi32, #tpu.memory_space<vmem>>) semaphore(%arg16 : memref<!tpu.dma_semaphore, #tpu.memory_space<semaphore_mem>>) {add = true}
        %dma_wait3A_308 = arith.constant 9 : i32
        %dma_wait3A_309 = arith.constant 0 : i32
        %dma_wait3A_310 = tpu.memref_slice %arg10[%dma_wait3A_308, %dma_wait3A_309] : memref<16x128xi32, #tpu.memory_space<vmem>> -> memref<1x128xi32, #tpu.memory_space<vmem>>
        %dma_wait3A_311 = tpu.memref_squeeze %dma_wait3A_310 : memref<1x128xi32, #tpu.memory_space<vmem>> -> memref<128xi32, #tpu.memory_space<vmem>>
        %dma_wait3A_312 = arith.constant 0 : i32
        %dma_wait3A_313 = arith.constant 0 : i32
        %dma_wait3A_314 = tpu.memref_slice %arg8[%dma_wait3A_312, %dma_wait3A_313] : memref<10240x128xf32, #tpu.memory_space<vmem_shared>> -> memref<10240x128xf32, #tpu.memory_space<vmem_shared>>
        tpu.wait_indirect_dma semaphore(%arg16 : memref<!tpu.dma_semaphore, #tpu.memory_space<semaphore_mem>>) src(%arg12 : memref<128x128xf32, #tpu.memory_space<vmem>>) dst(%dma_wait3A_314 : memref<10240x128xf32, #tpu.memory_space<vmem_shared>>)
        %dma_start3A_315 = arith.constant 11 : i32
        %dma_start3A_316 = arith.constant 0 : i32
        %dma_start3A_317 = tpu.memref_slice %arg9[%dma_start3A_315, %dma_start3A_316] : memref<16x128xi32, #tpu.memory_space<vmem>> -> memref<1x128xi32, #tpu.memory_space<vmem>>
        %dma_start3A_318 = tpu.memref_squeeze %dma_start3A_317 : memref<1x128xi32, #tpu.memory_space<vmem>> -> memref<128xi32, #tpu.memory_space<vmem>>
        %dma_start3A_319 = arith.constant 0 : i32
        %dma_start3A_320 = arith.constant 0 : i32
        %dma_start3A_321 = tpu.memref_slice %arg2[%dma_start3A_319, %dma_start3A_320] : memref<10000x128xf32, #tpu.memory_space<hbm>> -> memref<10000x128xf32, #tpu.memory_space<hbm>>
        tpu.enqueue_indirect_dma source(%dma_start3A_321 : memref<10000x128xf32, #tpu.memory_space<hbm>>) target(%arg12 : memref<128x128xf32, #tpu.memory_space<vmem>>) offsets(%dma_start3A_318 : memref<128xi32, #tpu.memory_space<vmem>>) semaphore(%arg14 : memref<!tpu.dma_semaphore, #tpu.memory_space<semaphore_mem>>)
        %dma_wait3A_322 = arith.constant 10 : i32
        %dma_wait3A_323 = arith.constant 0 : i32
        %dma_wait3A_324 = tpu.memref_slice %arg9[%dma_wait3A_322, %dma_wait3A_323] : memref<16x128xi32, #tpu.memory_space<vmem>> -> memref<1x128xi32, #tpu.memory_space<vmem>>
        %dma_wait3A_325 = tpu.memref_squeeze %dma_wait3A_324 : memref<1x128xi32, #tpu.memory_space<vmem>> -> memref<128xi32, #tpu.memory_space<vmem>>
        %dma_wait3A_326 = arith.constant 0 : i32
        %dma_wait3A_327 = arith.constant 0 : i32
        %dma_wait3A_328 = tpu.memref_slice %arg2[%dma_wait3A_326, %dma_wait3A_327] : memref<10000x128xf32, #tpu.memory_space<hbm>> -> memref<10000x128xf32, #tpu.memory_space<hbm>>
        tpu.wait_indirect_dma semaphore(%arg13 : memref<!tpu.dma_semaphore, #tpu.memory_space<semaphore_mem>>) src(%dma_wait3A_328 : memref<10000x128xf32, #tpu.memory_space<hbm>>) dst(%arg11 : memref<128x128xf32, #tpu.memory_space<vmem>>)
        %dma_start3A_329 = arith.constant 10 : i32
        %dma_start3A_330 = arith.constant 0 : i32
        %dma_start3A_331 = tpu.memref_slice %arg10[%dma_start3A_329, %dma_start3A_330] : memref<16x128xi32, #tpu.memory_space<vmem>> -> memref<1x128xi32, #tpu.memory_space<vmem>>
        %dma_start3A_332 = tpu.memref_squeeze %dma_start3A_331 : memref<1x128xi32, #tpu.memory_space<vmem>> -> memref<128xi32, #tpu.memory_space<vmem>>
        %dma_start3A_333 = arith.constant 0 : i32
        %dma_start3A_334 = arith.constant 0 : i32
        %dma_start3A_335 = tpu.memref_slice %arg8[%dma_start3A_333, %dma_start3A_334] : memref<10240x128xf32, #tpu.memory_space<vmem_shared>> -> memref<10240x128xf32, #tpu.memory_space<vmem_shared>>
        tpu.enqueue_indirect_dma source(%arg11 : memref<128x128xf32, #tpu.memory_space<vmem>>) target(%dma_start3A_335 : memref<10240x128xf32, #tpu.memory_space<vmem_shared>>) offsets(%dma_start3A_332 : memref<128xi32, #tpu.memory_space<vmem>>) semaphore(%arg15 : memref<!tpu.dma_semaphore, #tpu.memory_space<semaphore_mem>>) {add = true}
        %dma_wait3A_336 = arith.constant 10 : i32
        %dma_wait3A_337 = arith.constant 0 : i32
        %dma_wait3A_338 = tpu.memref_slice %arg10[%dma_wait3A_336, %dma_wait3A_337] : memref<16x128xi32, #tpu.memory_space<vmem>> -> memref<1x128xi32, #tpu.memory_space<vmem>>
        %dma_wait3A_339 = tpu.memref_squeeze %dma_wait3A_338 : memref<1x128xi32, #tpu.memory_space<vmem>> -> memref<128xi32, #tpu.memory_space<vmem>>
        %dma_wait3A_340 = arith.constant 0 : i32
        %dma_wait3A_341 = arith.constant 0 : i32
        %dma_wait3A_342 = tpu.memref_slice %arg8[%dma_wait3A_340, %dma_wait3A_341] : memref<10240x128xf32, #tpu.memory_space<vmem_shared>> -> memref<10240x128xf32, #tpu.memory_space<vmem_shared>>
        tpu.wait_indirect_dma semaphore(%arg15 : memref<!tpu.dma_semaphore, #tpu.memory_space<semaphore_mem>>) src(%arg11 : memref<128x128xf32, #tpu.memory_space<vmem>>) dst(%dma_wait3A_342 : memref<10240x128xf32, #tpu.memory_space<vmem_shared>>)
        %dma_start3A_343 = arith.constant 12 : i32
        %dma_start3A_344 = arith.constant 0 : i32
        %dma_start3A_345 = tpu.memref_slice %arg9[%dma_start3A_343, %dma_start3A_344] : memref<16x128xi32, #tpu.memory_space<vmem>> -> memref<1x128xi32, #tpu.memory_space<vmem>>
        %dma_start3A_346 = tpu.memref_squeeze %dma_start3A_345 : memref<1x128xi32, #tpu.memory_space<vmem>> -> memref<128xi32, #tpu.memory_space<vmem>>
        %dma_start3A_347 = arith.constant 0 : i32
        %dma_start3A_348 = arith.constant 0 : i32
        %dma_start3A_349 = tpu.memref_slice %arg2[%dma_start3A_347, %dma_start3A_348] : memref<10000x128xf32, #tpu.memory_space<hbm>> -> memref<10000x128xf32, #tpu.memory_space<hbm>>
        tpu.enqueue_indirect_dma source(%dma_start3A_349 : memref<10000x128xf32, #tpu.memory_space<hbm>>) target(%arg11 : memref<128x128xf32, #tpu.memory_space<vmem>>) offsets(%dma_start3A_346 : memref<128xi32, #tpu.memory_space<vmem>>) semaphore(%arg13 : memref<!tpu.dma_semaphore, #tpu.memory_space<semaphore_mem>>)
        %dma_wait3A_350 = arith.constant 11 : i32
        %dma_wait3A_351 = arith.constant 0 : i32
        %dma_wait3A_352 = tpu.memref_slice %arg9[%dma_wait3A_350, %dma_wait3A_351] : memref<16x128xi32, #tpu.memory_space<vmem>> -> memref<1x128xi32, #tpu.memory_space<vmem>>
        %dma_wait3A_353 = tpu.memref_squeeze %dma_wait3A_352 : memref<1x128xi32, #tpu.memory_space<vmem>> -> memref<128xi32, #tpu.memory_space<vmem>>
        %dma_wait3A_354 = arith.constant 0 : i32
        %dma_wait3A_355 = arith.constant 0 : i32
        %dma_wait3A_356 = tpu.memref_slice %arg2[%dma_wait3A_354, %dma_wait3A_355] : memref<10000x128xf32, #tpu.memory_space<hbm>> -> memref<10000x128xf32, #tpu.memory_space<hbm>>
        tpu.wait_indirect_dma semaphore(%arg14 : memref<!tpu.dma_semaphore, #tpu.memory_space<semaphore_mem>>) src(%dma_wait3A_356 : memref<10000x128xf32, #tpu.memory_space<hbm>>) dst(%arg12 : memref<128x128xf32, #tpu.memory_space<vmem>>)
        %dma_start3A_357 = arith.constant 11 : i32
        %dma_start3A_358 = arith.constant 0 : i32
        %dma_start3A_359 = tpu.memref_slice %arg10[%dma_start3A_357, %dma_start3A_358] : memref<16x128xi32, #tpu.memory_space<vmem>> -> memref<1x128xi32, #tpu.memory_space<vmem>>
        %dma_start3A_360 = tpu.memref_squeeze %dma_start3A_359 : memref<1x128xi32, #tpu.memory_space<vmem>> -> memref<128xi32, #tpu.memory_space<vmem>>
        %dma_start3A_361 = arith.constant 0 : i32
        %dma_start3A_362 = arith.constant 0 : i32
        %dma_start3A_363 = tpu.memref_slice %arg8[%dma_start3A_361, %dma_start3A_362] : memref<10240x128xf32, #tpu.memory_space<vmem_shared>> -> memref<10240x128xf32, #tpu.memory_space<vmem_shared>>
        tpu.enqueue_indirect_dma source(%arg12 : memref<128x128xf32, #tpu.memory_space<vmem>>) target(%dma_start3A_363 : memref<10240x128xf32, #tpu.memory_space<vmem_shared>>) offsets(%dma_start3A_360 : memref<128xi32, #tpu.memory_space<vmem>>) semaphore(%arg16 : memref<!tpu.dma_semaphore, #tpu.memory_space<semaphore_mem>>) {add = true}
        %dma_wait3A_364 = arith.constant 11 : i32
        %dma_wait3A_365 = arith.constant 0 : i32
        %dma_wait3A_366 = tpu.memref_slice %arg10[%dma_wait3A_364, %dma_wait3A_365] : memref<16x128xi32, #tpu.memory_space<vmem>> -> memref<1x128xi32, #tpu.memory_space<vmem>>
        %dma_wait3A_367 = tpu.memref_squeeze %dma_wait3A_366 : memref<1x128xi32, #tpu.memory_space<vmem>> -> memref<128xi32, #tpu.memory_space<vmem>>
        %dma_wait3A_368 = arith.constant 0 : i32
        %dma_wait3A_369 = arith.constant 0 : i32
        %dma_wait3A_370 = tpu.memref_slice %arg8[%dma_wait3A_368, %dma_wait3A_369] : memref<10240x128xf32, #tpu.memory_space<vmem_shared>> -> memref<10240x128xf32, #tpu.memory_space<vmem_shared>>
        tpu.wait_indirect_dma semaphore(%arg16 : memref<!tpu.dma_semaphore, #tpu.memory_space<semaphore_mem>>) src(%arg12 : memref<128x128xf32, #tpu.memory_space<vmem>>) dst(%dma_wait3A_370 : memref<10240x128xf32, #tpu.memory_space<vmem_shared>>)
        %dma_start3A_371 = arith.constant 13 : i32
        %dma_start3A_372 = arith.constant 0 : i32
        %dma_start3A_373 = tpu.memref_slice %arg9[%dma_start3A_371, %dma_start3A_372] : memref<16x128xi32, #tpu.memory_space<vmem>> -> memref<1x128xi32, #tpu.memory_space<vmem>>
        %dma_start3A_374 = tpu.memref_squeeze %dma_start3A_373 : memref<1x128xi32, #tpu.memory_space<vmem>> -> memref<128xi32, #tpu.memory_space<vmem>>
        %dma_start3A_375 = arith.constant 0 : i32
        %dma_start3A_376 = arith.constant 0 : i32
        %dma_start3A_377 = tpu.memref_slice %arg2[%dma_start3A_375, %dma_start3A_376] : memref<10000x128xf32, #tpu.memory_space<hbm>> -> memref<10000x128xf32, #tpu.memory_space<hbm>>
        tpu.enqueue_indirect_dma source(%dma_start3A_377 : memref<10000x128xf32, #tpu.memory_space<hbm>>) target(%arg12 : memref<128x128xf32, #tpu.memory_space<vmem>>) offsets(%dma_start3A_374 : memref<128xi32, #tpu.memory_space<vmem>>) semaphore(%arg14 : memref<!tpu.dma_semaphore, #tpu.memory_space<semaphore_mem>>)
        %dma_wait3A_378 = arith.constant 12 : i32
        %dma_wait3A_379 = arith.constant 0 : i32
        %dma_wait3A_380 = tpu.memref_slice %arg9[%dma_wait3A_378, %dma_wait3A_379] : memref<16x128xi32, #tpu.memory_space<vmem>> -> memref<1x128xi32, #tpu.memory_space<vmem>>
        %dma_wait3A_381 = tpu.memref_squeeze %dma_wait3A_380 : memref<1x128xi32, #tpu.memory_space<vmem>> -> memref<128xi32, #tpu.memory_space<vmem>>
        %dma_wait3A_382 = arith.constant 0 : i32
        %dma_wait3A_383 = arith.constant 0 : i32
        %dma_wait3A_384 = tpu.memref_slice %arg2[%dma_wait3A_382, %dma_wait3A_383] : memref<10000x128xf32, #tpu.memory_space<hbm>> -> memref<10000x128xf32, #tpu.memory_space<hbm>>
        tpu.wait_indirect_dma semaphore(%arg13 : memref<!tpu.dma_semaphore, #tpu.memory_space<semaphore_mem>>) src(%dma_wait3A_384 : memref<10000x128xf32, #tpu.memory_space<hbm>>) dst(%arg11 : memref<128x128xf32, #tpu.memory_space<vmem>>)
        %dma_start3A_385 = arith.constant 12 : i32
        %dma_start3A_386 = arith.constant 0 : i32
        %dma_start3A_387 = tpu.memref_slice %arg10[%dma_start3A_385, %dma_start3A_386] : memref<16x128xi32, #tpu.memory_space<vmem>> -> memref<1x128xi32, #tpu.memory_space<vmem>>
        %dma_start3A_388 = tpu.memref_squeeze %dma_start3A_387 : memref<1x128xi32, #tpu.memory_space<vmem>> -> memref<128xi32, #tpu.memory_space<vmem>>
        %dma_start3A_389 = arith.constant 0 : i32
        %dma_start3A_390 = arith.constant 0 : i32
        %dma_start3A_391 = tpu.memref_slice %arg8[%dma_start3A_389, %dma_start3A_390] : memref<10240x128xf32, #tpu.memory_space<vmem_shared>> -> memref<10240x128xf32, #tpu.memory_space<vmem_shared>>
        tpu.enqueue_indirect_dma source(%arg11 : memref<128x128xf32, #tpu.memory_space<vmem>>) target(%dma_start3A_391 : memref<10240x128xf32, #tpu.memory_space<vmem_shared>>) offsets(%dma_start3A_388 : memref<128xi32, #tpu.memory_space<vmem>>) semaphore(%arg15 : memref<!tpu.dma_semaphore, #tpu.memory_space<semaphore_mem>>) {add = true}
        %dma_wait3A_392 = arith.constant 12 : i32
        %dma_wait3A_393 = arith.constant 0 : i32
        %dma_wait3A_394 = tpu.memref_slice %arg10[%dma_wait3A_392, %dma_wait3A_393] : memref<16x128xi32, #tpu.memory_space<vmem>> -> memref<1x128xi32, #tpu.memory_space<vmem>>
        %dma_wait3A_395 = tpu.memref_squeeze %dma_wait3A_394 : memref<1x128xi32, #tpu.memory_space<vmem>> -> memref<128xi32, #tpu.memory_space<vmem>>
        %dma_wait3A_396 = arith.constant 0 : i32
        %dma_wait3A_397 = arith.constant 0 : i32
        %dma_wait3A_398 = tpu.memref_slice %arg8[%dma_wait3A_396, %dma_wait3A_397] : memref<10240x128xf32, #tpu.memory_space<vmem_shared>> -> memref<10240x128xf32, #tpu.memory_space<vmem_shared>>
        tpu.wait_indirect_dma semaphore(%arg15 : memref<!tpu.dma_semaphore, #tpu.memory_space<semaphore_mem>>) src(%arg11 : memref<128x128xf32, #tpu.memory_space<vmem>>) dst(%dma_wait3A_398 : memref<10240x128xf32, #tpu.memory_space<vmem_shared>>)
        %dma_start3A_399 = arith.constant 14 : i32
        %dma_start3A_400 = arith.constant 0 : i32
        %dma_start3A_401 = tpu.memref_slice %arg9[%dma_start3A_399, %dma_start3A_400] : memref<16x128xi32, #tpu.memory_space<vmem>> -> memref<1x128xi32, #tpu.memory_space<vmem>>
        %dma_start3A_402 = tpu.memref_squeeze %dma_start3A_401 : memref<1x128xi32, #tpu.memory_space<vmem>> -> memref<128xi32, #tpu.memory_space<vmem>>
        %dma_start3A_403 = arith.constant 0 : i32
        %dma_start3A_404 = arith.constant 0 : i32
        %dma_start3A_405 = tpu.memref_slice %arg2[%dma_start3A_403, %dma_start3A_404] : memref<10000x128xf32, #tpu.memory_space<hbm>> -> memref<10000x128xf32, #tpu.memory_space<hbm>>
        tpu.enqueue_indirect_dma source(%dma_start3A_405 : memref<10000x128xf32, #tpu.memory_space<hbm>>) target(%arg11 : memref<128x128xf32, #tpu.memory_space<vmem>>) offsets(%dma_start3A_402 : memref<128xi32, #tpu.memory_space<vmem>>) semaphore(%arg13 : memref<!tpu.dma_semaphore, #tpu.memory_space<semaphore_mem>>)
        %dma_wait3A_406 = arith.constant 13 : i32
        %dma_wait3A_407 = arith.constant 0 : i32
        %dma_wait3A_408 = tpu.memref_slice %arg9[%dma_wait3A_406, %dma_wait3A_407] : memref<16x128xi32, #tpu.memory_space<vmem>> -> memref<1x128xi32, #tpu.memory_space<vmem>>
        %dma_wait3A_409 = tpu.memref_squeeze %dma_wait3A_408 : memref<1x128xi32, #tpu.memory_space<vmem>> -> memref<128xi32, #tpu.memory_space<vmem>>
        %dma_wait3A_410 = arith.constant 0 : i32
        %dma_wait3A_411 = arith.constant 0 : i32
        %dma_wait3A_412 = tpu.memref_slice %arg2[%dma_wait3A_410, %dma_wait3A_411] : memref<10000x128xf32, #tpu.memory_space<hbm>> -> memref<10000x128xf32, #tpu.memory_space<hbm>>
        tpu.wait_indirect_dma semaphore(%arg14 : memref<!tpu.dma_semaphore, #tpu.memory_space<semaphore_mem>>) src(%dma_wait3A_412 : memref<10000x128xf32, #tpu.memory_space<hbm>>) dst(%arg12 : memref<128x128xf32, #tpu.memory_space<vmem>>)
        %dma_start3A_413 = arith.constant 13 : i32
        %dma_start3A_414 = arith.constant 0 : i32
        %dma_start3A_415 = tpu.memref_slice %arg10[%dma_start3A_413, %dma_start3A_414] : memref<16x128xi32, #tpu.memory_space<vmem>> -> memref<1x128xi32, #tpu.memory_space<vmem>>
        %dma_start3A_416 = tpu.memref_squeeze %dma_start3A_415 : memref<1x128xi32, #tpu.memory_space<vmem>> -> memref<128xi32, #tpu.memory_space<vmem>>
        %dma_start3A_417 = arith.constant 0 : i32
        %dma_start3A_418 = arith.constant 0 : i32
        %dma_start3A_419 = tpu.memref_slice %arg8[%dma_start3A_417, %dma_start3A_418] : memref<10240x128xf32, #tpu.memory_space<vmem_shared>> -> memref<10240x128xf32, #tpu.memory_space<vmem_shared>>
        tpu.enqueue_indirect_dma source(%arg12 : memref<128x128xf32, #tpu.memory_space<vmem>>) target(%dma_start3A_419 : memref<10240x128xf32, #tpu.memory_space<vmem_shared>>) offsets(%dma_start3A_416 : memref<128xi32, #tpu.memory_space<vmem>>) semaphore(%arg16 : memref<!tpu.dma_semaphore, #tpu.memory_space<semaphore_mem>>) {add = true}
        %dma_wait3A_420 = arith.constant 13 : i32
        %dma_wait3A_421 = arith.constant 0 : i32
        %dma_wait3A_422 = tpu.memref_slice %arg10[%dma_wait3A_420, %dma_wait3A_421] : memref<16x128xi32, #tpu.memory_space<vmem>> -> memref<1x128xi32, #tpu.memory_space<vmem>>
        %dma_wait3A_423 = tpu.memref_squeeze %dma_wait3A_422 : memref<1x128xi32, #tpu.memory_space<vmem>> -> memref<128xi32, #tpu.memory_space<vmem>>
        %dma_wait3A_424 = arith.constant 0 : i32
        %dma_wait3A_425 = arith.constant 0 : i32
        %dma_wait3A_426 = tpu.memref_slice %arg8[%dma_wait3A_424, %dma_wait3A_425] : memref<10240x128xf32, #tpu.memory_space<vmem_shared>> -> memref<10240x128xf32, #tpu.memory_space<vmem_shared>>
        tpu.wait_indirect_dma semaphore(%arg16 : memref<!tpu.dma_semaphore, #tpu.memory_space<semaphore_mem>>) src(%arg12 : memref<128x128xf32, #tpu.memory_space<vmem>>) dst(%dma_wait3A_426 : memref<10240x128xf32, #tpu.memory_space<vmem_shared>>)
        %dma_start3A_427 = arith.constant 15 : i32
        %dma_start3A_428 = arith.constant 0 : i32
        %dma_start3A_429 = tpu.memref_slice %arg9[%dma_start3A_427, %dma_start3A_428] : memref<16x128xi32, #tpu.memory_space<vmem>> -> memref<1x128xi32, #tpu.memory_space<vmem>>
        %dma_start3A_430 = tpu.memref_squeeze %dma_start3A_429 : memref<1x128xi32, #tpu.memory_space<vmem>> -> memref<128xi32, #tpu.memory_space<vmem>>
        %dma_start3A_431 = arith.constant 0 : i32
        %dma_start3A_432 = arith.constant 0 : i32
        %dma_start3A_433 = tpu.memref_slice %arg2[%dma_start3A_431, %dma_start3A_432] : memref<10000x128xf32, #tpu.memory_space<hbm>> -> memref<10000x128xf32, #tpu.memory_space<hbm>>
        tpu.enqueue_indirect_dma source(%dma_start3A_433 : memref<10000x128xf32, #tpu.memory_space<hbm>>) target(%arg12 : memref<128x128xf32, #tpu.memory_space<vmem>>) offsets(%dma_start3A_430 : memref<128xi32, #tpu.memory_space<vmem>>) semaphore(%arg14 : memref<!tpu.dma_semaphore, #tpu.memory_space<semaphore_mem>>)
        %dma_wait3A_434 = arith.constant 14 : i32
        %dma_wait3A_435 = arith.constant 0 : i32
        %dma_wait3A_436 = tpu.memref_slice %arg9[%dma_wait3A_434, %dma_wait3A_435] : memref<16x128xi32, #tpu.memory_space<vmem>> -> memref<1x128xi32, #tpu.memory_space<vmem>>
        %dma_wait3A_437 = tpu.memref_squeeze %dma_wait3A_436 : memref<1x128xi32, #tpu.memory_space<vmem>> -> memref<128xi32, #tpu.memory_space<vmem>>
        %dma_wait3A_438 = arith.constant 0 : i32
        %dma_wait3A_439 = arith.constant 0 : i32
        %dma_wait3A_440 = tpu.memref_slice %arg2[%dma_wait3A_438, %dma_wait3A_439] : memref<10000x128xf32, #tpu.memory_space<hbm>> -> memref<10000x128xf32, #tpu.memory_space<hbm>>
        tpu.wait_indirect_dma semaphore(%arg13 : memref<!tpu.dma_semaphore, #tpu.memory_space<semaphore_mem>>) src(%dma_wait3A_440 : memref<10000x128xf32, #tpu.memory_space<hbm>>) dst(%arg11 : memref<128x128xf32, #tpu.memory_space<vmem>>)
        %dma_start3A_441 = arith.constant 14 : i32
        %dma_start3A_442 = arith.constant 0 : i32
        %dma_start3A_443 = tpu.memref_slice %arg10[%dma_start3A_441, %dma_start3A_442] : memref<16x128xi32, #tpu.memory_space<vmem>> -> memref<1x128xi32, #tpu.memory_space<vmem>>
        %dma_start3A_444 = tpu.memref_squeeze %dma_start3A_443 : memref<1x128xi32, #tpu.memory_space<vmem>> -> memref<128xi32, #tpu.memory_space<vmem>>
        %dma_start3A_445 = arith.constant 0 : i32
        %dma_start3A_446 = arith.constant 0 : i32
        %dma_start3A_447 = tpu.memref_slice %arg8[%dma_start3A_445, %dma_start3A_446] : memref<10240x128xf32, #tpu.memory_space<vmem_shared>> -> memref<10240x128xf32, #tpu.memory_space<vmem_shared>>
        tpu.enqueue_indirect_dma source(%arg11 : memref<128x128xf32, #tpu.memory_space<vmem>>) target(%dma_start3A_447 : memref<10240x128xf32, #tpu.memory_space<vmem_shared>>) offsets(%dma_start3A_444 : memref<128xi32, #tpu.memory_space<vmem>>) semaphore(%arg15 : memref<!tpu.dma_semaphore, #tpu.memory_space<semaphore_mem>>) {add = true}
        %dma_wait3A_448 = arith.constant 15 : i32
        %dma_wait3A_449 = arith.constant 0 : i32
        %dma_wait3A_450 = tpu.memref_slice %arg9[%dma_wait3A_448, %dma_wait3A_449] : memref<16x128xi32, #tpu.memory_space<vmem>> -> memref<1x128xi32, #tpu.memory_space<vmem>>
        %dma_wait3A_451 = tpu.memref_squeeze %dma_wait3A_450 : memref<1x128xi32, #tpu.memory_space<vmem>> -> memref<128xi32, #tpu.memory_space<vmem>>
        %dma_wait3A_452 = arith.constant 0 : i32
        %dma_wait3A_453 = arith.constant 0 : i32
        %dma_wait3A_454 = tpu.memref_slice %arg2[%dma_wait3A_452, %dma_wait3A_453] : memref<10000x128xf32, #tpu.memory_space<hbm>> -> memref<10000x128xf32, #tpu.memory_space<hbm>>
        tpu.wait_indirect_dma semaphore(%arg14 : memref<!tpu.dma_semaphore, #tpu.memory_space<semaphore_mem>>) src(%dma_wait3A_454 : memref<10000x128xf32, #tpu.memory_space<hbm>>) dst(%arg12 : memref<128x128xf32, #tpu.memory_space<vmem>>)
        %dma_start3A_455 = arith.constant 15 : i32
        %dma_start3A_456 = arith.constant 0 : i32
        %dma_start3A_457 = tpu.memref_slice %arg10[%dma_start3A_455, %dma_start3A_456] : memref<16x128xi32, #tpu.memory_space<vmem>> -> memref<1x128xi32, #tpu.memory_space<vmem>>
        %dma_start3A_458 = tpu.memref_squeeze %dma_start3A_457 : memref<1x128xi32, #tpu.memory_space<vmem>> -> memref<128xi32, #tpu.memory_space<vmem>>
        %dma_start3A_459 = arith.constant 0 : i32
        %dma_start3A_460 = arith.constant 0 : i32
        %dma_start3A_461 = tpu.memref_slice %arg8[%dma_start3A_459, %dma_start3A_460] : memref<10240x128xf32, #tpu.memory_space<vmem_shared>> -> memref<10240x128xf32, #tpu.memory_space<vmem_shared>>
        tpu.enqueue_indirect_dma source(%arg12 : memref<128x128xf32, #tpu.memory_space<vmem>>) target(%dma_start3A_461 : memref<10240x128xf32, #tpu.memory_space<vmem_shared>>) offsets(%dma_start3A_458 : memref<128xi32, #tpu.memory_space<vmem>>) semaphore(%arg16 : memref<!tpu.dma_semaphore, #tpu.memory_space<semaphore_mem>>) {add = true}
        %dma_wait3A_462 = arith.constant 14 : i32
        %dma_wait3A_463 = arith.constant 0 : i32
        %dma_wait3A_464 = tpu.memref_slice %arg10[%dma_wait3A_462, %dma_wait3A_463] : memref<16x128xi32, #tpu.memory_space<vmem>> -> memref<1x128xi32, #tpu.memory_space<vmem>>
        %dma_wait3A_465 = tpu.memref_squeeze %dma_wait3A_464 : memref<1x128xi32, #tpu.memory_space<vmem>> -> memref<128xi32, #tpu.memory_space<vmem>>
        %dma_wait3A_466 = arith.constant 0 : i32
        %dma_wait3A_467 = arith.constant 0 : i32
        %dma_wait3A_468 = tpu.memref_slice %arg8[%dma_wait3A_466, %dma_wait3A_467] : memref<10240x128xf32, #tpu.memory_space<vmem_shared>> -> memref<10240x128xf32, #tpu.memory_space<vmem_shared>>
        tpu.wait_indirect_dma semaphore(%arg15 : memref<!tpu.dma_semaphore, #tpu.memory_space<semaphore_mem>>) src(%arg11 : memref<128x128xf32, #tpu.memory_space<vmem>>) dst(%dma_wait3A_468 : memref<10240x128xf32, #tpu.memory_space<vmem_shared>>)
        %dma_wait3A_469 = arith.constant 15 : i32
        %dma_wait3A_470 = arith.constant 0 : i32
        %dma_wait3A_471 = tpu.memref_slice %arg10[%dma_wait3A_469, %dma_wait3A_470] : memref<16x128xi32, #tpu.memory_space<vmem>> -> memref<1x128xi32, #tpu.memory_space<vmem>>
        %dma_wait3A_472 = tpu.memref_squeeze %dma_wait3A_471 : memref<1x128xi32, #tpu.memory_space<vmem>> -> memref<128xi32, #tpu.memory_space<vmem>>
        %dma_wait3A_473 = arith.constant 0 : i32
        %dma_wait3A_474 = arith.constant 0 : i32
        %dma_wait3A_475 = tpu.memref_slice %arg8[%dma_wait3A_473, %dma_wait3A_474] : memref<10240x128xf32, #tpu.memory_space<vmem_shared>> -> memref<10240x128xf32, #tpu.memory_space<vmem_shared>>
        tpu.wait_indirect_dma semaphore(%arg16 : memref<!tpu.dma_semaphore, #tpu.memory_space<semaphore_mem>>) src(%arg12 : memref<128x128xf32, #tpu.memory_space<vmem>>) dst(%dma_wait3A_475 : memref<10240x128xf32, #tpu.memory_space<vmem_shared>>)
      }
      %scan3A_24 = arith.constant 10 : i32
      %barrier3A_25 = arith.constant 0 : index
      tpu.barrier barrier_id(%barrier3A_25)
      %mul3A = arith.constant 640 : i32
      %mul3A_26 = arith.muli %arg1, %mul3A : i32
      %mul3A_27 = arith.constant 640 : i32
      %mul3A_28 = arith.muli %arg1, %mul3A_27 : i32
      "tpu.region"() ({
        %run_scoped3A = tpu.sem_alloc : memref<!tpu.dma_semaphore, #tpu.memory_space<semaphore_mem>>
        %dma_start3A = arith.constant 0 : i32
        %dma_start3A_29 = tpu.memref_slice %arg6[%mul3A_28, %dma_start3A] : memref<10240x128xf32, #tpu.memory_space<hbm>> -> memref<640x128xf32, #tpu.memory_space<hbm>>
        %dma_start3A_30 = arith.constant 0 : i32
        %dma_start3A_31 = tpu.memref_slice %arg8[%mul3A_26, %dma_start3A_30] : memref<10240x128xf32, #tpu.memory_space<vmem_shared>> -> memref<640x128xf32, #tpu.memory_space<vmem_shared>>
        tpu.enqueue_dma source(%dma_start3A_31 : memref<640x128xf32, #tpu.memory_space<vmem_shared>>) target(%dma_start3A_29 : memref<640x128xf32, #tpu.memory_space<hbm>>) target_semaphore(%run_scoped3A : memref<!tpu.dma_semaphore, #tpu.memory_space<semaphore_mem>>)
        %dma_wait3A = arith.constant 0 : i32
        %dma_wait3A_32 = tpu.memref_slice %arg6[%mul3A_28, %dma_wait3A] : memref<10240x128xf32, #tpu.memory_space<hbm>> -> memref<640x128xf32, #tpu.memory_space<hbm>>
        %dma_wait3A_33 = arith.constant 0 : i32
        %dma_wait3A_34 = tpu.memref_slice %arg8[%mul3A_26, %dma_wait3A_33] : memref<10240x128xf32, #tpu.memory_space<vmem_shared>> -> memref<640x128xf32, #tpu.memory_space<vmem_shared>>
        tpu.wait_dma2 semaphore(%run_scoped3A : memref<!tpu.dma_semaphore, #tpu.memory_space<semaphore_mem>>) src(%dma_wait3A_34 : memref<640x128xf32, #tpu.memory_space<vmem_shared>>) dst(%dma_wait3A_32 : memref<640x128xf32, #tpu.memory_space<hbm>>)
        tpu.yield
      }) : () -> ()
    } else {
    }
    %eq3A_14 = arith.constant 1 : i32
    %eq3A_15 = arith.cmpi eq, %arg0, %eq3A_14 : i32
    %convert_element_type3A_16 = arith.extui %eq3A_15 : i1 to i32
    %cond3A_17 = arith.constant 0 : i32
    %cond3A_18 = arith.cmpi ne, %convert_element_type3A_16, %cond3A_17 : i32
    scf.if %cond3A_18 {
      %scan3A_19 = arith.constant 0 : i32
      %scan3A_20 = arith.constant 0 : i32
      %scan3A_21 = arith.constant 10 : i32
      %scan3A_22 = arith.addi %scan3A_20, %scan3A_21 : i32
      %scan3A_23 = arith.constant 1 : i32
      scf.for %scan3A_29 = %scan3A_20 to %scan3A_22 step %scan3A_23  : i32 {
        "tpu.region"() ({
          %run_scoped3A = tpu.sem_alloc : memref<!tpu.dma_semaphore, #tpu.memory_space<semaphore_mem>>
          %dma_start3A_476 = arith.constant 0 : i32
          %dma_start3A_477 = arith.constant 0 : i32
          %dma_start3A_478 = tpu.memref_slice %arg4[%arg1, %scan3A_29, %dma_start3A_476, %dma_start3A_477] : memref<16x10x16x128xi32, #tpu.memory_space<hbm>> -> memref<1x1x16x128xi32, #tpu.memory_space<hbm>>
          %dma_start3A_479 = tpu.memref_squeeze %dma_start3A_478 : memref<1x1x16x128xi32, #tpu.memory_space<hbm>> -> memref<16x128xi32, #tpu.memory_space<hbm>>
          %dma_start3A_480 = arith.constant 0 : i32
          %dma_start3A_481 = arith.constant 0 : i32
          %dma_start3A_482 = tpu.memref_slice %arg4[%arg1, %scan3A_29, %dma_start3A_480, %dma_start3A_481] : memref<16x10x16x128xi32, #tpu.memory_space<hbm>> -> memref<1x1x16x128xi32, #tpu.memory_space<hbm>>
          %dma_start3A_483 = tpu.memref_squeeze %dma_start3A_482 : memref<1x1x16x128xi32, #tpu.memory_space<hbm>> -> memref<16x128xi32, #tpu.memory_space<hbm>>
          tpu.enqueue_dma source(%dma_start3A_483 : memref<16x128xi32, #tpu.memory_space<hbm>>) target(%arg9 : memref<16x128xi32, #tpu.memory_space<vmem>>) target_semaphore(%run_scoped3A : memref<!tpu.dma_semaphore, #tpu.memory_space<semaphore_mem>>)
          %dma_wait3A_484 = arith.constant 0 : i32
          %dma_wait3A_485 = arith.constant 0 : i32
          %dma_wait3A_486 = tpu.memref_slice %arg4[%arg1, %scan3A_29, %dma_wait3A_484, %dma_wait3A_485] : memref<16x10x16x128xi32, #tpu.memory_space<hbm>> -> memref<1x1x16x128xi32, #tpu.memory_space<hbm>>
          %dma_wait3A_487 = tpu.memref_squeeze %dma_wait3A_486 : memref<1x1x16x128xi32, #tpu.memory_space<hbm>> -> memref<16x128xi32, #tpu.memory_space<hbm>>
          %dma_wait3A_488 = arith.constant 0 : i32
          %dma_wait3A_489 = arith.constant 0 : i32
          %dma_wait3A_490 = tpu.memref_slice %arg4[%arg1, %scan3A_29, %dma_wait3A_488, %dma_wait3A_489] : memref<16x10x16x128xi32, #tpu.memory_space<hbm>> -> memref<1x1x16x128xi32, #tpu.memory_space<hbm>>
          %dma_wait3A_491 = tpu.memref_squeeze %dma_wait3A_490 : memref<1x1x16x128xi32, #tpu.memory_space<hbm>> -> memref<16x128xi32, #tpu.memory_space<hbm>>
          tpu.wait_dma2 semaphore(%run_scoped3A : memref<!tpu.dma_semaphore, #tpu.memory_space<semaphore_mem>>) src(%dma_wait3A_491 : memref<16x128xi32, #tpu.memory_space<hbm>>) dst(%arg9 : memref<16x128xi32, #tpu.memory_space<vmem>>)
          tpu.yield
        }) : () -> ()
        "tpu.region"() ({
          %run_scoped3A = tpu.sem_alloc : memref<!tpu.dma_semaphore, #tpu.memory_space<semaphore_mem>>
          %dma_start3A_476 = arith.constant 0 : i32
          %dma_start3A_477 = arith.constant 0 : i32
          %dma_start3A_478 = tpu.memref_slice %arg5[%arg1, %scan3A_29, %dma_start3A_476, %dma_start3A_477] : memref<16x10x16x128xi32, #tpu.memory_space<hbm>> -> memref<1x1x16x128xi32, #tpu.memory_space<hbm>>
          %dma_start3A_479 = tpu.memref_squeeze %dma_start3A_478 : memref<1x1x16x128xi32, #tpu.memory_space<hbm>> -> memref<16x128xi32, #tpu.memory_space<hbm>>
          %dma_start3A_480 = arith.constant 0 : i32
          %dma_start3A_481 = arith.constant 0 : i32
          %dma_start3A_482 = tpu.memref_slice %arg5[%arg1, %scan3A_29, %dma_start3A_480, %dma_start3A_481] : memref<16x10x16x128xi32, #tpu.memory_space<hbm>> -> memref<1x1x16x128xi32, #tpu.memory_space<hbm>>
          %dma_start3A_483 = tpu.memref_squeeze %dma_start3A_482 : memref<1x1x16x128xi32, #tpu.memory_space<hbm>> -> memref<16x128xi32, #tpu.memory_space<hbm>>
          tpu.enqueue_dma source(%dma_start3A_483 : memref<16x128xi32, #tpu.memory_space<hbm>>) target(%arg10 : memref<16x128xi32, #tpu.memory_space<vmem>>) target_semaphore(%run_scoped3A : memref<!tpu.dma_semaphore, #tpu.memory_space<semaphore_mem>>)
          %dma_wait3A_484 = arith.constant 0 : i32
          %dma_wait3A_485 = arith.constant 0 : i32
          %dma_wait3A_486 = tpu.memref_slice %arg5[%arg1, %scan3A_29, %dma_wait3A_484, %dma_wait3A_485] : memref<16x10x16x128xi32, #tpu.memory_space<hbm>> -> memref<1x1x16x128xi32, #tpu.memory_space<hbm>>
          %dma_wait3A_487 = tpu.memref_squeeze %dma_wait3A_486 : memref<1x1x16x128xi32, #tpu.memory_space<hbm>> -> memref<16x128xi32, #tpu.memory_space<hbm>>
          %dma_wait3A_488 = arith.constant 0 : i32
          %dma_wait3A_489 = arith.constant 0 : i32
          %dma_wait3A_490 = tpu.memref_slice %arg5[%arg1, %scan3A_29, %dma_wait3A_488, %dma_wait3A_489] : memref<16x10x16x128xi32, #tpu.memory_space<hbm>> -> memref<1x1x16x128xi32, #tpu.memory_space<hbm>>
          %dma_wait3A_491 = tpu.memref_squeeze %dma_wait3A_490 : memref<1x1x16x128xi32, #tpu.memory_space<hbm>> -> memref<16x128xi32, #tpu.memory_space<hbm>>
          tpu.wait_dma2 semaphore(%run_scoped3A : memref<!tpu.dma_semaphore, #tpu.memory_space<semaphore_mem>>) src(%dma_wait3A_491 : memref<16x128xi32, #tpu.memory_space<hbm>>) dst(%arg10 : memref<16x128xi32, #tpu.memory_space<vmem>>)
          tpu.yield
        }) : () -> ()
        %dma_start3A = arith.constant 0 : i32
        %dma_start3A_30 = arith.constant 0 : i32
        %dma_start3A_31 = tpu.memref_slice %arg9[%dma_start3A, %dma_start3A_30] : memref<16x128xi32, #tpu.memory_space<vmem>> -> memref<1x128xi32, #tpu.memory_space<vmem>>
        %dma_start3A_32 = tpu.memref_squeeze %dma_start3A_31 : memref<1x128xi32, #tpu.memory_space<vmem>> -> memref<128xi32, #tpu.memory_space<vmem>>
        %dma_start3A_33 = arith.constant 0 : i32
        %dma_start3A_34 = arith.constant 0 : i32
        %dma_start3A_35 = tpu.memref_slice %arg3[%dma_start3A_33, %dma_start3A_34] : memref<10000x128xf32, #tpu.memory_space<hbm>> -> memref<10000x128xf32, #tpu.memory_space<hbm>>
        tpu.enqueue_indirect_dma source(%dma_start3A_35 : memref<10000x128xf32, #tpu.memory_space<hbm>>) target(%arg11 : memref<128x128xf32, #tpu.memory_space<vmem>>) offsets(%dma_start3A_32 : memref<128xi32, #tpu.memory_space<vmem>>) semaphore(%arg13 : memref<!tpu.dma_semaphore, #tpu.memory_space<semaphore_mem>>)
        %dma_start3A_36 = arith.constant 1 : i32
        %dma_start3A_37 = arith.constant 0 : i32
        %dma_start3A_38 = tpu.memref_slice %arg9[%dma_start3A_36, %dma_start3A_37] : memref<16x128xi32, #tpu.memory_space<vmem>> -> memref<1x128xi32, #tpu.memory_space<vmem>>
        %dma_start3A_39 = tpu.memref_squeeze %dma_start3A_38 : memref<1x128xi32, #tpu.memory_space<vmem>> -> memref<128xi32, #tpu.memory_space<vmem>>
        %dma_start3A_40 = arith.constant 0 : i32
        %dma_start3A_41 = arith.constant 0 : i32
        %dma_start3A_42 = tpu.memref_slice %arg3[%dma_start3A_40, %dma_start3A_41] : memref<10000x128xf32, #tpu.memory_space<hbm>> -> memref<10000x128xf32, #tpu.memory_space<hbm>>
        tpu.enqueue_indirect_dma source(%dma_start3A_42 : memref<10000x128xf32, #tpu.memory_space<hbm>>) target(%arg12 : memref<128x128xf32, #tpu.memory_space<vmem>>) offsets(%dma_start3A_39 : memref<128xi32, #tpu.memory_space<vmem>>) semaphore(%arg14 : memref<!tpu.dma_semaphore, #tpu.memory_space<semaphore_mem>>)
        %dma_wait3A = arith.constant 0 : i32
        %dma_wait3A_43 = arith.constant 0 : i32
        %dma_wait3A_44 = tpu.memref_slice %arg9[%dma_wait3A, %dma_wait3A_43] : memref<16x128xi32, #tpu.memory_space<vmem>> -> memref<1x128xi32, #tpu.memory_space<vmem>>
        %dma_wait3A_45 = tpu.memref_squeeze %dma_wait3A_44 : memref<1x128xi32, #tpu.memory_space<vmem>> -> memref<128xi32, #tpu.memory_space<vmem>>
        %dma_wait3A_46 = arith.constant 0 : i32
        %dma_wait3A_47 = arith.constant 0 : i32
        %dma_wait3A_48 = tpu.memref_slice %arg3[%dma_wait3A_46, %dma_wait3A_47] : memref<10000x128xf32, #tpu.memory_space<hbm>> -> memref<10000x128xf32, #tpu.memory_space<hbm>>
        tpu.wait_indirect_dma semaphore(%arg13 : memref<!tpu.dma_semaphore, #tpu.memory_space<semaphore_mem>>) src(%dma_wait3A_48 : memref<10000x128xf32, #tpu.memory_space<hbm>>) dst(%arg11 : memref<128x128xf32, #tpu.memory_space<vmem>>)
        %dma_start3A_49 = arith.constant 0 : i32
        %dma_start3A_50 = arith.constant 0 : i32
        %dma_start3A_51 = tpu.memref_slice %arg10[%dma_start3A_49, %dma_start3A_50] : memref<16x128xi32, #tpu.memory_space<vmem>> -> memref<1x128xi32, #tpu.memory_space<vmem>>
        %dma_start3A_52 = tpu.memref_squeeze %dma_start3A_51 : memref<1x128xi32, #tpu.memory_space<vmem>> -> memref<128xi32, #tpu.memory_space<vmem>>
        %dma_start3A_53 = arith.constant 0 : i32
        %dma_start3A_54 = arith.constant 0 : i32
        %dma_start3A_55 = tpu.memref_slice %arg8[%dma_start3A_53, %dma_start3A_54] : memref<10240x128xf32, #tpu.memory_space<vmem_shared>> -> memref<10240x128xf32, #tpu.memory_space<vmem_shared>>
        tpu.enqueue_indirect_dma source(%arg11 : memref<128x128xf32, #tpu.memory_space<vmem>>) target(%dma_start3A_55 : memref<10240x128xf32, #tpu.memory_space<vmem_shared>>) offsets(%dma_start3A_52 : memref<128xi32, #tpu.memory_space<vmem>>) semaphore(%arg15 : memref<!tpu.dma_semaphore, #tpu.memory_space<semaphore_mem>>) {add = true}
        %dma_wait3A_56 = arith.constant 0 : i32
        %dma_wait3A_57 = arith.constant 0 : i32
        %dma_wait3A_58 = tpu.memref_slice %arg10[%dma_wait3A_56, %dma_wait3A_57] : memref<16x128xi32, #tpu.memory_space<vmem>> -> memref<1x128xi32, #tpu.memory_space<vmem>>
        %dma_wait3A_59 = tpu.memref_squeeze %dma_wait3A_58 : memref<1x128xi32, #tpu.memory_space<vmem>> -> memref<128xi32, #tpu.memory_space<vmem>>
        %dma_wait3A_60 = arith.constant 0 : i32
        %dma_wait3A_61 = arith.constant 0 : i32
        %dma_wait3A_62 = tpu.memref_slice %arg8[%dma_wait3A_60, %dma_wait3A_61] : memref<10240x128xf32, #tpu.memory_space<vmem_shared>> -> memref<10240x128xf32, #tpu.memory_space<vmem_shared>>
        tpu.wait_indirect_dma semaphore(%arg15 : memref<!tpu.dma_semaphore, #tpu.memory_space<semaphore_mem>>) src(%arg11 : memref<128x128xf32, #tpu.memory_space<vmem>>) dst(%dma_wait3A_62 : memref<10240x128xf32, #tpu.memory_space<vmem_shared>>)
        %dma_start3A_63 = arith.constant 2 : i32
        %dma_start3A_64 = arith.constant 0 : i32
        %dma_start3A_65 = tpu.memref_slice %arg9[%dma_start3A_63, %dma_start3A_64] : memref<16x128xi32, #tpu.memory_space<vmem>> -> memref<1x128xi32, #tpu.memory_space<vmem>>
        %dma_start3A_66 = tpu.memref_squeeze %dma_start3A_65 : memref<1x128xi32, #tpu.memory_space<vmem>> -> memref<128xi32, #tpu.memory_space<vmem>>
        %dma_start3A_67 = arith.constant 0 : i32
        %dma_start3A_68 = arith.constant 0 : i32
        %dma_start3A_69 = tpu.memref_slice %arg3[%dma_start3A_67, %dma_start3A_68] : memref<10000x128xf32, #tpu.memory_space<hbm>> -> memref<10000x128xf32, #tpu.memory_space<hbm>>
        tpu.enqueue_indirect_dma source(%dma_start3A_69 : memref<10000x128xf32, #tpu.memory_space<hbm>>) target(%arg11 : memref<128x128xf32, #tpu.memory_space<vmem>>) offsets(%dma_start3A_66 : memref<128xi32, #tpu.memory_space<vmem>>) semaphore(%arg13 : memref<!tpu.dma_semaphore, #tpu.memory_space<semaphore_mem>>)
        %dma_wait3A_70 = arith.constant 1 : i32
        %dma_wait3A_71 = arith.constant 0 : i32
        %dma_wait3A_72 = tpu.memref_slice %arg9[%dma_wait3A_70, %dma_wait3A_71] : memref<16x128xi32, #tpu.memory_space<vmem>> -> memref<1x128xi32, #tpu.memory_space<vmem>>
        %dma_wait3A_73 = tpu.memref_squeeze %dma_wait3A_72 : memref<1x128xi32, #tpu.memory_space<vmem>> -> memref<128xi32, #tpu.memory_space<vmem>>
        %dma_wait3A_74 = arith.constant 0 : i32
        %dma_wait3A_75 = arith.constant 0 : i32
        %dma_wait3A_76 = tpu.memref_slice %arg3[%dma_wait3A_74, %dma_wait3A_75] : memref<10000x128xf32, #tpu.memory_space<hbm>> -> memref<10000x128xf32, #tpu.memory_space<hbm>>
        tpu.wait_indirect_dma semaphore(%arg14 : memref<!tpu.dma_semaphore, #tpu.memory_space<semaphore_mem>>) src(%dma_wait3A_76 : memref<10000x128xf32, #tpu.memory_space<hbm>>) dst(%arg12 : memref<128x128xf32, #tpu.memory_space<vmem>>)
        %dma_start3A_77 = arith.constant 1 : i32
        %dma_start3A_78 = arith.constant 0 : i32
        %dma_start3A_79 = tpu.memref_slice %arg10[%dma_start3A_77, %dma_start3A_78] : memref<16x128xi32, #tpu.memory_space<vmem>> -> memref<1x128xi32, #tpu.memory_space<vmem>>
        %dma_start3A_80 = tpu.memref_squeeze %dma_start3A_79 : memref<1x128xi32, #tpu.memory_space<vmem>> -> memref<128xi32, #tpu.memory_space<vmem>>
        %dma_start3A_81 = arith.constant 0 : i32
        %dma_start3A_82 = arith.constant 0 : i32
        %dma_start3A_83 = tpu.memref_slice %arg8[%dma_start3A_81, %dma_start3A_82] : memref<10240x128xf32, #tpu.memory_space<vmem_shared>> -> memref<10240x128xf32, #tpu.memory_space<vmem_shared>>
        tpu.enqueue_indirect_dma source(%arg12 : memref<128x128xf32, #tpu.memory_space<vmem>>) target(%dma_start3A_83 : memref<10240x128xf32, #tpu.memory_space<vmem_shared>>) offsets(%dma_start3A_80 : memref<128xi32, #tpu.memory_space<vmem>>) semaphore(%arg16 : memref<!tpu.dma_semaphore, #tpu.memory_space<semaphore_mem>>) {add = true}
        %dma_wait3A_84 = arith.constant 1 : i32
        %dma_wait3A_85 = arith.constant 0 : i32
        %dma_wait3A_86 = tpu.memref_slice %arg10[%dma_wait3A_84, %dma_wait3A_85] : memref<16x128xi32, #tpu.memory_space<vmem>> -> memref<1x128xi32, #tpu.memory_space<vmem>>
        %dma_wait3A_87 = tpu.memref_squeeze %dma_wait3A_86 : memref<1x128xi32, #tpu.memory_space<vmem>> -> memref<128xi32, #tpu.memory_space<vmem>>
        %dma_wait3A_88 = arith.constant 0 : i32
        %dma_wait3A_89 = arith.constant 0 : i32
        %dma_wait3A_90 = tpu.memref_slice %arg8[%dma_wait3A_88, %dma_wait3A_89] : memref<10240x128xf32, #tpu.memory_space<vmem_shared>> -> memref<10240x128xf32, #tpu.memory_space<vmem_shared>>
        tpu.wait_indirect_dma semaphore(%arg16 : memref<!tpu.dma_semaphore, #tpu.memory_space<semaphore_mem>>) src(%arg12 : memref<128x128xf32, #tpu.memory_space<vmem>>) dst(%dma_wait3A_90 : memref<10240x128xf32, #tpu.memory_space<vmem_shared>>)
        %dma_start3A_91 = arith.constant 3 : i32
        %dma_start3A_92 = arith.constant 0 : i32
        %dma_start3A_93 = tpu.memref_slice %arg9[%dma_start3A_91, %dma_start3A_92] : memref<16x128xi32, #tpu.memory_space<vmem>> -> memref<1x128xi32, #tpu.memory_space<vmem>>
        %dma_start3A_94 = tpu.memref_squeeze %dma_start3A_93 : memref<1x128xi32, #tpu.memory_space<vmem>> -> memref<128xi32, #tpu.memory_space<vmem>>
        %dma_start3A_95 = arith.constant 0 : i32
        %dma_start3A_96 = arith.constant 0 : i32
        %dma_start3A_97 = tpu.memref_slice %arg3[%dma_start3A_95, %dma_start3A_96] : memref<10000x128xf32, #tpu.memory_space<hbm>> -> memref<10000x128xf32, #tpu.memory_space<hbm>>
        tpu.enqueue_indirect_dma source(%dma_start3A_97 : memref<10000x128xf32, #tpu.memory_space<hbm>>) target(%arg12 : memref<128x128xf32, #tpu.memory_space<vmem>>) offsets(%dma_start3A_94 : memref<128xi32, #tpu.memory_space<vmem>>) semaphore(%arg14 : memref<!tpu.dma_semaphore, #tpu.memory_space<semaphore_mem>>)
        %dma_wait3A_98 = arith.constant 2 : i32
        %dma_wait3A_99 = arith.constant 0 : i32
        %dma_wait3A_100 = tpu.memref_slice %arg9[%dma_wait3A_98, %dma_wait3A_99] : memref<16x128xi32, #tpu.memory_space<vmem>> -> memref<1x128xi32, #tpu.memory_space<vmem>>
        %dma_wait3A_101 = tpu.memref_squeeze %dma_wait3A_100 : memref<1x128xi32, #tpu.memory_space<vmem>> -> memref<128xi32, #tpu.memory_space<vmem>>
        %dma_wait3A_102 = arith.constant 0 : i32
        %dma_wait3A_103 = arith.constant 0 : i32
        %dma_wait3A_104 = tpu.memref_slice %arg3[%dma_wait3A_102, %dma_wait3A_103] : memref<10000x128xf32, #tpu.memory_space<hbm>> -> memref<10000x128xf32, #tpu.memory_space<hbm>>
        tpu.wait_indirect_dma semaphore(%arg13 : memref<!tpu.dma_semaphore, #tpu.memory_space<semaphore_mem>>) src(%dma_wait3A_104 : memref<10000x128xf32, #tpu.memory_space<hbm>>) dst(%arg11 : memref<128x128xf32, #tpu.memory_space<vmem>>)
        %dma_start3A_105 = arith.constant 2 : i32
        %dma_start3A_106 = arith.constant 0 : i32
        %dma_start3A_107 = tpu.memref_slice %arg10[%dma_start3A_105, %dma_start3A_106] : memref<16x128xi32, #tpu.memory_space<vmem>> -> memref<1x128xi32, #tpu.memory_space<vmem>>
        %dma_start3A_108 = tpu.memref_squeeze %dma_start3A_107 : memref<1x128xi32, #tpu.memory_space<vmem>> -> memref<128xi32, #tpu.memory_space<vmem>>
        %dma_start3A_109 = arith.constant 0 : i32
        %dma_start3A_110 = arith.constant 0 : i32
        %dma_start3A_111 = tpu.memref_slice %arg8[%dma_start3A_109, %dma_start3A_110] : memref<10240x128xf32, #tpu.memory_space<vmem_shared>> -> memref<10240x128xf32, #tpu.memory_space<vmem_shared>>
        tpu.enqueue_indirect_dma source(%arg11 : memref<128x128xf32, #tpu.memory_space<vmem>>) target(%dma_start3A_111 : memref<10240x128xf32, #tpu.memory_space<vmem_shared>>) offsets(%dma_start3A_108 : memref<128xi32, #tpu.memory_space<vmem>>) semaphore(%arg15 : memref<!tpu.dma_semaphore, #tpu.memory_space<semaphore_mem>>) {add = true}
        %dma_wait3A_112 = arith.constant 2 : i32
        %dma_wait3A_113 = arith.constant 0 : i32
        %dma_wait3A_114 = tpu.memref_slice %arg10[%dma_wait3A_112, %dma_wait3A_113] : memref<16x128xi32, #tpu.memory_space<vmem>> -> memref<1x128xi32, #tpu.memory_space<vmem>>
        %dma_wait3A_115 = tpu.memref_squeeze %dma_wait3A_114 : memref<1x128xi32, #tpu.memory_space<vmem>> -> memref<128xi32, #tpu.memory_space<vmem>>
        %dma_wait3A_116 = arith.constant 0 : i32
        %dma_wait3A_117 = arith.constant 0 : i32
        %dma_wait3A_118 = tpu.memref_slice %arg8[%dma_wait3A_116, %dma_wait3A_117] : memref<10240x128xf32, #tpu.memory_space<vmem_shared>> -> memref<10240x128xf32, #tpu.memory_space<vmem_shared>>
        tpu.wait_indirect_dma semaphore(%arg15 : memref<!tpu.dma_semaphore, #tpu.memory_space<semaphore_mem>>) src(%arg11 : memref<128x128xf32, #tpu.memory_space<vmem>>) dst(%dma_wait3A_118 : memref<10240x128xf32, #tpu.memory_space<vmem_shared>>)
        %dma_start3A_119 = arith.constant 4 : i32
        %dma_start3A_120 = arith.constant 0 : i32
        %dma_start3A_121 = tpu.memref_slice %arg9[%dma_start3A_119, %dma_start3A_120] : memref<16x128xi32, #tpu.memory_space<vmem>> -> memref<1x128xi32, #tpu.memory_space<vmem>>
        %dma_start3A_122 = tpu.memref_squeeze %dma_start3A_121 : memref<1x128xi32, #tpu.memory_space<vmem>> -> memref<128xi32, #tpu.memory_space<vmem>>
        %dma_start3A_123 = arith.constant 0 : i32
        %dma_start3A_124 = arith.constant 0 : i32
        %dma_start3A_125 = tpu.memref_slice %arg3[%dma_start3A_123, %dma_start3A_124] : memref<10000x128xf32, #tpu.memory_space<hbm>> -> memref<10000x128xf32, #tpu.memory_space<hbm>>
        tpu.enqueue_indirect_dma source(%dma_start3A_125 : memref<10000x128xf32, #tpu.memory_space<hbm>>) target(%arg11 : memref<128x128xf32, #tpu.memory_space<vmem>>) offsets(%dma_start3A_122 : memref<128xi32, #tpu.memory_space<vmem>>) semaphore(%arg13 : memref<!tpu.dma_semaphore, #tpu.memory_space<semaphore_mem>>)
        %dma_wait3A_126 = arith.constant 3 : i32
        %dma_wait3A_127 = arith.constant 0 : i32
        %dma_wait3A_128 = tpu.memref_slice %arg9[%dma_wait3A_126, %dma_wait3A_127] : memref<16x128xi32, #tpu.memory_space<vmem>> -> memref<1x128xi32, #tpu.memory_space<vmem>>
        %dma_wait3A_129 = tpu.memref_squeeze %dma_wait3A_128 : memref<1x128xi32, #tpu.memory_space<vmem>> -> memref<128xi32, #tpu.memory_space<vmem>>
        %dma_wait3A_130 = arith.constant 0 : i32
        %dma_wait3A_131 = arith.constant 0 : i32
        %dma_wait3A_132 = tpu.memref_slice %arg3[%dma_wait3A_130, %dma_wait3A_131] : memref<10000x128xf32, #tpu.memory_space<hbm>> -> memref<10000x128xf32, #tpu.memory_space<hbm>>
        tpu.wait_indirect_dma semaphore(%arg14 : memref<!tpu.dma_semaphore, #tpu.memory_space<semaphore_mem>>) src(%dma_wait3A_132 : memref<10000x128xf32, #tpu.memory_space<hbm>>) dst(%arg12 : memref<128x128xf32, #tpu.memory_space<vmem>>)
        %dma_start3A_133 = arith.constant 3 : i32
        %dma_start3A_134 = arith.constant 0 : i32
        %dma_start3A_135 = tpu.memref_slice %arg10[%dma_start3A_133, %dma_start3A_134] : memref<16x128xi32, #tpu.memory_space<vmem>> -> memref<1x128xi32, #tpu.memory_space<vmem>>
        %dma_start3A_136 = tpu.memref_squeeze %dma_start3A_135 : memref<1x128xi32, #tpu.memory_space<vmem>> -> memref<128xi32, #tpu.memory_space<vmem>>
        %dma_start3A_137 = arith.constant 0 : i32
        %dma_start3A_138 = arith.constant 0 : i32
        %dma_start3A_139 = tpu.memref_slice %arg8[%dma_start3A_137, %dma_start3A_138] : memref<10240x128xf32, #tpu.memory_space<vmem_shared>> -> memref<10240x128xf32, #tpu.memory_space<vmem_shared>>
        tpu.enqueue_indirect_dma source(%arg12 : memref<128x128xf32, #tpu.memory_space<vmem>>) target(%dma_start3A_139 : memref<10240x128xf32, #tpu.memory_space<vmem_shared>>) offsets(%dma_start3A_136 : memref<128xi32, #tpu.memory_space<vmem>>) semaphore(%arg16 : memref<!tpu.dma_semaphore, #tpu.memory_space<semaphore_mem>>) {add = true}
        %dma_wait3A_140 = arith.constant 3 : i32
        %dma_wait3A_141 = arith.constant 0 : i32
        %dma_wait3A_142 = tpu.memref_slice %arg10[%dma_wait3A_140, %dma_wait3A_141] : memref<16x128xi32, #tpu.memory_space<vmem>> -> memref<1x128xi32, #tpu.memory_space<vmem>>
        %dma_wait3A_143 = tpu.memref_squeeze %dma_wait3A_142 : memref<1x128xi32, #tpu.memory_space<vmem>> -> memref<128xi32, #tpu.memory_space<vmem>>
        %dma_wait3A_144 = arith.constant 0 : i32
        %dma_wait3A_145 = arith.constant 0 : i32
        %dma_wait3A_146 = tpu.memref_slice %arg8[%dma_wait3A_144, %dma_wait3A_145] : memref<10240x128xf32, #tpu.memory_space<vmem_shared>> -> memref<10240x128xf32, #tpu.memory_space<vmem_shared>>
        tpu.wait_indirect_dma semaphore(%arg16 : memref<!tpu.dma_semaphore, #tpu.memory_space<semaphore_mem>>) src(%arg12 : memref<128x128xf32, #tpu.memory_space<vmem>>) dst(%dma_wait3A_146 : memref<10240x128xf32, #tpu.memory_space<vmem_shared>>)
        %dma_start3A_147 = arith.constant 5 : i32
        %dma_start3A_148 = arith.constant 0 : i32
        %dma_start3A_149 = tpu.memref_slice %arg9[%dma_start3A_147, %dma_start3A_148] : memref<16x128xi32, #tpu.memory_space<vmem>> -> memref<1x128xi32, #tpu.memory_space<vmem>>
        %dma_start3A_150 = tpu.memref_squeeze %dma_start3A_149 : memref<1x128xi32, #tpu.memory_space<vmem>> -> memref<128xi32, #tpu.memory_space<vmem>>
        %dma_start3A_151 = arith.constant 0 : i32
        %dma_start3A_152 = arith.constant 0 : i32
        %dma_start3A_153 = tpu.memref_slice %arg3[%dma_start3A_151, %dma_start3A_152] : memref<10000x128xf32, #tpu.memory_space<hbm>> -> memref<10000x128xf32, #tpu.memory_space<hbm>>
        tpu.enqueue_indirect_dma source(%dma_start3A_153 : memref<10000x128xf32, #tpu.memory_space<hbm>>) target(%arg12 : memref<128x128xf32, #tpu.memory_space<vmem>>) offsets(%dma_start3A_150 : memref<128xi32, #tpu.memory_space<vmem>>) semaphore(%arg14 : memref<!tpu.dma_semaphore, #tpu.memory_space<semaphore_mem>>)
        %dma_wait3A_154 = arith.constant 4 : i32
        %dma_wait3A_155 = arith.constant 0 : i32
        %dma_wait3A_156 = tpu.memref_slice %arg9[%dma_wait3A_154, %dma_wait3A_155] : memref<16x128xi32, #tpu.memory_space<vmem>> -> memref<1x128xi32, #tpu.memory_space<vmem>>
        %dma_wait3A_157 = tpu.memref_squeeze %dma_wait3A_156 : memref<1x128xi32, #tpu.memory_space<vmem>> -> memref<128xi32, #tpu.memory_space<vmem>>
        %dma_wait3A_158 = arith.constant 0 : i32
        %dma_wait3A_159 = arith.constant 0 : i32
        %dma_wait3A_160 = tpu.memref_slice %arg3[%dma_wait3A_158, %dma_wait3A_159] : memref<10000x128xf32, #tpu.memory_space<hbm>> -> memref<10000x128xf32, #tpu.memory_space<hbm>>
        tpu.wait_indirect_dma semaphore(%arg13 : memref<!tpu.dma_semaphore, #tpu.memory_space<semaphore_mem>>) src(%dma_wait3A_160 : memref<10000x128xf32, #tpu.memory_space<hbm>>) dst(%arg11 : memref<128x128xf32, #tpu.memory_space<vmem>>)
        %dma_start3A_161 = arith.constant 4 : i32
        %dma_start3A_162 = arith.constant 0 : i32
        %dma_start3A_163 = tpu.memref_slice %arg10[%dma_start3A_161, %dma_start3A_162] : memref<16x128xi32, #tpu.memory_space<vmem>> -> memref<1x128xi32, #tpu.memory_space<vmem>>
        %dma_start3A_164 = tpu.memref_squeeze %dma_start3A_163 : memref<1x128xi32, #tpu.memory_space<vmem>> -> memref<128xi32, #tpu.memory_space<vmem>>
        %dma_start3A_165 = arith.constant 0 : i32
        %dma_start3A_166 = arith.constant 0 : i32
        %dma_start3A_167 = tpu.memref_slice %arg8[%dma_start3A_165, %dma_start3A_166] : memref<10240x128xf32, #tpu.memory_space<vmem_shared>> -> memref<10240x128xf32, #tpu.memory_space<vmem_shared>>
        tpu.enqueue_indirect_dma source(%arg11 : memref<128x128xf32, #tpu.memory_space<vmem>>) target(%dma_start3A_167 : memref<10240x128xf32, #tpu.memory_space<vmem_shared>>) offsets(%dma_start3A_164 : memref<128xi32, #tpu.memory_space<vmem>>) semaphore(%arg15 : memref<!tpu.dma_semaphore, #tpu.memory_space<semaphore_mem>>) {add = true}
        %dma_wait3A_168 = arith.constant 4 : i32
        %dma_wait3A_169 = arith.constant 0 : i32
        %dma_wait3A_170 = tpu.memref_slice %arg10[%dma_wait3A_168, %dma_wait3A_169] : memref<16x128xi32, #tpu.memory_space<vmem>> -> memref<1x128xi32, #tpu.memory_space<vmem>>
        %dma_wait3A_171 = tpu.memref_squeeze %dma_wait3A_170 : memref<1x128xi32, #tpu.memory_space<vmem>> -> memref<128xi32, #tpu.memory_space<vmem>>
        %dma_wait3A_172 = arith.constant 0 : i32
        %dma_wait3A_173 = arith.constant 0 : i32
        %dma_wait3A_174 = tpu.memref_slice %arg8[%dma_wait3A_172, %dma_wait3A_173] : memref<10240x128xf32, #tpu.memory_space<vmem_shared>> -> memref<10240x128xf32, #tpu.memory_space<vmem_shared>>
        tpu.wait_indirect_dma semaphore(%arg15 : memref<!tpu.dma_semaphore, #tpu.memory_space<semaphore_mem>>) src(%arg11 : memref<128x128xf32, #tpu.memory_space<vmem>>) dst(%dma_wait3A_174 : memref<10240x128xf32, #tpu.memory_space<vmem_shared>>)
        %dma_start3A_175 = arith.constant 6 : i32
        %dma_start3A_176 = arith.constant 0 : i32
        %dma_start3A_177 = tpu.memref_slice %arg9[%dma_start3A_175, %dma_start3A_176] : memref<16x128xi32, #tpu.memory_space<vmem>> -> memref<1x128xi32, #tpu.memory_space<vmem>>
        %dma_start3A_178 = tpu.memref_squeeze %dma_start3A_177 : memref<1x128xi32, #tpu.memory_space<vmem>> -> memref<128xi32, #tpu.memory_space<vmem>>
        %dma_start3A_179 = arith.constant 0 : i32
        %dma_start3A_180 = arith.constant 0 : i32
        %dma_start3A_181 = tpu.memref_slice %arg3[%dma_start3A_179, %dma_start3A_180] : memref<10000x128xf32, #tpu.memory_space<hbm>> -> memref<10000x128xf32, #tpu.memory_space<hbm>>
        tpu.enqueue_indirect_dma source(%dma_start3A_181 : memref<10000x128xf32, #tpu.memory_space<hbm>>) target(%arg11 : memref<128x128xf32, #tpu.memory_space<vmem>>) offsets(%dma_start3A_178 : memref<128xi32, #tpu.memory_space<vmem>>) semaphore(%arg13 : memref<!tpu.dma_semaphore, #tpu.memory_space<semaphore_mem>>)
        %dma_wait3A_182 = arith.constant 5 : i32
        %dma_wait3A_183 = arith.constant 0 : i32
        %dma_wait3A_184 = tpu.memref_slice %arg9[%dma_wait3A_182, %dma_wait3A_183] : memref<16x128xi32, #tpu.memory_space<vmem>> -> memref<1x128xi32, #tpu.memory_space<vmem>>
        %dma_wait3A_185 = tpu.memref_squeeze %dma_wait3A_184 : memref<1x128xi32, #tpu.memory_space<vmem>> -> memref<128xi32, #tpu.memory_space<vmem>>
        %dma_wait3A_186 = arith.constant 0 : i32
        %dma_wait3A_187 = arith.constant 0 : i32
        %dma_wait3A_188 = tpu.memref_slice %arg3[%dma_wait3A_186, %dma_wait3A_187] : memref<10000x128xf32, #tpu.memory_space<hbm>> -> memref<10000x128xf32, #tpu.memory_space<hbm>>
        tpu.wait_indirect_dma semaphore(%arg14 : memref<!tpu.dma_semaphore, #tpu.memory_space<semaphore_mem>>) src(%dma_wait3A_188 : memref<10000x128xf32, #tpu.memory_space<hbm>>) dst(%arg12 : memref<128x128xf32, #tpu.memory_space<vmem>>)
        %dma_start3A_189 = arith.constant 5 : i32
        %dma_start3A_190 = arith.constant 0 : i32
        %dma_start3A_191 = tpu.memref_slice %arg10[%dma_start3A_189, %dma_start3A_190] : memref<16x128xi32, #tpu.memory_space<vmem>> -> memref<1x128xi32, #tpu.memory_space<vmem>>
        %dma_start3A_192 = tpu.memref_squeeze %dma_start3A_191 : memref<1x128xi32, #tpu.memory_space<vmem>> -> memref<128xi32, #tpu.memory_space<vmem>>
        %dma_start3A_193 = arith.constant 0 : i32
        %dma_start3A_194 = arith.constant 0 : i32
        %dma_start3A_195 = tpu.memref_slice %arg8[%dma_start3A_193, %dma_start3A_194] : memref<10240x128xf32, #tpu.memory_space<vmem_shared>> -> memref<10240x128xf32, #tpu.memory_space<vmem_shared>>
        tpu.enqueue_indirect_dma source(%arg12 : memref<128x128xf32, #tpu.memory_space<vmem>>) target(%dma_start3A_195 : memref<10240x128xf32, #tpu.memory_space<vmem_shared>>) offsets(%dma_start3A_192 : memref<128xi32, #tpu.memory_space<vmem>>) semaphore(%arg16 : memref<!tpu.dma_semaphore, #tpu.memory_space<semaphore_mem>>) {add = true}
        %dma_wait3A_196 = arith.constant 5 : i32
        %dma_wait3A_197 = arith.constant 0 : i32
        %dma_wait3A_198 = tpu.memref_slice %arg10[%dma_wait3A_196, %dma_wait3A_197] : memref<16x128xi32, #tpu.memory_space<vmem>> -> memref<1x128xi32, #tpu.memory_space<vmem>>
        %dma_wait3A_199 = tpu.memref_squeeze %dma_wait3A_198 : memref<1x128xi32, #tpu.memory_space<vmem>> -> memref<128xi32, #tpu.memory_space<vmem>>
        %dma_wait3A_200 = arith.constant 0 : i32
        %dma_wait3A_201 = arith.constant 0 : i32
        %dma_wait3A_202 = tpu.memref_slice %arg8[%dma_wait3A_200, %dma_wait3A_201] : memref<10240x128xf32, #tpu.memory_space<vmem_shared>> -> memref<10240x128xf32, #tpu.memory_space<vmem_shared>>
        tpu.wait_indirect_dma semaphore(%arg16 : memref<!tpu.dma_semaphore, #tpu.memory_space<semaphore_mem>>) src(%arg12 : memref<128x128xf32, #tpu.memory_space<vmem>>) dst(%dma_wait3A_202 : memref<10240x128xf32, #tpu.memory_space<vmem_shared>>)
        %dma_start3A_203 = arith.constant 7 : i32
        %dma_start3A_204 = arith.constant 0 : i32
        %dma_start3A_205 = tpu.memref_slice %arg9[%dma_start3A_203, %dma_start3A_204] : memref<16x128xi32, #tpu.memory_space<vmem>> -> memref<1x128xi32, #tpu.memory_space<vmem>>
        %dma_start3A_206 = tpu.memref_squeeze %dma_start3A_205 : memref<1x128xi32, #tpu.memory_space<vmem>> -> memref<128xi32, #tpu.memory_space<vmem>>
        %dma_start3A_207 = arith.constant 0 : i32
        %dma_start3A_208 = arith.constant 0 : i32
        %dma_start3A_209 = tpu.memref_slice %arg3[%dma_start3A_207, %dma_start3A_208] : memref<10000x128xf32, #tpu.memory_space<hbm>> -> memref<10000x128xf32, #tpu.memory_space<hbm>>
        tpu.enqueue_indirect_dma source(%dma_start3A_209 : memref<10000x128xf32, #tpu.memory_space<hbm>>) target(%arg12 : memref<128x128xf32, #tpu.memory_space<vmem>>) offsets(%dma_start3A_206 : memref<128xi32, #tpu.memory_space<vmem>>) semaphore(%arg14 : memref<!tpu.dma_semaphore, #tpu.memory_space<semaphore_mem>>)
        %dma_wait3A_210 = arith.constant 6 : i32
        %dma_wait3A_211 = arith.constant 0 : i32
        %dma_wait3A_212 = tpu.memref_slice %arg9[%dma_wait3A_210, %dma_wait3A_211] : memref<16x128xi32, #tpu.memory_space<vmem>> -> memref<1x128xi32, #tpu.memory_space<vmem>>
        %dma_wait3A_213 = tpu.memref_squeeze %dma_wait3A_212 : memref<1x128xi32, #tpu.memory_space<vmem>> -> memref<128xi32, #tpu.memory_space<vmem>>
        %dma_wait3A_214 = arith.constant 0 : i32
        %dma_wait3A_215 = arith.constant 0 : i32
        %dma_wait3A_216 = tpu.memref_slice %arg3[%dma_wait3A_214, %dma_wait3A_215] : memref<10000x128xf32, #tpu.memory_space<hbm>> -> memref<10000x128xf32, #tpu.memory_space<hbm>>
        tpu.wait_indirect_dma semaphore(%arg13 : memref<!tpu.dma_semaphore, #tpu.memory_space<semaphore_mem>>) src(%dma_wait3A_216 : memref<10000x128xf32, #tpu.memory_space<hbm>>) dst(%arg11 : memref<128x128xf32, #tpu.memory_space<vmem>>)
        %dma_start3A_217 = arith.constant 6 : i32
        %dma_start3A_218 = arith.constant 0 : i32
        %dma_start3A_219 = tpu.memref_slice %arg10[%dma_start3A_217, %dma_start3A_218] : memref<16x128xi32, #tpu.memory_space<vmem>> -> memref<1x128xi32, #tpu.memory_space<vmem>>
        %dma_start3A_220 = tpu.memref_squeeze %dma_start3A_219 : memref<1x128xi32, #tpu.memory_space<vmem>> -> memref<128xi32, #tpu.memory_space<vmem>>
        %dma_start3A_221 = arith.constant 0 : i32
        %dma_start3A_222 = arith.constant 0 : i32
        %dma_start3A_223 = tpu.memref_slice %arg8[%dma_start3A_221, %dma_start3A_222] : memref<10240x128xf32, #tpu.memory_space<vmem_shared>> -> memref<10240x128xf32, #tpu.memory_space<vmem_shared>>
        tpu.enqueue_indirect_dma source(%arg11 : memref<128x128xf32, #tpu.memory_space<vmem>>) target(%dma_start3A_223 : memref<10240x128xf32, #tpu.memory_space<vmem_shared>>) offsets(%dma_start3A_220 : memref<128xi32, #tpu.memory_space<vmem>>) semaphore(%arg15 : memref<!tpu.dma_semaphore, #tpu.memory_space<semaphore_mem>>) {add = true}
        %dma_wait3A_224 = arith.constant 6 : i32
        %dma_wait3A_225 = arith.constant 0 : i32
        %dma_wait3A_226 = tpu.memref_slice %arg10[%dma_wait3A_224, %dma_wait3A_225] : memref<16x128xi32, #tpu.memory_space<vmem>> -> memref<1x128xi32, #tpu.memory_space<vmem>>
        %dma_wait3A_227 = tpu.memref_squeeze %dma_wait3A_226 : memref<1x128xi32, #tpu.memory_space<vmem>> -> memref<128xi32, #tpu.memory_space<vmem>>
        %dma_wait3A_228 = arith.constant 0 : i32
        %dma_wait3A_229 = arith.constant 0 : i32
        %dma_wait3A_230 = tpu.memref_slice %arg8[%dma_wait3A_228, %dma_wait3A_229] : memref<10240x128xf32, #tpu.memory_space<vmem_shared>> -> memref<10240x128xf32, #tpu.memory_space<vmem_shared>>
        tpu.wait_indirect_dma semaphore(%arg15 : memref<!tpu.dma_semaphore, #tpu.memory_space<semaphore_mem>>) src(%arg11 : memref<128x128xf32, #tpu.memory_space<vmem>>) dst(%dma_wait3A_230 : memref<10240x128xf32, #tpu.memory_space<vmem_shared>>)
        %dma_start3A_231 = arith.constant 8 : i32
        %dma_start3A_232 = arith.constant 0 : i32
        %dma_start3A_233 = tpu.memref_slice %arg9[%dma_start3A_231, %dma_start3A_232] : memref<16x128xi32, #tpu.memory_space<vmem>> -> memref<1x128xi32, #tpu.memory_space<vmem>>
        %dma_start3A_234 = tpu.memref_squeeze %dma_start3A_233 : memref<1x128xi32, #tpu.memory_space<vmem>> -> memref<128xi32, #tpu.memory_space<vmem>>
        %dma_start3A_235 = arith.constant 0 : i32
        %dma_start3A_236 = arith.constant 0 : i32
        %dma_start3A_237 = tpu.memref_slice %arg3[%dma_start3A_235, %dma_start3A_236] : memref<10000x128xf32, #tpu.memory_space<hbm>> -> memref<10000x128xf32, #tpu.memory_space<hbm>>
        tpu.enqueue_indirect_dma source(%dma_start3A_237 : memref<10000x128xf32, #tpu.memory_space<hbm>>) target(%arg11 : memref<128x128xf32, #tpu.memory_space<vmem>>) offsets(%dma_start3A_234 : memref<128xi32, #tpu.memory_space<vmem>>) semaphore(%arg13 : memref<!tpu.dma_semaphore, #tpu.memory_space<semaphore_mem>>)
        %dma_wait3A_238 = arith.constant 7 : i32
        %dma_wait3A_239 = arith.constant 0 : i32
        %dma_wait3A_240 = tpu.memref_slice %arg9[%dma_wait3A_238, %dma_wait3A_239] : memref<16x128xi32, #tpu.memory_space<vmem>> -> memref<1x128xi32, #tpu.memory_space<vmem>>
        %dma_wait3A_241 = tpu.memref_squeeze %dma_wait3A_240 : memref<1x128xi32, #tpu.memory_space<vmem>> -> memref<128xi32, #tpu.memory_space<vmem>>
        %dma_wait3A_242 = arith.constant 0 : i32
        %dma_wait3A_243 = arith.constant 0 : i32
        %dma_wait3A_244 = tpu.memref_slice %arg3[%dma_wait3A_242, %dma_wait3A_243] : memref<10000x128xf32, #tpu.memory_space<hbm>> -> memref<10000x128xf32, #tpu.memory_space<hbm>>
        tpu.wait_indirect_dma semaphore(%arg14 : memref<!tpu.dma_semaphore, #tpu.memory_space<semaphore_mem>>) src(%dma_wait3A_244 : memref<10000x128xf32, #tpu.memory_space<hbm>>) dst(%arg12 : memref<128x128xf32, #tpu.memory_space<vmem>>)
        %dma_start3A_245 = arith.constant 7 : i32
        %dma_start3A_246 = arith.constant 0 : i32
        %dma_start3A_247 = tpu.memref_slice %arg10[%dma_start3A_245, %dma_start3A_246] : memref<16x128xi32, #tpu.memory_space<vmem>> -> memref<1x128xi32, #tpu.memory_space<vmem>>
        %dma_start3A_248 = tpu.memref_squeeze %dma_start3A_247 : memref<1x128xi32, #tpu.memory_space<vmem>> -> memref<128xi32, #tpu.memory_space<vmem>>
        %dma_start3A_249 = arith.constant 0 : i32
        %dma_start3A_250 = arith.constant 0 : i32
        %dma_start3A_251 = tpu.memref_slice %arg8[%dma_start3A_249, %dma_start3A_250] : memref<10240x128xf32, #tpu.memory_space<vmem_shared>> -> memref<10240x128xf32, #tpu.memory_space<vmem_shared>>
        tpu.enqueue_indirect_dma source(%arg12 : memref<128x128xf32, #tpu.memory_space<vmem>>) target(%dma_start3A_251 : memref<10240x128xf32, #tpu.memory_space<vmem_shared>>) offsets(%dma_start3A_248 : memref<128xi32, #tpu.memory_space<vmem>>) semaphore(%arg16 : memref<!tpu.dma_semaphore, #tpu.memory_space<semaphore_mem>>) {add = true}
        %dma_wait3A_252 = arith.constant 7 : i32
        %dma_wait3A_253 = arith.constant 0 : i32
        %dma_wait3A_254 = tpu.memref_slice %arg10[%dma_wait3A_252, %dma_wait3A_253] : memref<16x128xi32, #tpu.memory_space<vmem>> -> memref<1x128xi32, #tpu.memory_space<vmem>>
        %dma_wait3A_255 = tpu.memref_squeeze %dma_wait3A_254 : memref<1x128xi32, #tpu.memory_space<vmem>> -> memref<128xi32, #tpu.memory_space<vmem>>
        %dma_wait3A_256 = arith.constant 0 : i32
        %dma_wait3A_257 = arith.constant 0 : i32
        %dma_wait3A_258 = tpu.memref_slice %arg8[%dma_wait3A_256, %dma_wait3A_257] : memref<10240x128xf32, #tpu.memory_space<vmem_shared>> -> memref<10240x128xf32, #tpu.memory_space<vmem_shared>>
        tpu.wait_indirect_dma semaphore(%arg16 : memref<!tpu.dma_semaphore, #tpu.memory_space<semaphore_mem>>) src(%arg12 : memref<128x128xf32, #tpu.memory_space<vmem>>) dst(%dma_wait3A_258 : memref<10240x128xf32, #tpu.memory_space<vmem_shared>>)
        %dma_start3A_259 = arith.constant 9 : i32
        %dma_start3A_260 = arith.constant 0 : i32
        %dma_start3A_261 = tpu.memref_slice %arg9[%dma_start3A_259, %dma_start3A_260] : memref<16x128xi32, #tpu.memory_space<vmem>> -> memref<1x128xi32, #tpu.memory_space<vmem>>
        %dma_start3A_262 = tpu.memref_squeeze %dma_start3A_261 : memref<1x128xi32, #tpu.memory_space<vmem>> -> memref<128xi32, #tpu.memory_space<vmem>>
        %dma_start3A_263 = arith.constant 0 : i32
        %dma_start3A_264 = arith.constant 0 : i32
        %dma_start3A_265 = tpu.memref_slice %arg3[%dma_start3A_263, %dma_start3A_264] : memref<10000x128xf32, #tpu.memory_space<hbm>> -> memref<10000x128xf32, #tpu.memory_space<hbm>>
        tpu.enqueue_indirect_dma source(%dma_start3A_265 : memref<10000x128xf32, #tpu.memory_space<hbm>>) target(%arg12 : memref<128x128xf32, #tpu.memory_space<vmem>>) offsets(%dma_start3A_262 : memref<128xi32, #tpu.memory_space<vmem>>) semaphore(%arg14 : memref<!tpu.dma_semaphore, #tpu.memory_space<semaphore_mem>>)
        %dma_wait3A_266 = arith.constant 8 : i32
        %dma_wait3A_267 = arith.constant 0 : i32
        %dma_wait3A_268 = tpu.memref_slice %arg9[%dma_wait3A_266, %dma_wait3A_267] : memref<16x128xi32, #tpu.memory_space<vmem>> -> memref<1x128xi32, #tpu.memory_space<vmem>>
        %dma_wait3A_269 = tpu.memref_squeeze %dma_wait3A_268 : memref<1x128xi32, #tpu.memory_space<vmem>> -> memref<128xi32, #tpu.memory_space<vmem>>
        %dma_wait3A_270 = arith.constant 0 : i32
        %dma_wait3A_271 = arith.constant 0 : i32
        %dma_wait3A_272 = tpu.memref_slice %arg3[%dma_wait3A_270, %dma_wait3A_271] : memref<10000x128xf32, #tpu.memory_space<hbm>> -> memref<10000x128xf32, #tpu.memory_space<hbm>>
        tpu.wait_indirect_dma semaphore(%arg13 : memref<!tpu.dma_semaphore, #tpu.memory_space<semaphore_mem>>) src(%dma_wait3A_272 : memref<10000x128xf32, #tpu.memory_space<hbm>>) dst(%arg11 : memref<128x128xf32, #tpu.memory_space<vmem>>)
        %dma_start3A_273 = arith.constant 8 : i32
        %dma_start3A_274 = arith.constant 0 : i32
        %dma_start3A_275 = tpu.memref_slice %arg10[%dma_start3A_273, %dma_start3A_274] : memref<16x128xi32, #tpu.memory_space<vmem>> -> memref<1x128xi32, #tpu.memory_space<vmem>>
        %dma_start3A_276 = tpu.memref_squeeze %dma_start3A_275 : memref<1x128xi32, #tpu.memory_space<vmem>> -> memref<128xi32, #tpu.memory_space<vmem>>
        %dma_start3A_277 = arith.constant 0 : i32
        %dma_start3A_278 = arith.constant 0 : i32
        %dma_start3A_279 = tpu.memref_slice %arg8[%dma_start3A_277, %dma_start3A_278] : memref<10240x128xf32, #tpu.memory_space<vmem_shared>> -> memref<10240x128xf32, #tpu.memory_space<vmem_shared>>
        tpu.enqueue_indirect_dma source(%arg11 : memref<128x128xf32, #tpu.memory_space<vmem>>) target(%dma_start3A_279 : memref<10240x128xf32, #tpu.memory_space<vmem_shared>>) offsets(%dma_start3A_276 : memref<128xi32, #tpu.memory_space<vmem>>) semaphore(%arg15 : memref<!tpu.dma_semaphore, #tpu.memory_space<semaphore_mem>>) {add = true}
        %dma_wait3A_280 = arith.constant 8 : i32
        %dma_wait3A_281 = arith.constant 0 : i32
        %dma_wait3A_282 = tpu.memref_slice %arg10[%dma_wait3A_280, %dma_wait3A_281] : memref<16x128xi32, #tpu.memory_space<vmem>> -> memref<1x128xi32, #tpu.memory_space<vmem>>
        %dma_wait3A_283 = tpu.memref_squeeze %dma_wait3A_282 : memref<1x128xi32, #tpu.memory_space<vmem>> -> memref<128xi32, #tpu.memory_space<vmem>>
        %dma_wait3A_284 = arith.constant 0 : i32
        %dma_wait3A_285 = arith.constant 0 : i32
        %dma_wait3A_286 = tpu.memref_slice %arg8[%dma_wait3A_284, %dma_wait3A_285] : memref<10240x128xf32, #tpu.memory_space<vmem_shared>> -> memref<10240x128xf32, #tpu.memory_space<vmem_shared>>
        tpu.wait_indirect_dma semaphore(%arg15 : memref<!tpu.dma_semaphore, #tpu.memory_space<semaphore_mem>>) src(%arg11 : memref<128x128xf32, #tpu.memory_space<vmem>>) dst(%dma_wait3A_286 : memref<10240x128xf32, #tpu.memory_space<vmem_shared>>)
        %dma_start3A_287 = arith.constant 10 : i32
        %dma_start3A_288 = arith.constant 0 : i32
        %dma_start3A_289 = tpu.memref_slice %arg9[%dma_start3A_287, %dma_start3A_288] : memref<16x128xi32, #tpu.memory_space<vmem>> -> memref<1x128xi32, #tpu.memory_space<vmem>>
        %dma_start3A_290 = tpu.memref_squeeze %dma_start3A_289 : memref<1x128xi32, #tpu.memory_space<vmem>> -> memref<128xi32, #tpu.memory_space<vmem>>
        %dma_start3A_291 = arith.constant 0 : i32
        %dma_start3A_292 = arith.constant 0 : i32
        %dma_start3A_293 = tpu.memref_slice %arg3[%dma_start3A_291, %dma_start3A_292] : memref<10000x128xf32, #tpu.memory_space<hbm>> -> memref<10000x128xf32, #tpu.memory_space<hbm>>
        tpu.enqueue_indirect_dma source(%dma_start3A_293 : memref<10000x128xf32, #tpu.memory_space<hbm>>) target(%arg11 : memref<128x128xf32, #tpu.memory_space<vmem>>) offsets(%dma_start3A_290 : memref<128xi32, #tpu.memory_space<vmem>>) semaphore(%arg13 : memref<!tpu.dma_semaphore, #tpu.memory_space<semaphore_mem>>)
        %dma_wait3A_294 = arith.constant 9 : i32
        %dma_wait3A_295 = arith.constant 0 : i32
        %dma_wait3A_296 = tpu.memref_slice %arg9[%dma_wait3A_294, %dma_wait3A_295] : memref<16x128xi32, #tpu.memory_space<vmem>> -> memref<1x128xi32, #tpu.memory_space<vmem>>
        %dma_wait3A_297 = tpu.memref_squeeze %dma_wait3A_296 : memref<1x128xi32, #tpu.memory_space<vmem>> -> memref<128xi32, #tpu.memory_space<vmem>>
        %dma_wait3A_298 = arith.constant 0 : i32
        %dma_wait3A_299 = arith.constant 0 : i32
        %dma_wait3A_300 = tpu.memref_slice %arg3[%dma_wait3A_298, %dma_wait3A_299] : memref<10000x128xf32, #tpu.memory_space<hbm>> -> memref<10000x128xf32, #tpu.memory_space<hbm>>
        tpu.wait_indirect_dma semaphore(%arg14 : memref<!tpu.dma_semaphore, #tpu.memory_space<semaphore_mem>>) src(%dma_wait3A_300 : memref<10000x128xf32, #tpu.memory_space<hbm>>) dst(%arg12 : memref<128x128xf32, #tpu.memory_space<vmem>>)
        %dma_start3A_301 = arith.constant 9 : i32
        %dma_start3A_302 = arith.constant 0 : i32
        %dma_start3A_303 = tpu.memref_slice %arg10[%dma_start3A_301, %dma_start3A_302] : memref<16x128xi32, #tpu.memory_space<vmem>> -> memref<1x128xi32, #tpu.memory_space<vmem>>
        %dma_start3A_304 = tpu.memref_squeeze %dma_start3A_303 : memref<1x128xi32, #tpu.memory_space<vmem>> -> memref<128xi32, #tpu.memory_space<vmem>>
        %dma_start3A_305 = arith.constant 0 : i32
        %dma_start3A_306 = arith.constant 0 : i32
        %dma_start3A_307 = tpu.memref_slice %arg8[%dma_start3A_305, %dma_start3A_306] : memref<10240x128xf32, #tpu.memory_space<vmem_shared>> -> memref<10240x128xf32, #tpu.memory_space<vmem_shared>>
        tpu.enqueue_indirect_dma source(%arg12 : memref<128x128xf32, #tpu.memory_space<vmem>>) target(%dma_start3A_307 : memref<10240x128xf32, #tpu.memory_space<vmem_shared>>) offsets(%dma_start3A_304 : memref<128xi32, #tpu.memory_space<vmem>>) semaphore(%arg16 : memref<!tpu.dma_semaphore, #tpu.memory_space<semaphore_mem>>) {add = true}
        %dma_wait3A_308 = arith.constant 9 : i32
        %dma_wait3A_309 = arith.constant 0 : i32
        %dma_wait3A_310 = tpu.memref_slice %arg10[%dma_wait3A_308, %dma_wait3A_309] : memref<16x128xi32, #tpu.memory_space<vmem>> -> memref<1x128xi32, #tpu.memory_space<vmem>>
        %dma_wait3A_311 = tpu.memref_squeeze %dma_wait3A_310 : memref<1x128xi32, #tpu.memory_space<vmem>> -> memref<128xi32, #tpu.memory_space<vmem>>
        %dma_wait3A_312 = arith.constant 0 : i32
        %dma_wait3A_313 = arith.constant 0 : i32
        %dma_wait3A_314 = tpu.memref_slice %arg8[%dma_wait3A_312, %dma_wait3A_313] : memref<10240x128xf32, #tpu.memory_space<vmem_shared>> -> memref<10240x128xf32, #tpu.memory_space<vmem_shared>>
        tpu.wait_indirect_dma semaphore(%arg16 : memref<!tpu.dma_semaphore, #tpu.memory_space<semaphore_mem>>) src(%arg12 : memref<128x128xf32, #tpu.memory_space<vmem>>) dst(%dma_wait3A_314 : memref<10240x128xf32, #tpu.memory_space<vmem_shared>>)
        %dma_start3A_315 = arith.constant 11 : i32
        %dma_start3A_316 = arith.constant 0 : i32
        %dma_start3A_317 = tpu.memref_slice %arg9[%dma_start3A_315, %dma_start3A_316] : memref<16x128xi32, #tpu.memory_space<vmem>> -> memref<1x128xi32, #tpu.memory_space<vmem>>
        %dma_start3A_318 = tpu.memref_squeeze %dma_start3A_317 : memref<1x128xi32, #tpu.memory_space<vmem>> -> memref<128xi32, #tpu.memory_space<vmem>>
        %dma_start3A_319 = arith.constant 0 : i32
        %dma_start3A_320 = arith.constant 0 : i32
        %dma_start3A_321 = tpu.memref_slice %arg3[%dma_start3A_319, %dma_start3A_320] : memref<10000x128xf32, #tpu.memory_space<hbm>> -> memref<10000x128xf32, #tpu.memory_space<hbm>>
        tpu.enqueue_indirect_dma source(%dma_start3A_321 : memref<10000x128xf32, #tpu.memory_space<hbm>>) target(%arg12 : memref<128x128xf32, #tpu.memory_space<vmem>>) offsets(%dma_start3A_318 : memref<128xi32, #tpu.memory_space<vmem>>) semaphore(%arg14 : memref<!tpu.dma_semaphore, #tpu.memory_space<semaphore_mem>>)
        %dma_wait3A_322 = arith.constant 10 : i32
        %dma_wait3A_323 = arith.constant 0 : i32
        %dma_wait3A_324 = tpu.memref_slice %arg9[%dma_wait3A_322, %dma_wait3A_323] : memref<16x128xi32, #tpu.memory_space<vmem>> -> memref<1x128xi32, #tpu.memory_space<vmem>>
        %dma_wait3A_325 = tpu.memref_squeeze %dma_wait3A_324 : memref<1x128xi32, #tpu.memory_space<vmem>> -> memref<128xi32, #tpu.memory_space<vmem>>
        %dma_wait3A_326 = arith.constant 0 : i32
        %dma_wait3A_327 = arith.constant 0 : i32
        %dma_wait3A_328 = tpu.memref_slice %arg3[%dma_wait3A_326, %dma_wait3A_327] : memref<10000x128xf32, #tpu.memory_space<hbm>> -> memref<10000x128xf32, #tpu.memory_space<hbm>>
        tpu.wait_indirect_dma semaphore(%arg13 : memref<!tpu.dma_semaphore, #tpu.memory_space<semaphore_mem>>) src(%dma_wait3A_328 : memref<10000x128xf32, #tpu.memory_space<hbm>>) dst(%arg11 : memref<128x128xf32, #tpu.memory_space<vmem>>)
        %dma_start3A_329 = arith.constant 10 : i32
        %dma_start3A_330 = arith.constant 0 : i32
        %dma_start3A_331 = tpu.memref_slice %arg10[%dma_start3A_329, %dma_start3A_330] : memref<16x128xi32, #tpu.memory_space<vmem>> -> memref<1x128xi32, #tpu.memory_space<vmem>>
        %dma_start3A_332 = tpu.memref_squeeze %dma_start3A_331 : memref<1x128xi32, #tpu.memory_space<vmem>> -> memref<128xi32, #tpu.memory_space<vmem>>
        %dma_start3A_333 = arith.constant 0 : i32
        %dma_start3A_334 = arith.constant 0 : i32
        %dma_start3A_335 = tpu.memref_slice %arg8[%dma_start3A_333, %dma_start3A_334] : memref<10240x128xf32, #tpu.memory_space<vmem_shared>> -> memref<10240x128xf32, #tpu.memory_space<vmem_shared>>
        tpu.enqueue_indirect_dma source(%arg11 : memref<128x128xf32, #tpu.memory_space<vmem>>) target(%dma_start3A_335 : memref<10240x128xf32, #tpu.memory_space<vmem_shared>>) offsets(%dma_start3A_332 : memref<128xi32, #tpu.memory_space<vmem>>) semaphore(%arg15 : memref<!tpu.dma_semaphore, #tpu.memory_space<semaphore_mem>>) {add = true}
        %dma_wait3A_336 = arith.constant 10 : i32
        %dma_wait3A_337 = arith.constant 0 : i32
        %dma_wait3A_338 = tpu.memref_slice %arg10[%dma_wait3A_336, %dma_wait3A_337] : memref<16x128xi32, #tpu.memory_space<vmem>> -> memref<1x128xi32, #tpu.memory_space<vmem>>
        %dma_wait3A_339 = tpu.memref_squeeze %dma_wait3A_338 : memref<1x128xi32, #tpu.memory_space<vmem>> -> memref<128xi32, #tpu.memory_space<vmem>>
        %dma_wait3A_340 = arith.constant 0 : i32
        %dma_wait3A_341 = arith.constant 0 : i32
        %dma_wait3A_342 = tpu.memref_slice %arg8[%dma_wait3A_340, %dma_wait3A_341] : memref<10240x128xf32, #tpu.memory_space<vmem_shared>> -> memref<10240x128xf32, #tpu.memory_space<vmem_shared>>
        tpu.wait_indirect_dma semaphore(%arg15 : memref<!tpu.dma_semaphore, #tpu.memory_space<semaphore_mem>>) src(%arg11 : memref<128x128xf32, #tpu.memory_space<vmem>>) dst(%dma_wait3A_342 : memref<10240x128xf32, #tpu.memory_space<vmem_shared>>)
        %dma_start3A_343 = arith.constant 12 : i32
        %dma_start3A_344 = arith.constant 0 : i32
        %dma_start3A_345 = tpu.memref_slice %arg9[%dma_start3A_343, %dma_start3A_344] : memref<16x128xi32, #tpu.memory_space<vmem>> -> memref<1x128xi32, #tpu.memory_space<vmem>>
        %dma_start3A_346 = tpu.memref_squeeze %dma_start3A_345 : memref<1x128xi32, #tpu.memory_space<vmem>> -> memref<128xi32, #tpu.memory_space<vmem>>
        %dma_start3A_347 = arith.constant 0 : i32
        %dma_start3A_348 = arith.constant 0 : i32
        %dma_start3A_349 = tpu.memref_slice %arg3[%dma_start3A_347, %dma_start3A_348] : memref<10000x128xf32, #tpu.memory_space<hbm>> -> memref<10000x128xf32, #tpu.memory_space<hbm>>
        tpu.enqueue_indirect_dma source(%dma_start3A_349 : memref<10000x128xf32, #tpu.memory_space<hbm>>) target(%arg11 : memref<128x128xf32, #tpu.memory_space<vmem>>) offsets(%dma_start3A_346 : memref<128xi32, #tpu.memory_space<vmem>>) semaphore(%arg13 : memref<!tpu.dma_semaphore, #tpu.memory_space<semaphore_mem>>)
        %dma_wait3A_350 = arith.constant 11 : i32
        %dma_wait3A_351 = arith.constant 0 : i32
        %dma_wait3A_352 = tpu.memref_slice %arg9[%dma_wait3A_350, %dma_wait3A_351] : memref<16x128xi32, #tpu.memory_space<vmem>> -> memref<1x128xi32, #tpu.memory_space<vmem>>
        %dma_wait3A_353 = tpu.memref_squeeze %dma_wait3A_352 : memref<1x128xi32, #tpu.memory_space<vmem>> -> memref<128xi32, #tpu.memory_space<vmem>>
        %dma_wait3A_354 = arith.constant 0 : i32
        %dma_wait3A_355 = arith.constant 0 : i32
        %dma_wait3A_356 = tpu.memref_slice %arg3[%dma_wait3A_354, %dma_wait3A_355] : memref<10000x128xf32, #tpu.memory_space<hbm>> -> memref<10000x128xf32, #tpu.memory_space<hbm>>
        tpu.wait_indirect_dma semaphore(%arg14 : memref<!tpu.dma_semaphore, #tpu.memory_space<semaphore_mem>>) src(%dma_wait3A_356 : memref<10000x128xf32, #tpu.memory_space<hbm>>) dst(%arg12 : memref<128x128xf32, #tpu.memory_space<vmem>>)
        %dma_start3A_357 = arith.constant 11 : i32
        %dma_start3A_358 = arith.constant 0 : i32
        %dma_start3A_359 = tpu.memref_slice %arg10[%dma_start3A_357, %dma_start3A_358] : memref<16x128xi32, #tpu.memory_space<vmem>> -> memref<1x128xi32, #tpu.memory_space<vmem>>
        %dma_start3A_360 = tpu.memref_squeeze %dma_start3A_359 : memref<1x128xi32, #tpu.memory_space<vmem>> -> memref<128xi32, #tpu.memory_space<vmem>>
        %dma_start3A_361 = arith.constant 0 : i32
        %dma_start3A_362 = arith.constant 0 : i32
        %dma_start3A_363 = tpu.memref_slice %arg8[%dma_start3A_361, %dma_start3A_362] : memref<10240x128xf32, #tpu.memory_space<vmem_shared>> -> memref<10240x128xf32, #tpu.memory_space<vmem_shared>>
        tpu.enqueue_indirect_dma source(%arg12 : memref<128x128xf32, #tpu.memory_space<vmem>>) target(%dma_start3A_363 : memref<10240x128xf32, #tpu.memory_space<vmem_shared>>) offsets(%dma_start3A_360 : memref<128xi32, #tpu.memory_space<vmem>>) semaphore(%arg16 : memref<!tpu.dma_semaphore, #tpu.memory_space<semaphore_mem>>) {add = true}
        %dma_wait3A_364 = arith.constant 11 : i32
        %dma_wait3A_365 = arith.constant 0 : i32
        %dma_wait3A_366 = tpu.memref_slice %arg10[%dma_wait3A_364, %dma_wait3A_365] : memref<16x128xi32, #tpu.memory_space<vmem>> -> memref<1x128xi32, #tpu.memory_space<vmem>>
        %dma_wait3A_367 = tpu.memref_squeeze %dma_wait3A_366 : memref<1x128xi32, #tpu.memory_space<vmem>> -> memref<128xi32, #tpu.memory_space<vmem>>
        %dma_wait3A_368 = arith.constant 0 : i32
        %dma_wait3A_369 = arith.constant 0 : i32
        %dma_wait3A_370 = tpu.memref_slice %arg8[%dma_wait3A_368, %dma_wait3A_369] : memref<10240x128xf32, #tpu.memory_space<vmem_shared>> -> memref<10240x128xf32, #tpu.memory_space<vmem_shared>>
        tpu.wait_indirect_dma semaphore(%arg16 : memref<!tpu.dma_semaphore, #tpu.memory_space<semaphore_mem>>) src(%arg12 : memref<128x128xf32, #tpu.memory_space<vmem>>) dst(%dma_wait3A_370 : memref<10240x128xf32, #tpu.memory_space<vmem_shared>>)
        %dma_start3A_371 = arith.constant 13 : i32
        %dma_start3A_372 = arith.constant 0 : i32
        %dma_start3A_373 = tpu.memref_slice %arg9[%dma_start3A_371, %dma_start3A_372] : memref<16x128xi32, #tpu.memory_space<vmem>> -> memref<1x128xi32, #tpu.memory_space<vmem>>
        %dma_start3A_374 = tpu.memref_squeeze %dma_start3A_373 : memref<1x128xi32, #tpu.memory_space<vmem>> -> memref<128xi32, #tpu.memory_space<vmem>>
        %dma_start3A_375 = arith.constant 0 : i32
        %dma_start3A_376 = arith.constant 0 : i32
        %dma_start3A_377 = tpu.memref_slice %arg3[%dma_start3A_375, %dma_start3A_376] : memref<10000x128xf32, #tpu.memory_space<hbm>> -> memref<10000x128xf32, #tpu.memory_space<hbm>>
        tpu.enqueue_indirect_dma source(%dma_start3A_377 : memref<10000x128xf32, #tpu.memory_space<hbm>>) target(%arg12 : memref<128x128xf32, #tpu.memory_space<vmem>>) offsets(%dma_start3A_374 : memref<128xi32, #tpu.memory_space<vmem>>) semaphore(%arg14 : memref<!tpu.dma_semaphore, #tpu.memory_space<semaphore_mem>>)
        %dma_wait3A_378 = arith.constant 12 : i32
        %dma_wait3A_379 = arith.constant 0 : i32
        %dma_wait3A_380 = tpu.memref_slice %arg9[%dma_wait3A_378, %dma_wait3A_379] : memref<16x128xi32, #tpu.memory_space<vmem>> -> memref<1x128xi32, #tpu.memory_space<vmem>>
        %dma_wait3A_381 = tpu.memref_squeeze %dma_wait3A_380 : memref<1x128xi32, #tpu.memory_space<vmem>> -> memref<128xi32, #tpu.memory_space<vmem>>
        %dma_wait3A_382 = arith.constant 0 : i32
        %dma_wait3A_383 = arith.constant 0 : i32
        %dma_wait3A_384 = tpu.memref_slice %arg3[%dma_wait3A_382, %dma_wait3A_383] : memref<10000x128xf32, #tpu.memory_space<hbm>> -> memref<10000x128xf32, #tpu.memory_space<hbm>>
        tpu.wait_indirect_dma semaphore(%arg13 : memref<!tpu.dma_semaphore, #tpu.memory_space<semaphore_mem>>) src(%dma_wait3A_384 : memref<10000x128xf32, #tpu.memory_space<hbm>>) dst(%arg11 : memref<128x128xf32, #tpu.memory_space<vmem>>)
        %dma_start3A_385 = arith.constant 12 : i32
        %dma_start3A_386 = arith.constant 0 : i32
        %dma_start3A_387 = tpu.memref_slice %arg10[%dma_start3A_385, %dma_start3A_386] : memref<16x128xi32, #tpu.memory_space<vmem>> -> memref<1x128xi32, #tpu.memory_space<vmem>>
        %dma_start3A_388 = tpu.memref_squeeze %dma_start3A_387 : memref<1x128xi32, #tpu.memory_space<vmem>> -> memref<128xi32, #tpu.memory_space<vmem>>
        %dma_start3A_389 = arith.constant 0 : i32
        %dma_start3A_390 = arith.constant 0 : i32
        %dma_start3A_391 = tpu.memref_slice %arg8[%dma_start3A_389, %dma_start3A_390] : memref<10240x128xf32, #tpu.memory_space<vmem_shared>> -> memref<10240x128xf32, #tpu.memory_space<vmem_shared>>
        tpu.enqueue_indirect_dma source(%arg11 : memref<128x128xf32, #tpu.memory_space<vmem>>) target(%dma_start3A_391 : memref<10240x128xf32, #tpu.memory_space<vmem_shared>>) offsets(%dma_start3A_388 : memref<128xi32, #tpu.memory_space<vmem>>) semaphore(%arg15 : memref<!tpu.dma_semaphore, #tpu.memory_space<semaphore_mem>>) {add = true}
        %dma_wait3A_392 = arith.constant 12 : i32
        %dma_wait3A_393 = arith.constant 0 : i32
        %dma_wait3A_394 = tpu.memref_slice %arg10[%dma_wait3A_392, %dma_wait3A_393] : memref<16x128xi32, #tpu.memory_space<vmem>> -> memref<1x128xi32, #tpu.memory_space<vmem>>
        %dma_wait3A_395 = tpu.memref_squeeze %dma_wait3A_394 : memref<1x128xi32, #tpu.memory_space<vmem>> -> memref<128xi32, #tpu.memory_space<vmem>>
        %dma_wait3A_396 = arith.constant 0 : i32
        %dma_wait3A_397 = arith.constant 0 : i32
        %dma_wait3A_398 = tpu.memref_slice %arg8[%dma_wait3A_396, %dma_wait3A_397] : memref<10240x128xf32, #tpu.memory_space<vmem_shared>> -> memref<10240x128xf32, #tpu.memory_space<vmem_shared>>
        tpu.wait_indirect_dma semaphore(%arg15 : memref<!tpu.dma_semaphore, #tpu.memory_space<semaphore_mem>>) src(%arg11 : memref<128x128xf32, #tpu.memory_space<vmem>>) dst(%dma_wait3A_398 : memref<10240x128xf32, #tpu.memory_space<vmem_shared>>)
        %dma_start3A_399 = arith.constant 14 : i32
        %dma_start3A_400 = arith.constant 0 : i32
        %dma_start3A_401 = tpu.memref_slice %arg9[%dma_start3A_399, %dma_start3A_400] : memref<16x128xi32, #tpu.memory_space<vmem>> -> memref<1x128xi32, #tpu.memory_space<vmem>>
        %dma_start3A_402 = tpu.memref_squeeze %dma_start3A_401 : memref<1x128xi32, #tpu.memory_space<vmem>> -> memref<128xi32, #tpu.memory_space<vmem>>
        %dma_start3A_403 = arith.constant 0 : i32
        %dma_start3A_404 = arith.constant 0 : i32
        %dma_start3A_405 = tpu.memref_slice %arg3[%dma_start3A_403, %dma_start3A_404] : memref<10000x128xf32, #tpu.memory_space<hbm>> -> memref<10000x128xf32, #tpu.memory_space<hbm>>
        tpu.enqueue_indirect_dma source(%dma_start3A_405 : memref<10000x128xf32, #tpu.memory_space<hbm>>) target(%arg11 : memref<128x128xf32, #tpu.memory_space<vmem>>) offsets(%dma_start3A_402 : memref<128xi32, #tpu.memory_space<vmem>>) semaphore(%arg13 : memref<!tpu.dma_semaphore, #tpu.memory_space<semaphore_mem>>)
        %dma_wait3A_406 = arith.constant 13 : i32
        %dma_wait3A_407 = arith.constant 0 : i32
        %dma_wait3A_408 = tpu.memref_slice %arg9[%dma_wait3A_406, %dma_wait3A_407] : memref<16x128xi32, #tpu.memory_space<vmem>> -> memref<1x128xi32, #tpu.memory_space<vmem>>
        %dma_wait3A_409 = tpu.memref_squeeze %dma_wait3A_408 : memref<1x128xi32, #tpu.memory_space<vmem>> -> memref<128xi32, #tpu.memory_space<vmem>>
        %dma_wait3A_410 = arith.constant 0 : i32
        %dma_wait3A_411 = arith.constant 0 : i32
        %dma_wait3A_412 = tpu.memref_slice %arg3[%dma_wait3A_410, %dma_wait3A_411] : memref<10000x128xf32, #tpu.memory_space<hbm>> -> memref<10000x128xf32, #tpu.memory_space<hbm>>
        tpu.wait_indirect_dma semaphore(%arg14 : memref<!tpu.dma_semaphore, #tpu.memory_space<semaphore_mem>>) src(%dma_wait3A_412 : memref<10000x128xf32, #tpu.memory_space<hbm>>) dst(%arg12 : memref<128x128xf32, #tpu.memory_space<vmem>>)
        %dma_start3A_413 = arith.constant 13 : i32
        %dma_start3A_414 = arith.constant 0 : i32
        %dma_start3A_415 = tpu.memref_slice %arg10[%dma_start3A_413, %dma_start3A_414] : memref<16x128xi32, #tpu.memory_space<vmem>> -> memref<1x128xi32, #tpu.memory_space<vmem>>
        %dma_start3A_416 = tpu.memref_squeeze %dma_start3A_415 : memref<1x128xi32, #tpu.memory_space<vmem>> -> memref<128xi32, #tpu.memory_space<vmem>>
        %dma_start3A_417 = arith.constant 0 : i32
        %dma_start3A_418 = arith.constant 0 : i32
        %dma_start3A_419 = tpu.memref_slice %arg8[%dma_start3A_417, %dma_start3A_418] : memref<10240x128xf32, #tpu.memory_space<vmem_shared>> -> memref<10240x128xf32, #tpu.memory_space<vmem_shared>>
        tpu.enqueue_indirect_dma source(%arg12 : memref<128x128xf32, #tpu.memory_space<vmem>>) target(%dma_start3A_419 : memref<10240x128xf32, #tpu.memory_space<vmem_shared>>) offsets(%dma_start3A_416 : memref<128xi32, #tpu.memory_space<vmem>>) semaphore(%arg16 : memref<!tpu.dma_semaphore, #tpu.memory_space<semaphore_mem>>) {add = true}
        %dma_wait3A_420 = arith.constant 13 : i32
        %dma_wait3A_421 = arith.constant 0 : i32
        %dma_wait3A_422 = tpu.memref_slice %arg10[%dma_wait3A_420, %dma_wait3A_421] : memref<16x128xi32, #tpu.memory_space<vmem>> -> memref<1x128xi32, #tpu.memory_space<vmem>>
        %dma_wait3A_423 = tpu.memref_squeeze %dma_wait3A_422 : memref<1x128xi32, #tpu.memory_space<vmem>> -> memref<128xi32, #tpu.memory_space<vmem>>
        %dma_wait3A_424 = arith.constant 0 : i32
        %dma_wait3A_425 = arith.constant 0 : i32
        %dma_wait3A_426 = tpu.memref_slice %arg8[%dma_wait3A_424, %dma_wait3A_425] : memref<10240x128xf32, #tpu.memory_space<vmem_shared>> -> memref<10240x128xf32, #tpu.memory_space<vmem_shared>>
        tpu.wait_indirect_dma semaphore(%arg16 : memref<!tpu.dma_semaphore, #tpu.memory_space<semaphore_mem>>) src(%arg12 : memref<128x128xf32, #tpu.memory_space<vmem>>) dst(%dma_wait3A_426 : memref<10240x128xf32, #tpu.memory_space<vmem_shared>>)
        %dma_start3A_427 = arith.constant 15 : i32
        %dma_start3A_428 = arith.constant 0 : i32
        %dma_start3A_429 = tpu.memref_slice %arg9[%dma_start3A_427, %dma_start3A_428] : memref<16x128xi32, #tpu.memory_space<vmem>> -> memref<1x128xi32, #tpu.memory_space<vmem>>
        %dma_start3A_430 = tpu.memref_squeeze %dma_start3A_429 : memref<1x128xi32, #tpu.memory_space<vmem>> -> memref<128xi32, #tpu.memory_space<vmem>>
        %dma_start3A_431 = arith.constant 0 : i32
        %dma_start3A_432 = arith.constant 0 : i32
        %dma_start3A_433 = tpu.memref_slice %arg3[%dma_start3A_431, %dma_start3A_432] : memref<10000x128xf32, #tpu.memory_space<hbm>> -> memref<10000x128xf32, #tpu.memory_space<hbm>>
        tpu.enqueue_indirect_dma source(%dma_start3A_433 : memref<10000x128xf32, #tpu.memory_space<hbm>>) target(%arg12 : memref<128x128xf32, #tpu.memory_space<vmem>>) offsets(%dma_start3A_430 : memref<128xi32, #tpu.memory_space<vmem>>) semaphore(%arg14 : memref<!tpu.dma_semaphore, #tpu.memory_space<semaphore_mem>>)
        %dma_wait3A_434 = arith.constant 14 : i32
        %dma_wait3A_435 = arith.constant 0 : i32
        %dma_wait3A_436 = tpu.memref_slice %arg9[%dma_wait3A_434, %dma_wait3A_435] : memref<16x128xi32, #tpu.memory_space<vmem>> -> memref<1x128xi32, #tpu.memory_space<vmem>>
        %dma_wait3A_437 = tpu.memref_squeeze %dma_wait3A_436 : memref<1x128xi32, #tpu.memory_space<vmem>> -> memref<128xi32, #tpu.memory_space<vmem>>
        %dma_wait3A_438 = arith.constant 0 : i32
        %dma_wait3A_439 = arith.constant 0 : i32
        %dma_wait3A_440 = tpu.memref_slice %arg3[%dma_wait3A_438, %dma_wait3A_439] : memref<10000x128xf32, #tpu.memory_space<hbm>> -> memref<10000x128xf32, #tpu.memory_space<hbm>>
        tpu.wait_indirect_dma semaphore(%arg13 : memref<!tpu.dma_semaphore, #tpu.memory_space<semaphore_mem>>) src(%dma_wait3A_440 : memref<10000x128xf32, #tpu.memory_space<hbm>>) dst(%arg11 : memref<128x128xf32, #tpu.memory_space<vmem>>)
        %dma_start3A_441 = arith.constant 14 : i32
        %dma_start3A_442 = arith.constant 0 : i32
        %dma_start3A_443 = tpu.memref_slice %arg10[%dma_start3A_441, %dma_start3A_442] : memref<16x128xi32, #tpu.memory_space<vmem>> -> memref<1x128xi32, #tpu.memory_space<vmem>>
        %dma_start3A_444 = tpu.memref_squeeze %dma_start3A_443 : memref<1x128xi32, #tpu.memory_space<vmem>> -> memref<128xi32, #tpu.memory_space<vmem>>
        %dma_start3A_445 = arith.constant 0 : i32
        %dma_start3A_446 = arith.constant 0 : i32
        %dma_start3A_447 = tpu.memref_slice %arg8[%dma_start3A_445, %dma_start3A_446] : memref<10240x128xf32, #tpu.memory_space<vmem_shared>> -> memref<10240x128xf32, #tpu.memory_space<vmem_shared>>
        tpu.enqueue_indirect_dma source(%arg11 : memref<128x128xf32, #tpu.memory_space<vmem>>) target(%dma_start3A_447 : memref<10240x128xf32, #tpu.memory_space<vmem_shared>>) offsets(%dma_start3A_444 : memref<128xi32, #tpu.memory_space<vmem>>) semaphore(%arg15 : memref<!tpu.dma_semaphore, #tpu.memory_space<semaphore_mem>>) {add = true}
        %dma_wait3A_448 = arith.constant 15 : i32
        %dma_wait3A_449 = arith.constant 0 : i32
        %dma_wait3A_450 = tpu.memref_slice %arg9[%dma_wait3A_448, %dma_wait3A_449] : memref<16x128xi32, #tpu.memory_space<vmem>> -> memref<1x128xi32, #tpu.memory_space<vmem>>
        %dma_wait3A_451 = tpu.memref_squeeze %dma_wait3A_450 : memref<1x128xi32, #tpu.memory_space<vmem>> -> memref<128xi32, #tpu.memory_space<vmem>>
        %dma_wait3A_452 = arith.constant 0 : i32
        %dma_wait3A_453 = arith.constant 0 : i32
        %dma_wait3A_454 = tpu.memref_slice %arg3[%dma_wait3A_452, %dma_wait3A_453] : memref<10000x128xf32, #tpu.memory_space<hbm>> -> memref<10000x128xf32, #tpu.memory_space<hbm>>
        tpu.wait_indirect_dma semaphore(%arg14 : memref<!tpu.dma_semaphore, #tpu.memory_space<semaphore_mem>>) src(%dma_wait3A_454 : memref<10000x128xf32, #tpu.memory_space<hbm>>) dst(%arg12 : memref<128x128xf32, #tpu.memory_space<vmem>>)
        %dma_start3A_455 = arith.constant 15 : i32
        %dma_start3A_456 = arith.constant 0 : i32
        %dma_start3A_457 = tpu.memref_slice %arg10[%dma_start3A_455, %dma_start3A_456] : memref<16x128xi32, #tpu.memory_space<vmem>> -> memref<1x128xi32, #tpu.memory_space<vmem>>
        %dma_start3A_458 = tpu.memref_squeeze %dma_start3A_457 : memref<1x128xi32, #tpu.memory_space<vmem>> -> memref<128xi32, #tpu.memory_space<vmem>>
        %dma_start3A_459 = arith.constant 0 : i32
        %dma_start3A_460 = arith.constant 0 : i32
        %dma_start3A_461 = tpu.memref_slice %arg8[%dma_start3A_459, %dma_start3A_460] : memref<10240x128xf32, #tpu.memory_space<vmem_shared>> -> memref<10240x128xf32, #tpu.memory_space<vmem_shared>>
        tpu.enqueue_indirect_dma source(%arg12 : memref<128x128xf32, #tpu.memory_space<vmem>>) target(%dma_start3A_461 : memref<10240x128xf32, #tpu.memory_space<vmem_shared>>) offsets(%dma_start3A_458 : memref<128xi32, #tpu.memory_space<vmem>>) semaphore(%arg16 : memref<!tpu.dma_semaphore, #tpu.memory_space<semaphore_mem>>) {add = true}
        %dma_wait3A_462 = arith.constant 14 : i32
        %dma_wait3A_463 = arith.constant 0 : i32
        %dma_wait3A_464 = tpu.memref_slice %arg10[%dma_wait3A_462, %dma_wait3A_463] : memref<16x128xi32, #tpu.memory_space<vmem>> -> memref<1x128xi32, #tpu.memory_space<vmem>>
        %dma_wait3A_465 = tpu.memref_squeeze %dma_wait3A_464 : memref<1x128xi32, #tpu.memory_space<vmem>> -> memref<128xi32, #tpu.memory_space<vmem>>
        %dma_wait3A_466 = arith.constant 0 : i32
        %dma_wait3A_467 = arith.constant 0 : i32
        %dma_wait3A_468 = tpu.memref_slice %arg8[%dma_wait3A_466, %dma_wait3A_467] : memref<10240x128xf32, #tpu.memory_space<vmem_shared>> -> memref<10240x128xf32, #tpu.memory_space<vmem_shared>>
        tpu.wait_indirect_dma semaphore(%arg15 : memref<!tpu.dma_semaphore, #tpu.memory_space<semaphore_mem>>) src(%arg11 : memref<128x128xf32, #tpu.memory_space<vmem>>) dst(%dma_wait3A_468 : memref<10240x128xf32, #tpu.memory_space<vmem_shared>>)
        %dma_wait3A_469 = arith.constant 15 : i32
        %dma_wait3A_470 = arith.constant 0 : i32
        %dma_wait3A_471 = tpu.memref_slice %arg10[%dma_wait3A_469, %dma_wait3A_470] : memref<16x128xi32, #tpu.memory_space<vmem>> -> memref<1x128xi32, #tpu.memory_space<vmem>>
        %dma_wait3A_472 = tpu.memref_squeeze %dma_wait3A_471 : memref<1x128xi32, #tpu.memory_space<vmem>> -> memref<128xi32, #tpu.memory_space<vmem>>
        %dma_wait3A_473 = arith.constant 0 : i32
        %dma_wait3A_474 = arith.constant 0 : i32
        %dma_wait3A_475 = tpu.memref_slice %arg8[%dma_wait3A_473, %dma_wait3A_474] : memref<10240x128xf32, #tpu.memory_space<vmem_shared>> -> memref<10240x128xf32, #tpu.memory_space<vmem_shared>>
        tpu.wait_indirect_dma semaphore(%arg16 : memref<!tpu.dma_semaphore, #tpu.memory_space<semaphore_mem>>) src(%arg12 : memref<128x128xf32, #tpu.memory_space<vmem>>) dst(%dma_wait3A_475 : memref<10240x128xf32, #tpu.memory_space<vmem_shared>>)
      }
      %scan3A_24 = arith.constant 10 : i32
      %barrier3A_25 = arith.constant 0 : index
      tpu.barrier barrier_id(%barrier3A_25)
      %mul3A = arith.constant 640 : i32
      %mul3A_26 = arith.muli %arg1, %mul3A : i32
      %mul3A_27 = arith.constant 640 : i32
      %mul3A_28 = arith.muli %arg1, %mul3A_27 : i32
      "tpu.region"() ({
        %run_scoped3A = tpu.sem_alloc : memref<!tpu.dma_semaphore, #tpu.memory_space<semaphore_mem>>
        %dma_start3A = arith.constant 0 : i32
        %dma_start3A_29 = tpu.memref_slice %arg7[%mul3A_28, %dma_start3A] : memref<10240x128xf32, #tpu.memory_space<hbm>> -> memref<640x128xf32, #tpu.memory_space<hbm>>
        %dma_start3A_30 = arith.constant 0 : i32
        %dma_start3A_31 = tpu.memref_slice %arg8[%mul3A_26, %dma_start3A_30] : memref<10240x128xf32, #tpu.memory_space<vmem_shared>> -> memref<640x128xf32, #tpu.memory_space<vmem_shared>>
        tpu.enqueue_dma source(%dma_start3A_31 : memref<640x128xf32, #tpu.memory_space<vmem_shared>>) target(%dma_start3A_29 : memref<640x128xf32, #tpu.memory_space<hbm>>) target_semaphore(%run_scoped3A : memref<!tpu.dma_semaphore, #tpu.memory_space<semaphore_mem>>)
        %dma_wait3A = arith.constant 0 : i32
        %dma_wait3A_32 = tpu.memref_slice %arg7[%mul3A_28, %dma_wait3A] : memref<10240x128xf32, #tpu.memory_space<hbm>> -> memref<640x128xf32, #tpu.memory_space<hbm>>
        %dma_wait3A_33 = arith.constant 0 : i32
        %dma_wait3A_34 = tpu.memref_slice %arg8[%mul3A_26, %dma_wait3A_33] : memref<10240x128xf32, #tpu.memory_space<vmem_shared>> -> memref<640x128xf32, #tpu.memory_space<vmem_shared>>
        tpu.wait_dma2 semaphore(%run_scoped3A : memref<!tpu.dma_semaphore, #tpu.memory_space<semaphore_mem>>) src(%dma_wait3A_34 : memref<640x128xf32, #tpu.memory_space<vmem_shared>>) dst(%dma_wait3A_32 : memref<640x128xf32, #tpu.memory_space<hbm>>)
        tpu.yield
      }) : () -> ()
    } else {
    }
    return
  }
}

module attributes {stable_mosaic.version = 14 : i64} {
  func.func @body(%arg0: i32, %arg1: memref<2000x128xf32, #tpu.memory_space<vmem>>, %arg2: memref<2000x128xf32, #tpu.memory_space<vmem>>, %arg3: memref<2000x96xf32, #tpu.memory_space<vmem>>, %arg4: memref<2000x128xf32, #tpu.memory_space<vmem>>, %arg5: memref<128x128xf32, #tpu.memory_space<vmem>>, %arg6: memref<128x128xf32, #tpu.memory_space<vmem>>, %arg7: memref<32x32xf32, #tpu.memory_space<vmem>>, %arg8: memref<32x32xf32, #tpu.memory_space<vmem>>, %arg9: memref<2000x128xf32, #tpu.memory_space<vmem>>, %arg10: memref<2000x96xf32, #tpu.memory_space<vmem>>) attributes {dimension_semantics = [#tpu.dimension_semantics<arbitrary>], iteration_bounds = array<i64: 5>, scalar_prefetch = 0 : i64, scratch_operands = 0 : i64, tpu.core_type = #tpu.core_type<tc>, window_params = [{transform_indices = @transform_0, window_bounds = array<i64: 2000, 128>}, {transform_indices = @transform_1, window_bounds = array<i64: 2000, 128>}, {transform_indices = @transform_2, window_bounds = array<i64: 2000, 96>}, {transform_indices = @transform_3, window_bounds = array<i64: 2000, 128>}, {pipeline_mode = #tpu.pipeline_mode<synchronous>, transform_indices = @transform_4, window_bounds = array<i64: 128, 128>}, {pipeline_mode = #tpu.pipeline_mode<synchronous>, transform_indices = @transform_5, window_bounds = array<i64: 128, 128>}, {pipeline_mode = #tpu.pipeline_mode<synchronous>, transform_indices = @transform_6, window_bounds = array<i64: 32, 32>}, {pipeline_mode = #tpu.pipeline_mode<synchronous>, transform_indices = @transform_7, window_bounds = array<i64: 32, 32>}, {transform_indices = @transform_8, window_bounds = array<i64: 2000, 128>}, {transform_indices = @transform_9, window_bounds = array<i64: 2000, 96>}]} {
    %get3A = arith.constant 0 : index
    %get3A_0 = arith.constant 0 : index
    %get3A_1 = vector.load %arg5[%get3A, %get3A_0] : memref<128x128xf32, #tpu.memory_space<vmem>>, vector<128x128xf32>
    %get3A_2 = arith.constant 0 : index
    %get3A_3 = arith.constant 0 : index
    %get3A_4 = vector.load %arg6[%get3A_2, %get3A_3] : memref<128x128xf32, #tpu.memory_space<vmem>>, vector<128x128xf32>
    %dot_general3A = arith.constant dense<0.000000e+00> : vector<128x128xf32>
    %dot_general3A_5 = tpu.matmul %get3A_1, %get3A_4, %dot_general3A {dimension_numbers = #tpu.dot_dimension_numbers<[0], [1], [1], [0], [0, 1, 1, 0], [], []>, transpose_lhs_hint = false} : vector<128x128xf32>, vector<128x128xf32>, vector<128x128xf32> -> vector<128x128xf32>
    %get3A_6 = arith.constant 0 : index
    %get3A_7 = arith.constant 0 : index
    %get3A_8 = vector.load %arg7[%get3A_6, %get3A_7] : memref<32x32xf32, #tpu.memory_space<vmem>>, vector<32x32xf32>
    %get3A_9 = arith.constant 0 : index
    %get3A_10 = arith.constant 0 : index
    %get3A_11 = vector.load %arg8[%get3A_9, %get3A_10] : memref<32x32xf32, #tpu.memory_space<vmem>>, vector<32x32xf32>
    %dot_general3A_12 = arith.constant dense<0.000000e+00> : vector<32x32xf32>
    %dot_general3A_13 = tpu.matmul %get3A_8, %get3A_11, %dot_general3A_12 {dimension_numbers = #tpu.dot_dimension_numbers<[0], [1], [1], [0], [0, 1, 1, 0], [], []>, transpose_lhs_hint = false} : vector<32x32xf32>, vector<32x32xf32>, vector<32x32xf32> -> vector<32x32xf32>
    %broadcast_in_dim3A = arith.constant 0.000000e+00 : f32
    %broadcast_in_dim3A_14 = vector.broadcast %broadcast_in_dim3A : f32 to vector<32x32xf32>
    %concatenate3A = tpu.concatenate %dot_general3A_13, %broadcast_in_dim3A_14, %broadcast_in_dim3A_14 in 1 : vector<32x32xf32>, vector<32x32xf32>, vector<32x32xf32> -> vector<32x96xf32>
    %concatenate3A_15 = tpu.concatenate %broadcast_in_dim3A_14, %dot_general3A_13, %broadcast_in_dim3A_14 in 1 : vector<32x32xf32>, vector<32x32xf32>, vector<32x32xf32> -> vector<32x96xf32>
    %concatenate3A_16 = tpu.concatenate %broadcast_in_dim3A_14, %broadcast_in_dim3A_14, %dot_general3A_13 in 1 : vector<32x32xf32>, vector<32x32xf32>, vector<32x32xf32> -> vector<32x96xf32>
    %concatenate3A_17 = tpu.concatenate %concatenate3A, %concatenate3A_15, %concatenate3A_16 in 0 : vector<32x96xf32>, vector<32x96xf32>, vector<32x96xf32> -> vector<96x96xf32>
    %get3A_18 = arith.constant 0 : index
    %get3A_19 = arith.constant 96 : index
    %get3A_20 = vector.load %arg4[%get3A_18, %get3A_19] : memref<2000x128xf32, #tpu.memory_space<vmem>>, vector<2000x1xf32>
    %max3A = arith.constant 1.000000e+00 : f32
    %max3A_21 = vector.broadcast %max3A : f32 to vector<2000x1xf32>
    %max3A_22 = arith.maximumf %get3A_20, %max3A_21 : vector<2000x1xf32>
    %div3A = arith.constant 1.000000e+00 : f32
    %div3A_23 = vector.broadcast %div3A : f32 to vector<2000x1xf32>
    %div3A_24 = arith.divf %div3A_23, %max3A_22 : vector<2000x1xf32>
    %get3A_25 = arith.constant 0 : index
    %get3A_26 = arith.constant 0 : index
    %get3A_27 = vector.load %arg1[%get3A_25, %get3A_26] : memref<2000x128xf32, #tpu.memory_space<vmem>>, vector<2000x128xf32>
    %get3A_28 = arith.constant 0 : index
    %get3A_29 = arith.constant 0 : index
    %get3A_30 = vector.load %arg2[%get3A_28, %get3A_29] : memref<2000x128xf32, #tpu.memory_space<vmem>>, vector<2000x128xf32>
    %mul3A = vector.broadcast %div3A_24 : vector<2000x1xf32> to vector<2000x128xf32>
    %mul3A_31 = arith.mulf %get3A_30, %mul3A : vector<2000x128xf32>
    %add3A = arith.addf %get3A_27, %mul3A_31 : vector<2000x128xf32>
    %dot_general3A_32 = arith.constant dense<0.000000e+00> : vector<2000x128xf32>
    %dot_general3A_33 = tpu.matmul %add3A, %dot_general3A_5, %dot_general3A_32 {dimension_numbers = #tpu.dot_dimension_numbers<[1], [0], [0], [1], [0, 0, 1, 1], [], []>, transpose_lhs_hint = false} : vector<2000x128xf32>, vector<128x128xf32>, vector<2000x128xf32> -> vector<2000x128xf32>
    %swap3A = arith.constant 0 : index
    %swap3A_34 = arith.constant 0 : index
    %swap3A_35 = vector.load %arg9[%swap3A, %swap3A_34] : memref<2000x128xf32, #tpu.memory_space<vmem>>, vector<2000x128xf32>
    tpu.vector_store %arg9[%swap3A, %swap3A_34], %dot_general3A_33 {strides = array<i32>} : memref<2000x128xf32, #tpu.memory_space<vmem>>, vector<2000x128xf32>,
    %get3A_36 = arith.constant 0 : index
    %get3A_37 = arith.constant 0 : index
    %get3A_38 = vector.load %arg3[%get3A_36, %get3A_37] : memref<2000x96xf32, #tpu.memory_space<vmem>>, vector<2000x96xf32>
    %get3A_39 = arith.constant 0 : index
    %get3A_40 = arith.constant 0 : index
    %get3A_41 = vector.load %arg4[%get3A_39, %get3A_40] : memref<2000x128xf32, #tpu.memory_space<vmem>>, vector<2000x96xf32>
    %mul3A_42 = vector.broadcast %div3A_24 : vector<2000x1xf32> to vector<2000x96xf32>
    %mul3A_43 = arith.mulf %get3A_41, %mul3A_42 : vector<2000x96xf32>
    %add3A_44 = arith.addf %get3A_38, %mul3A_43 : vector<2000x96xf32>
    %dot_general3A_45 = arith.constant dense<0.000000e+00> : vector<2000x96xf32>
    %dot_general3A_46 = tpu.matmul %add3A_44, %concatenate3A_17, %dot_general3A_45 {dimension_numbers = #tpu.dot_dimension_numbers<[1], [0], [0], [1], [0, 0, 1, 1], [], []>, transpose_lhs_hint = false} : vector<2000x96xf32>, vector<96x96xf32>, vector<2000x96xf32> -> vector<2000x96xf32>
    %swap3A_47 = arith.constant 0 : index
    %swap3A_48 = arith.constant 0 : index
    %swap3A_49 = vector.load %arg10[%swap3A_47, %swap3A_48] : memref<2000x96xf32, #tpu.memory_space<vmem>>, vector<2000x96xf32>
    tpu.vector_store %arg10[%swap3A_47, %swap3A_48], %dot_general3A_46 {strides = array<i32>} : memref<2000x96xf32, #tpu.memory_space<vmem>>, vector<2000x96xf32>,
    return
  }
  func.func @transform_0(%arg0: i32) -> (i32, i32) {
    %c0_i32 = arith.constant 0 : i32
    %c0_i32_0 = arith.constant 0 : i32
    return %arg0, %c0_i32 : i32, i32
  }
  func.func @transform_1(%arg0: i32) -> (i32, i32) {
    %c0_i32 = arith.constant 0 : i32
    %c0_i32_0 = arith.constant 0 : i32
    return %arg0, %c0_i32 : i32, i32
  }
  func.func @transform_2(%arg0: i32) -> (i32, i32) {
    %c0_i32 = arith.constant 0 : i32
    %c0_i32_0 = arith.constant 0 : i32
    return %arg0, %c0_i32 : i32, i32
  }
  func.func @transform_3(%arg0: i32) -> (i32, i32) {
    %c0_i32 = arith.constant 0 : i32
    %c0_i32_0 = arith.constant 0 : i32
    return %arg0, %c0_i32 : i32, i32
  }
  func.func @transform_4(%arg0: i32) -> (i32, i32) {
    %c0_i32 = arith.constant 0 : i32
    %c0_i32_0 = arith.constant 0 : i32
    %c0_i32_1 = arith.constant 0 : i32
    return %c0_i32, %c0_i32_0 : i32, i32
  }
  func.func @transform_5(%arg0: i32) -> (i32, i32) {
    %c0_i32 = arith.constant 0 : i32
    %c0_i32_0 = arith.constant 0 : i32
    %c0_i32_1 = arith.constant 0 : i32
    return %c0_i32, %c0_i32_0 : i32, i32
  }
  func.func @transform_6(%arg0: i32) -> (i32, i32) {
    %c0_i32 = arith.constant 0 : i32
    %c0_i32_0 = arith.constant 0 : i32
    %c0_i32_1 = arith.constant 0 : i32
    return %c0_i32, %c0_i32_0 : i32, i32
  }
  func.func @transform_7(%arg0: i32) -> (i32, i32) {
    %c0_i32 = arith.constant 0 : i32
    %c0_i32_0 = arith.constant 0 : i32
    %c0_i32_1 = arith.constant 0 : i32
    return %c0_i32, %c0_i32_0 : i32, i32
  }
  func.func @transform_8(%arg0: i32) -> (i32, i32) {
    %c0_i32 = arith.constant 0 : i32
    %c0_i32_0 = arith.constant 0 : i32
    return %arg0, %c0_i32 : i32, i32
  }
  func.func @transform_9(%arg0: i32) -> (i32, i32) {
    %c0_i32 = arith.constant 0 : i32
    %c0_i32_0 = arith.constant 0 : i32
    return %arg0, %c0_i32 : i32, i32
  }
}

</mosaic_0001>

<sc_bundles>
// kernel: kernel.4.cloned.1.call-start
scs
__scs_entry_jumppad:
0x0: {  	(pc) =	sbr.rel $0x88, $3  }
0x1: {  	(tag) =	ssettag $0x0;
	lr =	simm.s32 $0x1  }
0x2: {  	[smem:$0x3F9A] =	sst lr;
	_ =	strace $0xD0000000  }
0x3: {  	_ = 	snop  }
0x4: {  	_ = 	snop  }
0x5: {  	_ = 	snop  }
0x6: {  	_ = 	snop  }
0x7: {  	_ = 	snop  }
__scs_overlays_trampoline_lowered:
0x8: {  	[smem:$0x3FA9] =	sst s0  }
0x9: {  	[smem:$0x3FAA] =	sst s1  }
0xa: {  	[smem:$0x3FAB] =	sst s2  }
0xb: {  	[smem:$0x3FAC] =	sst s3  }
0xc: {  	[smem:$0x3FAD] =	sst s4  }
0xd: {  	[smem:$0x3FAE] =	sst s5  }
0xe: {  	[smem:$0x3FAF] =	sst s6  }
0xf: {  	[smem:$0x3FB0] =	sst s7  }
0x10: {  	[smem:$0x3FB1] =	sst s8  }
0x11: {  	[smem:$0x3FB2] =	sst s9;
	s0 =	simm.s32 @!p0 $0x0  }
0x12: {  	s1 =	sld [smem:$0x3F98];
	s0 =	simm.s32 @p0 $0x1  }
0x13: {  	[smem:$0x3FB3] =	sst s0;
	s0 =	simm.s32 @!p1 $0x0  }
0x14: {  	s2 =	sld [smem:$0x3F97];
	s0 =	simm.s32 @p1 $0x1  }
0x15: {  	[smem:$0x3FB4] =	sst s0;
	s0 =	simm.s32 @!p2 $0x0  }
0x16: {  	s3 =	sld [smem:$0x3FDB];
	s0 =	simm.s32 @p2 $0x1  }
0x17: {  	s4 =	simm.s32 $0x1BF5;
	[smem:$0x3FB6] =	sst s0  }
0x18: {  	s0 =	sld [smem:$0x3F99];
	_ =	swait.ge [sflag:s4], $0x0  }
0x19: {  	s7 =	sld [smem:$0x3F9A]  }
0x1a: {  	s8 =	sadd.s32 $0xFFFFE003, lr  }
0x1b: {  	s9 =	sadd.s32 $0xFFFFFEF7, lr;
	s5 =	simm.s32 $0xFFFFFFFF;
	p2 =	slt.u32 s8, $0xFFFFF086  }
0x1c: {  	p1 =	slt.u32 s9, $0xF7A;
	s5 =	simm.s32 @!p2 $0x0  }
0x1d: {  	s5 =	simm.s32 @p1 $0x1;
	p0 =	seq.s32 s7, s2  }
0x1e: {  	s7 =	smul.u32 @!p0 $0xF7A, s2;
	p2 =	seq.s32 @!p0 s5, $0x0  }
0x1f: {  	s9 =	smul.u32 $0xF7A, s1;
	s8 =	simm.s32 @!p0 $0x1BF5;
	p2 =	por !p2, p0  }
0x20: {  	[sflag:s8] =	ssyncset.s32 @!p0 $0xFFFFF086;
	s6 =	sadd.s32 @!p0 s3, s7;
	s7 =	simm.s32 @!p0 $0x108  }
0x21: {  	s3 =	sadd.s32 s3, s9;
	s6 =	sadd.s32 @!p0 $0x88, s6;
	s7 =	simm.s32 @p2 $0x1082  }
0x22: {  	[simem:s7], [sflag:s8] =	dma.local @!p0 [hbm:s6], $0xF7A  }
0x23: {  	s9 =	sor.u32 $0xD0000000, s2;
	s6 =	simm.s32 $0x108;
	_ =	swait.ge @!p0 [sflag:s8], $0x0  }
0x24: {  	s3 =	sadd.s32 $0x88, s3;
	s6 =	simm.s32 @!p1 $0x1082;
	[sflag:s4] =	ssyncset.s32 $0xFFFFF086  }
0x25: {  	[simem:s6], [sflag:s4] =	dma.local [hbm:s3], $0xF7A  }
0x26: {  	[smem:$0x3F9A] =	sst s1;
	(tag) =	ssettag s2;
	_ =	strace s9  }
0x27: {  	s1 =	sld [smem:$0x3FAA]  }
0x28: {  	s2 =	sld [smem:$0x3FAB]  }
0x29: {  	s4 =	sld [smem:$0x3FAD]  }
0x2a: {  	p0 =	seq.s32 s5, $0x0;
	s5 =	sld [smem:$0x3FAE]  }
0x2b: {  	s6 =	sld [smem:$0x3FAF]  }
0x2c: {  	s7 =	sld [smem:$0x3FB0]  }
0x2d: {  	s3 =	simm.s32 $0x108;
	s8 =	sld [smem:$0x3FB1]  }
0x2e: {  	s3 =	simm.s32 @!p0 $0x1082;
	s9 =	sld [smem:$0x3FB2]  }
0x2f: {  	lr =	sadd.s32 s0, s3;
	s0 =	sld [smem:$0x3FA9]  }
0x30: {  	s3 =	sld [smem:$0x3FAC]  }
0x31: {  	[smem:$0x3FB5] =	sst s10  }
0x32: {  	s10 =	sld [smem:$0x3FB3];
	_ =	sdelay $0x3  }
0x33: {  	p0 =	seq.s32 s10, $0x1;
	s10 =	sld [smem:$0x3FB5];
	_ =	sdelay $0x3  }
0x34: {  	[smem:$0x3FB5] =	sst s10  }
0x35: {  	s10 =	sld [smem:$0x3FB4];
	_ =	sdelay $0x3  }
0x36: {  	p1 =	seq.s32 s10, $0x1;
	s10 =	sld [smem:$0x3FB5];
	_ =	sdelay $0x3  }
0x37: {  	[smem:$0x3FB5] =	sst s10  }
0x38: {  	s10 =	sld [smem:$0x3FB6]  }
0x39: {  	_ = 	snop;
	(pc) =	sbr.ind lr, $3  }
0x3a: {  	_ = 	snop  }
0x3b: {  	_ = 	snop  }
0x3c: {  	p2 =	seq.s32 s10, $0x1;
	s10 =	sld [smem:$0x3FB5]  }
0x3d: {  	_ =	shalt  }
0x3e: {  	_ =	shalt  }
0x3f: {  	_ =	shalt  }
0x40: {  	_ =	shalt  }
0x41: {  	_ =	shalt  }
0x42: {  	_ =	shalt  }
0x43: {  	_ =	shalt  }
0x44: {  	_ =	shalt  }
0x45: {  	_ =	shalt  }
0x46: {  	_ =	shalt  }
0x47: {  	_ =	shalt  }
0x48: {  	_ =	shalt  }
0x49: {  	_ =	shalt  }
0x4a: {  	_ =	shalt  }
0x4b: {  	_ =	shalt  }
0x4c: {  	_ =	shalt  }
0x4d: {  	_ =	shalt  }
0x4e: {  	_ =	shalt  }
0x4f: {  	_ =	shalt  }
0x50: {  	_ =	shalt  }
0x51: {  	_ =	shalt  }
0x52: {  	_ =	shalt  }
0x53: {  	_ =	shalt  }
0x54: {  	_ =	shalt  }
0x55: {  	_ =	shalt  }
0x56: {  	_ =	shalt  }
0x57: {  	_ =	shalt  }
0x58: {  	_ =	shalt  }
0x59: {  	_ =	shalt  }
0x5a: {  	_ =	shalt  }
0x5b: {  	_ =	shalt  }
0x5c: {  	_ =	shalt  }
0x5d: {  	_ =	shalt  }
0x5e: {  	_ =	shalt  }
0x5f: {  	_ =	shalt  }
0x60: {  	_ =	shalt  }
0x61: {  	_ =	shalt  }
0x62: {  	_ =	shalt  }
0x63: {  	_ =	shalt  }
0x64: {  	_ =	shalt  }
0x65: {  	_ =	shalt  }
0x66: {  	_ =	shalt  }
0x67: {  	_ =	shalt  }
0x68: {  	_ =	shalt  }
0x69: {  	_ =	shalt  }
0x6a: {  	_ =	shalt  }
0x6b: {  	_ =	shalt  }
0x6c: {  	_ =	shalt  }
0x6d: {  	_ =	shalt  }
0x6e: {  	_ =	shalt  }
0x6f: {  	_ =	shalt  }
0x70: {  	_ =	shalt  }
0x71: {  	_ =	shalt  }
0x72: {  	_ =	shalt  }
0x73: {  	_ =	shalt  }
0x74: {  	_ =	shalt  }
0x75: {  	_ =	shalt  }
0x76: {  	_ =	shalt  }
0x77: {  	_ =	shalt  }
0x78: {  	_ =	shalt  }
0x79: {  	_ =	shalt  }
0x7a: {  	_ =	shalt  }
0x7b: {  	_ =	shalt  }
0x7c: {  	_ =	shalt  }
0x7d: {  	_ =	shalt  }
0x7e: {  	_ =	shalt  }
0x7f: {  	_ =	shalt  }
0x80: {  	_ =	shalt  }
0x81: {  	_ =	shalt  }
0x82: {  	_ =	shalt  }
0x83: {  	_ =	shalt  }
0x84: {  	_ =	shalt  }
0x85: {  	_ =	shalt  }
0x86: {  	_ =	shalt  }
0x87: {  	_ =	shalt  }
.Lfunc_end0:
.L_simem_size_0:
called_computation_lowered:
.L_overlay_start_0:
0x88: {  	s2 =	sld [smem:$0x3FD9]  }
0x89: {  	s3 =	sld [smem:$0x3FFE];
	_ =	sdelay $0x1  }
0x8a: {  	s1 =	srdreg.scid  }
0x8b: {  	s0 =	sand.u32 $0x1, s1  }
0x8c: {  	s14 =	sshll.u32 s0, $0xA;
	s2 =	sadd.s32 s3, s2  }
0x8d: {  	s2 =	sadd.s32 s2, s14  }
0x8e: {  	[smem:$0x3FC1] =	sst s2  }
0x8f: {  	_ = 	snop  }
0x90: {  	s2 =	sld [smem:$0x3FD0];
	_ =	sdelay $0x2  }
0x91: {  	s4 =	simm.s32 $0xA;
	s5 =	simm.s32 $0x10;
	s15 =	sld [smem:$0x3FC9]  }
0x92: {  	[smem:s5], [sflag:s4] =	dma.local [hbm:s2], $0x1  }
0x93: {  	_ =	swait.eq [sflag:s4], $0x1  }
0x94: {  	[sflag:s4] =	ssyncset.done $0x0  }
0x95: {  	s16 =	sld [smem:$0x10];
	[sflag:s4] =	ssyncadd.s32 $0xFFFFFFFF  }
0x96: {  	s17 =	sld [smem:$0x11];
	(tm) =	ssettm $0x1  }
0x97: {  	s18 =	sld [smem:$0x3FFB];
	_ =	sdelay $0x3  }
0x98: {  	_ =	strace s18  }
0x99: {  	s5 =	sld [smem:$0x3FFC];
	_ =	sdelay $0x3  }
0x9a: {  	_ =	strace s5  }
0x9b: {  	s5 =	sld [smem:$0x3FFD];
	_ =	sdelay $0x3  }
0x9c: {  	_ =	strace s5  }
0x9d: {  	_ =	strace $0x8FFFFFFF  }
0x9e: {  	s19 =	sld [smem:$0x3FDB];
	_ =	sdelay $0x1  }
0x9f: {  	s6 =	simm.s32 $_scs_section_size  }
0xa0: {  	s7 =	simm.s32 $_size__tile_overlayer_lowered;
	s8 =	simm.s32 $_tile_overlayer_lowered  }
0xa1: {  	s22 =	simm.s32 $0x1BFF;
	s21 =	sshll.u32 s8, $0x1;
	s5 =	sadd.s32 s6, s19  }
0xa2: {  	s9 =	simm.s32 $0x0;
	s20 =	sshll.u32 s7, $0x1;
	s7 =	sadd.s32 s21, s5  }
0xa3: {  	[timem:s9], [sflag:s22] =	dma.local [hbm:s7], s20  }
0xa4: {  	_ =	swait.ge [sflag:s22], s20  }
0xa5: {  	s6 =	ssub.s32 $0x0, s20;
	[sflag:s22] =	ssyncset.done $0x0  }
0xa6: {  	[sflag:s22] =	ssyncadd.s32 s6;
	_ =	sdelay $0x1  }
0xa7: {  	s23 =	simm.s32 $0x1B8B  }
0xa8: {  	_ =	swait.ge [sflag:s23], $0x1  }
0xa9: {  	[sflag:s23] =	ssyncset.done $0x0  }
0xaa: {  	s25 =	simm.s32 $0x1B8E;
	s24 =	sld [smem:$0x3FFE];
	[sflag:s23] =	ssyncadd.s32 $0xFFFFFFFF  }
0xab: {  	s26 =	simm.s32 $execute0_lowered;
	[smem:$0x3FD2] =	sst s25  }
0xac: {  	s7 =	sshll.u32 s26, $0x1;
	_ =	strace $0x80000046;
	[dreg:$0x1] =	wrdreg $0xFFFFFFFF  }
0xad: {  	s28 =	simm.s32 $_size_execute0_lowered;
	s5 =	sadd.s32 s5, s7;
	[dreg:$0x0] =	wrdreg $0x0  }
0xae: {  	s7 =	sshll.u32 s28, $0x1;
	[dreg:$0x2] =	wrdreg s5  }
0xaf: {  	[dreg:$0x3] =	wrdreg s7  }
0xb0: {  	[dreg:$0x4] =	wrdreg $0xC0  }
0xb1: {  	_ =	task [dreg:s9], $0x5FFFF  }
0xb2: {  	[dreg:$0x1] =	wrdreg $0xFFFFFFFF  }
0xb3: {  	[dreg:$0x0] =	wrdreg $0x60  }
0xb4: {  	[dreg:$0x2] =	wrdreg s15  }
0xb5: {  	[dreg:$0x3] =	wrdreg s16  }
0xb6: {  	[dreg:$0x4] =	wrdreg s17  }
0xb7: {  	[dreg:$0x5] =	wrdreg s24  }
0xb8: {  	[dreg:$0x6] =	wrdreg $0x0  }
0xb9: {  	[dreg:$0x7] =	wrdreg $0x9  }
0xba: {  	_ =	task.clear_ibuf [dreg:s9], $0x8FFFF;
	_ =	strace $0x90000046  }
0xbb: {  	s29 =	simm.s32 $0x9;
	_ =	strace $0x80000048  }
0xbc: {  	_ =	swait.ge [sflag:s29], $0x1  }
0xbd: {  	[sflag:s29] =	ssyncadd.s32 $0xFFFFFFFF  }
0xbe: {  	_ =	strace $0x90000048  }
0xbf: {  	_ =	sfence  }
0xc0: {  	s30 =	sld [smem:$0x0];
	_ =	sdelay $0x2  }
0xc1: {  	s31 =	sshll.u32 s1, $0xD;
	s1 =	sshrl.u32 s1, $0x2  }
0xc2: {  	s3 =	sand.u32 $0x4000, s31;
	s1 =	sadd.s32 s1, s30  }
0xc3: {  	s0 =	sor.u32 s3, s0;
	s1 =	sshll.u32 s1, $0x11  }
0xc4: {  	s0 =	sor.u32 s1, s0  }
0xc5: {  	s0 =	sadd.s32 $0x8F2B, s0  }
0xc6: {  	[sflag:s0] =	ssyncadd.remote.s32 $0x1  }
0xc7: {  	_ =	sfence.sel $0xFFFF  }
0xc8: {  	[dreg:$0x0] =	wrdreg $0xFFFFFFFF;
	(pc) =	sbr.abs _section_cstart, $3  }
0xc9: {  	[dreg:$0x1] =	wrdreg $0xFFFFFFFF  }
0xca: {  	_ =	task.clear_ibuf [dreg:s9], $0x2FFFF;
	_ =	strace $0x9FFFFFFF  }
0xcb: {  	(tm) =	ssettm $0x7FFFFFFF  }
tec
execute0_lowered:
.L_overlay_start_1:
0x0: {  	(tag) =	ssettag $0x1  }
0x1: {  	s1 =	rddreg [dreg:$0x0]  }
0x2: {  	s2 =	rddreg [dreg:$0x1]  }
0x3: {  	s0 =	rddreg [dreg:$0x2]  }
0x4: {  	s3 =	rddreg [dreg:$0x3]  }
0x5: {  	s4 =	rddreg [dreg:$0x4];
	s5 =	simm.s32 $0x0;
	s12 =	stileid.u32  }
0x6: {  	s6 =	srdreg.scid;
	s17 =	simm.s32 $0x15000;
	s18 =	simm.s32 $0x5  }
0x7: {  	s31 =	simm.s32 $0x14080;
	s28 =	simm.s32 $0x2;
	s7 =	smul.u32 $0xA00, s12  }
0x8: {  	s30 =	simm.s32 $0x4;
	[smem:$0x7FF] =	sst s5;
	s9 =	smul.u32 $0x50000, s12  }
0x9: {  	s6 =	sand.u32 $0x1, s6;
	s11 =	sadd.s32 $0xB600, s3;
	s22 =	smul.u32 $0x2800, s12  }
0xa: {  	_ =	strace $0x80000047;
	s8 =	ssub.s32 $0x2, s6;
	[dreg:$0x6] =	wrdreg s11  }
0xb: {  	p0 =	seq.s32 s6, $0x1;
	s10 =	sadd.s32 s7, s3;
	s19 =	sshrl.u32 s8, $0x1  }
0xc: {  	s3 =	sadd.s32 $0x33600, s3;
	s21 =	sshrl.u32 s9, $0x2;
	[dreg:$0x9] =	wrdreg s22  }
0xd: {  	[dreg:$0x7] =	wrdreg s3;
	s20 =	ssub.s32 s8, s19;
	s29 =	sadd.s32 s21, s4  }
0xe: {  	s16 =	sadd.s32 s7, s0;
	s3 =	smax.u32 s20, $0x1;
	[dreg:$0x8] =	wrdreg s29  }
0xf: {  	s0 =	simm.s32 $0x0;
	s23 =	sadd.s32 $0x4000, s29;
	[dreg:$0xa] =	wrdreg s3  }
.Ltmp0:
0x10: {  	s24 =	sadd.s32 $0x8000, s29;
	[dreg:$0xb] =	wrdreg s23;
	(pc) =	sbr.rel .LBB2_1-.Ltmp0, $4  }
0x11: {  	s15 =	sadd.s32 $0x1600, s10;
	s25 =	sadd.s32 $0xC000, s29;
	[dreg:$0xc] =	wrdreg s24  }
0x12: {  	s19 =	simm.s32 $0x14000;
	s26 =	sadd.s32 $0x10000, s29;
	[dreg:$0xd] =	wrdreg s25  }
0x13: {  	s21 =	simm.s32 $0x80;
	s20 =	simm.s32 $0x14800;
	[dreg:$0xe] =	wrdreg s26  }
0x14: {  	v0 =	vimm.f32 $0.0e+00;
	s23 =	simm.s32 $0x19000;
	s24 =	simm.s32 $0x1;
	s25 =	simm.s32 $0x3  }
.LBB2_6:
0x15: {  	s0 =	sadd.s32 s22, s16;
	[sflag:s30] =	ssyncadd.s32 $0xFFFFC000  }
0x16: {  	[tilespmem:s19], [sflag:$0x5] =	stream.linear.gather [hbm4b:s0+s5], $0x800, $0x38;
	[tilespmem:$0x1D000] =	vst v63  }
0x17: {  	_ =	swait.ge [sflag:s18], $0x800  }
0x18: {  	[sflag:s18] =	ssyncset.done $0x0  }
0x19: {  	s29 =	sadd.s32 s22, s15;
	[sflag:s18] =	ssyncadd.s32 $0xFFFFF800  }
0x1a: {  	[tilespmem:s20], [sflag:$0x5] =	stream.linear.gather [hbm4b:s29+s5], $0x800, $0x38;
	[tilespmem:$0x1D000] =	vst v63  }
0x1b: {  	_ =	swait.ge [sflag:s18], $0x800  }
0x1c: {  	[sflag:s18] =	ssyncset.done $0x0  }
0x1d: {  	[sflag:s18] =	ssyncadd.s32 $0xFFFFF800  }
0x1e: {  	[tilespmem:s17], [sflag:$0x1] =	stream.indirect.gather [hbm4b:s1+s21], $0x80, s19, s21, $0xb8;
	[tilespmem:$0x1D000] =	vst v63  }
0x1f: {  	_ = 	snop  }
0x20: {  	[tilespmem:s23], [sflag:$0x2] =	stream.indirect.gather [hbm4b:s1+s21], $0x80, s31, s21, $0xb8;
	[tilespmem:$0x1D000] =	vst v63  }
0x21: {  	_ =	swait.ge [sflag:s24], $0x4000  }
0x22: {  	[sflag:s24] =	ssyncset.done $0x0  }
0x23: {  	[sflag:s24] =	ssyncadd.s32 $0xFFFFC000  }
0x24: {  	[spmem:s4] =	stream.indirect.scatter.add.f32 [tilespmem:s17], [sflag:$0x3], $0x80, s20, s21, $0xb8;
	[tilespmem:$0x1D000] =	vst v63  }
0x25: {  	_ =	swait.ge [sflag:s25], $0x4000  }
0x26: {  	[sflag:s25] =	ssyncset.done $0x0  }
0x27: {  	[sflag:s25] =	ssyncadd.s32 $0xFFFFC000  }
0x28: {  	[tilespmem:s17], [sflag:$0x1] =	stream.indirect.gather [hbm4b:s1+s21], $0x80, s6, s21, $0xb8;
	[tilespmem:$0x1D000] =	vst v63  }
0x29: {  	_ =	swait.ge [sflag:s28], $0x4000  }
0x2a: {  	[sflag:s28] =	ssyncset.done $0x0  }
0x2b: {  	[sflag:s28] =	ssyncadd.s32 $0xFFFFC000  }
0x2c: {  	[spmem:s4] =	stream.indirect.scatter.add.f32 [tilespmem:s23], [sflag:$0x4], $0x80, s7, s21, $0xb8;
	[tilespmem:$0x1D000] =	vst v63  }
0x2d: {  	_ =	swait.ge [sflag:s30], $0x4000  }
0x2e: {  	[sflag:s30] =	ssyncset.done $0x0  }
0x2f: {  	[sflag:s30] =	ssyncadd.s32 $0xFFFFC000  }
0x30: {  	[tilespmem:s23], [sflag:$0x2] =	stream.indirect.gather [hbm4b:s1+s21], $0x80, s3, s21, $0xb8;
	[tilespmem:$0x1D000] =	vst v63  }
0x31: {  	_ =	swait.ge [sflag:s24], $0x4000  }
0x32: {  	[sflag:s24] =	ssyncset.done $0x0  }
0x33: {  	[sflag:s24] =	ssyncadd.s32 $0xFFFFC000  }
0x34: {  	[spmem:s4] =	stream.indirect.scatter.add.f32 [tilespmem:s17], [sflag:$0x3], $0x80, s9, s21, $0xb8;
	[tilespmem:$0x1D000] =	vst v63  }
0x35: {  	_ =	swait.ge [sflag:s25], $0x4000  }
0x36: {  	[sflag:s25] =	ssyncset.done $0x0  }
0x37: {  	[sflag:s25] =	ssyncadd.s32 $0xFFFFC000  }
0x38: {  	[tilespmem:s17], [sflag:$0x1] =	stream.indirect.gather [hbm4b:s1+s21], $0x80, s10, s21, $0xb8;
	[tilespmem:$0x1D000] =	vst v63  }
0x39: {  	_ =	swait.ge [sflag:s28], $0x4000  }
0x3a: {  	[sflag:s28] =	ssyncset.done $0x0  }
0x3b: {  	[sflag:s28] =	ssyncadd.s32 $0xFFFFC000  }
0x3c: {  	[spmem:s4] =	stream.indirect.scatter.add.f32 [tilespmem:s23], [sflag:$0x4], $0x80, s11, s21, $0xb8;
	[tilespmem:$0x1D000] =	vst v63  }
0x3d: {  	_ =	swait.ge [sflag:s30], $0x4000  }
0x3e: {  	[sflag:s30] =	ssyncset.done $0x0  }
0x3f: {  	[sflag:s30] =	ssyncadd.s32 $0xFFFFC000  }
0x40: {  	[tilespmem:s23], [sflag:$0x2] =	stream.indirect.gather [hbm4b:s1+s21], $0x80, s12, s21, $0xb8;
	[tilespmem:$0x1D000] =	vst v63  }
0x41: {  	_ =	swait.ge [sflag:s24], $0x4000  }
0x42: {  	[sflag:s24] =	ssyncset.done $0x0  }
0x43: {  	[sflag:s24] =	ssyncadd.s32 $0xFFFFC000  }
0x44: {  	[spmem:s4] =	stream.indirect.scatter.add.f32 [tilespmem:s17], [sflag:$0x3], $0x80, s13, s21, $0xb8;
	[tilespmem:$0x1D000] =	vst v63  }
0x45: {  	_ =	swait.ge [sflag:s25], $0x4000  }
0x46: {  	[sflag:s25] =	ssyncset.done $0x0  }
0x47: {  	[sflag:s25] =	ssyncadd.s32 $0xFFFFC000  }
0x48: {  	[tilespmem:s17], [sflag:$0x1] =	stream.indirect.gather [hbm4b:s1+s21], $0x80, s14, s21, $0xb8;
	[tilespmem:$0x1D000] =	vst v63  }
0x49: {  	_ =	swait.ge [sflag:s28], $0x4000  }
0x4a: {  	[sflag:s28] =	ssyncset.done $0x0  }
0x4b: {  	[sflag:s28] =	ssyncadd.s32 $0xFFFFC000  }
0x4c: {  	[spmem:s4] =	stream.indirect.scatter.add.f32 [tilespmem:s23], [sflag:$0x4], $0x80, s8, s21, $0xb8;
	[tilespmem:$0x1D000] =	vst v63  }
0x4d: {  	_ =	swait.ge [sflag:s30], $0x4000  }
0x4e: {  	[sflag:s30] =	ssyncset.done $0x0  }
0x4f: {  	s12 =	simm.s32 $0x14380;
	[sflag:s30] =	ssyncadd.s32 $0xFFFFC000  }
0x50: {  	[tilespmem:s23], [sflag:$0x2] =	stream.indirect.gather [hbm4b:s1+s21], $0x80, s12, s21, $0xb8;
	[tilespmem:$0x1D000] =	vst v63  }
0x51: {  	_ =	swait.ge [sflag:s24], $0x4000  }
0x52: {  	[sflag:s24] =	ssyncset.done $0x0  }
0x53: {  	s13 =	simm.s32 $0x14B00;
	[sflag:s24] =	ssyncadd.s32 $0xFFFFC000  }
0x54: {  	[spmem:s4] =	stream.indirect.scatter.add.f32 [tilespmem:s17], [sflag:$0x3], $0x80, s13, s21, $0xb8;
	[tilespmem:$0x1D000] =	vst v63  }
0x55: {  	_ =	swait.ge [sflag:s25], $0x4000  }
0x56: {  	[sflag:s25] =	ssyncset.done $0x0  }
0x57: {  	s14 =	simm.s32 $0x14400;
	[sflag:s25] =	ssyncadd.s32 $0xFFFFC000  }
0x58: {  	[tilespmem:s17], [sflag:$0x1] =	stream.indirect.gather [hbm4b:s1+s21], $0x80, s14, s21, $0xb8;
	[tilespmem:$0x1D000] =	vst v63  }
0x59: {  	_ =	swait.ge [sflag:s28], $0x4000  }
0x5a: {  	[sflag:s28] =	ssyncset.done $0x0  }
0x5b: {  	s22 =	simm.s32 $0x14B80;
	[sflag:s28] =	ssyncadd.s32 $0xFFFFC000  }
0x5c: {  	[spmem:s4] =	stream.indirect.scatter.add.f32 [tilespmem:s23], [sflag:$0x4], $0x80, s22, s21, $0xb8;
	[tilespmem:$0x1D000] =	vst v63  }
0x5d: {  	_ =	swait.ge [sflag:s30], $0x4000  }
0x5e: {  	[sflag:s30] =	ssyncset.done $0x0  }
0x5f: {  	s26 =	simm.s32 $0x14480;
	[sflag:s30] =	ssyncadd.s32 $0xFFFFC000  }
0x60: {  	[tilespmem:s23], [sflag:$0x2] =	stream.indirect.gather [hbm4b:s1+s21], $0x80, s26, s21, $0xb8;
	[tilespmem:$0x1D000] =	vst v63  }
0x61: {  	_ =	swait.ge [sflag:s24], $0x4000  }
0x62: {  	[sflag:s24] =	ssyncset.done $0x0  }
0x63: {  	s29 =	simm.s32 $0x14C00;
	[sflag:s24] =	ssyncadd.s32 $0xFFFFC000  }
0x64: {  	[spmem:s4] =	stream.indirect.scatter.add.f32 [tilespmem:s17], [sflag:$0x3], $0x80, s29, s21, $0xb8;
	[tilespmem:$0x1D000] =	vst v63  }
0x65: {  	_ =	swait.ge [sflag:s25], $0x4000  }
0x66: {  	[sflag:s25] =	ssyncset.done $0x0  }
0x67: {  	s3 =	simm.s32 $0x14500;
	[sflag:s25] =	ssyncadd.s32 $0xFFFFC000  }
0x68: {  	[tilespmem:s17], [sflag:$0x1] =	stream.indirect.gather [hbm4b:s1+s21], $0x80, s3, s21, $0xb8;
	[tilespmem:$0x1D000] =	vst v63  }
0x69: {  	_ =	swait.ge [sflag:s28], $0x4000  }
0x6a: {  	[sflag:s28] =	ssyncset.done $0x0  }
0x6b: {  	s6 =	simm.s32 $0x14C80;
	[sflag:s28] =	ssyncadd.s32 $0xFFFFC000  }
0x6c: {  	[spmem:s4] =	stream.indirect.scatter.add.f32 [tilespmem:s23], [sflag:$0x4], $0x80, s6, s21, $0xb8;
	[tilespmem:$0x1D000] =	vst v63  }
0x6d: {  	_ =	swait.ge [sflag:s30], $0x4000  }
0x6e: {  	[sflag:s30] =	ssyncset.done $0x0  }
0x6f: {  	s7 =	simm.s32 $0x14580;
	[sflag:s30] =	ssyncadd.s32 $0xFFFFC000  }
0x70: {  	[tilespmem:s23], [sflag:$0x2] =	stream.indirect.gather [hbm4b:s1+s21], $0x80, s7, s21, $0xb8;
	[tilespmem:$0x1D000] =	vst v63  }
0x71: {  	_ =	swait.ge [sflag:s24], $0x4000  }
0x72: {  	[sflag:s24] =	ssyncset.done $0x0  }
0x73: {  	s8 =	simm.s32 $0x14D00;
	[sflag:s24] =	ssyncadd.s32 $0xFFFFC000  }
0x74: {  	[spmem:s4] =	stream.indirect.scatter.add.f32 [tilespmem:s17], [sflag:$0x3], $0x80, s8, s21, $0xb8;
	[tilespmem:$0x1D000] =	vst v63  }
0x75: {  	_ =	swait.ge [sflag:s25], $0x4000  }
0x76: {  	[sflag:s25] =	ssyncset.done $0x0  }
0x77: {  	s9 =	simm.s32 $0x14600;
	[sflag:s25] =	ssyncadd.s32 $0xFFFFC000  }
0x78: {  	[tilespmem:s17], [sflag:$0x1] =	stream.indirect.gather [hbm4b:s1+s21], $0x80, s9, s21, $0xb8;
	[tilespmem:$0x1D000] =	vst v63  }
0x79: {  	_ =	swait.ge [sflag:s28], $0x4000  }
0x7a: {  	[sflag:s28] =	ssyncset.done $0x0  }
0x7b: {  	s10 =	simm.s32 $0x14D80;
	[sflag:s28] =	ssyncadd.s32 $0xFFFFC000  }
0x7c: {  	[spmem:s4] =	stream.indirect.scatter.add.f32 [tilespmem:s23], [sflag:$0x4], $0x80, s10, s21, $0xb8;
	[tilespmem:$0x1D000] =	vst v63  }
0x7d: {  	_ =	swait.ge [sflag:s30], $0x4000  }
0x7e: {  	[sflag:s30] =	ssyncset.done $0x0  }
0x7f: {  	s11 =	simm.s32 $0x14680;
	[sflag:s30] =	ssyncadd.s32 $0xFFFFC000  }
0x80: {  	[tilespmem:s23], [sflag:$0x2] =	stream.indirect.gather [hbm4b:s1+s21], $0x80, s11, s21, $0xb8;
	[tilespmem:$0x1D000] =	vst v63  }
0x81: {  	_ =	swait.ge [sflag:s24], $0x4000  }
0x82: {  	[sflag:s24] =	ssyncset.done $0x0  }
0x83: {  	s12 =	simm.s32 $0x14E00;
	[sflag:s24] =	ssyncadd.s32 $0xFFFFC000  }
0x84: {  	[spmem:s4] =	stream.indirect.scatter.add.f32 [tilespmem:s17], [sflag:$0x3], $0x80, s12, s21, $0xb8;
	[tilespmem:$0x1D000] =	vst v63  }
0x85: {  	_ =	swait.ge [sflag:s25], $0x4000  }
0x86: {  	[sflag:s25] =	ssyncset.done $0x0  }
0x87: {  	s13 =	simm.s32 $0x14700;
	[sflag:s25] =	ssyncadd.s32 $0xFFFFC000  }
0x88: {  	[tilespmem:s17], [sflag:$0x1] =	stream.indirect.gather [hbm4b:s1+s21], $0x80, s13, s21, $0xb8;
	[tilespmem:$0x1D000] =	vst v63  }
0x89: {  	_ =	swait.ge [sflag:s28], $0x4000  }
0x8a: {  	[sflag:s28] =	ssyncset.done $0x0  }
0x8b: {  	s14 =	simm.s32 $0x14E80;
	[sflag:s28] =	ssyncadd.s32 $0xFFFFC000  }
0x8c: {  	[spmem:s4] =	stream.indirect.scatter.add.f32 [tilespmem:s23], [sflag:$0x4], $0x80, s14, s21, $0xb8;
	[tilespmem:$0x1D000] =	vst v63  }
0x8d: {  	_ =	swait.ge [sflag:s30], $0x4000  }
0x8e: {  	[sflag:s30] =	ssyncset.done $0x0  }
0x8f: {  	s22 =	simm.s32 $0x14780;
	[sflag:s30] =	ssyncadd.s32 $0xFFFFC000  }
0x90: {  	[tilespmem:s23], [sflag:$0x2] =	stream.indirect.gather [hbm4b:s1+s21], $0x80, s22, s21, $0xb8;
	[tilespmem:$0x1D000] =	vst v63  }
0x91: {  	_ =	swait.ge [sflag:s24], $0x4000  }
0x92: {  	[sflag:s24] =	ssyncset.done $0x0  }
0x93: {  	s26 =	simm.s32 $0x14F00;
	[sflag:s24] =	ssyncadd.s32 $0xFFFFC000  }
0x94: {  	[spmem:s4] =	stream.indirect.scatter.add.f32 [tilespmem:s17], [sflag:$0x3], $0x80, s26, s21, $0xb8;
	[tilespmem:$0x1D000] =	vst v63  }
0x95: {  	_ =	swait.ge [sflag:s28], $0x4000  }
0x96: {  	[sflag:s28] =	ssyncset.done $0x0  }
0x97: {  	s29 =	simm.s32 $0x14F80;
	[sflag:s28] =	ssyncadd.s32 $0xFFFFC000  }
0x98: {  	[spmem:s4] =	stream.indirect.scatter.add.f32 [tilespmem:s23], [sflag:$0x4], $0x80, s29, s21, $0xb8;
	[tilespmem:$0x1D000] =	vst v63  }
0x99: {  	_ =	swait.ge [sflag:s25], $0x4000  }
0x9a: {  	[sflag:s25] =	ssyncset.done $0x0  }
0x9b: {  	[sflag:s25] =	ssyncadd.s32 $0xFFFFC000  }
0x9c: {  	_ =	swait.ge [sflag:s30], $0x4000  }
0x9d: {  	[sflag:s30] =	ssyncset.done $0x0;
	s22 =	rddreg [dreg:$0x6]  }
0x9e: {  	s3 =	rddreg [dreg:$0xf];
	[sflag:s30] =	ssyncadd.s32 $0xFFFFC000  }
.LBB2_10:
0x9f: {  	s0 =	rddreg [dreg:$0x9];
	s14 =	stileid.u32;
	[bflag:$0x0] =	sbarrier.arrive $0xFFFF  }
0xa0: {  	s0 =	sadd.s32 s22, s0;
	s22 =	sshll.u32 s14, $0x6;
	s29 =	rddreg [dreg:$0x8]  }
0xa1: {  	s22 =	sor.u32 $0x1C05, s22;
	s26 =	sshrl.u32 s29, $0x3  }
0xa2: {  	[hbm:s0], [sflag:s22] =	dma.local [spmem:s26], $0x2800  }
0xa3: {  	_ =	swait.ge [sflag:s18], $0x2800  }
0xa4: {  	s3 =	sadd.s32 $0x1, s3;
	s26 =	rddreg [dreg:$0xa]  }
0xa5: {  	p1 =	sne.s32 s3, s26  }
.Ltmp1:
0xa6: {  	_ = 	snop;
	(pc) =	sbr.rel @!p1 .LBB2_11-.Ltmp1, $3  }
0xa7: {  	_ =	sdelay $0x1  }
0xa8: {  	[sflag:s18] =	ssyncset.done $0x0  }
0xa9: {  	s0 =	smov.u32 s3;
	[sflag:s18] =	ssyncadd.s32 $0xFFFFD800  }
.LBB2_1:
0xaa: {  	s22 =	simm.s32 $0x0;
	s26 =	simm.s32 $0x200  }
.LBB2_2:
0xab: {  	p1 =	sne.s32 s26, $0xFE00;
	[tilespmem:s22+$0x15070] =	vst v0  }
0xac: {  	[tilespmem:s22+$0x15000] =	vst v0  }
0xad: {  	[tilespmem:s22+$0x15010] =	vst v0  }
.Ltmp2:
0xae: {  	[tilespmem:s22+$0x15020] =	vst v0;
	(pc) =	sbr.rel @p1 .LBB2_2-.Ltmp2, $4  }
0xaf: {  	[tilespmem:s22+$0x15030] =	vst v0  }
0xb0: {  	[tilespmem:s22+$0x15040] =	vst v0  }
0xb1: {  	[tilespmem:s22+$0x15050] =	vst v0  }
0xb2: {  	[tilespmem:s22+$0x15060] =	vst v0;
	s22 =	sshra.s32 s26, $0x2;
	s26 =	sadd.s32 $0x200, s26  }
0xb3: {  	[tilespmem:s22+$0x15070] =	vst v0  }
0xb4: {  	[tilespmem:s22+$0x15000] =	vst v0  }
0xb5: {  	[tilespmem:s22+$0x15010] =	vst v0  }
0xb6: {  	[tilespmem:s22+$0x15020] =	vst v0  }
0xb7: {  	[tilespmem:s22+$0x15030] =	vst v0  }
0xb8: {  	[tilespmem:s22+$0x15040] =	vst v0  }
0xb9: {  	[tilespmem:s22+$0x15050] =	vst v0  }
0xba: {  	[dreg:$0xf] =	wrdreg s0;
	[tilespmem:s22+$0x15060] =	vst v0  }
0xbb: {  	[spmem:s29] =	stream.linear.scatter [tilespmem:s17], [sflag:$0x5], $0x4000, $0x38;
	[tilespmem:$0x1D000] =	vst v63  }
0xbc: {  	_ =	swait.ge [sflag:s18], $0x4000  }
0xbd: {  	[sflag:s18] =	ssyncset.done $0x0  }
0xbe: {  	s14 =	rddreg [dreg:$0xb];
	[sflag:s18] =	ssyncadd.s32 $0xFFFFC000  }
0xbf: {  	[spmem:s14] =	stream.linear.scatter [tilespmem:s17], [sflag:$0x5], $0x4000, $0x38;
	[tilespmem:$0x1D000] =	vst v63  }
0xc0: {  	_ =	swait.ge [sflag:s18], $0x4000  }
0xc1: {  	[sflag:s18] =	ssyncset.done $0x0  }
0xc2: {  	s22 =	rddreg [dreg:$0xc];
	[sflag:s18] =	ssyncadd.s32 $0xFFFFC000  }
0xc3: {  	[spmem:s22] =	stream.linear.scatter [tilespmem:s17], [sflag:$0x5], $0x4000, $0x38;
	[tilespmem:$0x1D000] =	vst v63  }
0xc4: {  	_ =	swait.ge [sflag:s18], $0x4000  }
0xc5: {  	[sflag:s18] =	ssyncset.done $0x0  }
0xc6: {  	s26 =	rddreg [dreg:$0xd];
	[sflag:s18] =	ssyncadd.s32 $0xFFFFC000  }
0xc7: {  	[spmem:s26] =	stream.linear.scatter [tilespmem:s17], [sflag:$0x5], $0x4000, $0x38;
	[tilespmem:$0x1D000] =	vst v63  }
0xc8: {  	_ =	swait.ge [sflag:s18], $0x4000  }
0xc9: {  	[sflag:s18] =	ssyncset.done $0x0  }
0xca: {  	s29 =	rddreg [dreg:$0xe];
	[sflag:s18] =	ssyncadd.s32 $0xFFFFC000  }
0xcb: {  	[spmem:s29] =	stream.linear.scatter [tilespmem:s17], [sflag:$0x5], $0x4000, $0x38;
	[tilespmem:$0x1D000] =	vst v63  }
.Ltmp3:
0xcc: {  	_ =	swait.ge [sflag:s18], $0x4000;
	(pc) =	sbr.rel @!p0 .LBB2_4-.Ltmp3, $3  }
0xcd: {  	[sflag:s18] =	ssyncset.done $0x0  }
0xce: {  	[sflag:s18] =	ssyncadd.s32 $0xFFFFC000  }
0xcf: {  	[bflag:$0x0] =	sbarrier.arrive $0xFFFF;
	_ =	sdelay $0x1  }
0xd0: {  	s0 =	sadd.s32 $0x0, s16  }
0xd1: {  	[tilespmem:s19], [sflag:$0x5] =	stream.linear.gather [hbm4b:s0+s5], $0x800, $0x38;
	[tilespmem:$0x1D000] =	vst v63  }
0xd2: {  	_ =	swait.ge [sflag:s18], $0x800  }
0xd3: {  	[sflag:s18] =	ssyncset.done $0x0  }
0xd4: {  	s26 =	sadd.s32 $0x0, s15;
	[sflag:s18] =	ssyncadd.s32 $0xFFFFF800  }
0xd5: {  	[tilespmem:s20], [sflag:$0x5] =	stream.linear.gather [hbm4b:s26+s5], $0x800, $0x38;
	[tilespmem:$0x1D000] =	vst v63  }
0xd6: {  	_ =	swait.ge [sflag:s18], $0x800  }
0xd7: {  	[sflag:s18] =	ssyncset.done $0x0  }
0xd8: {  	[sflag:s18] =	ssyncadd.s32 $0xFFFFF800  }
0xd9: {  	[tilespmem:s17], [sflag:$0x1] =	stream.indirect.gather [hbm4b:s2+s21], $0x80, s19, s21, $0xb8;
	[tilespmem:$0x1D000] =	vst v63  }
0xda: {  	_ = 	snop  }
0xdb: {  	[tilespmem:s23], [sflag:$0x2] =	stream.indirect.gather [hbm4b:s2+s21], $0x80, s31, s21, $0xb8;
	[tilespmem:$0x1D000] =	vst v63  }
0xdc: {  	_ =	swait.ge [sflag:s24], $0x4000  }
0xdd: {  	[sflag:s24] =	ssyncset.done $0x0  }
0xde: {  	[sflag:s24] =	ssyncadd.s32 $0xFFFFC000  }
0xdf: {  	[spmem:s4] =	stream.indirect.scatter.add.f32 [tilespmem:s17], [sflag:$0x3], $0x80, s20, s21, $0xb8;
	[tilespmem:$0x1D000] =	vst v63  }
0xe0: {  	_ =	swait.ge [sflag:s25], $0x4000  }
0xe1: {  	[sflag:s25] =	ssyncset.done $0x0  }
0xe2: {  	s6 =	simm.s32 $0x14100;
	[sflag:s25] =	ssyncadd.s32 $0xFFFFC000  }
0xe3: {  	[tilespmem:s17], [sflag:$0x1] =	stream.indirect.gather [hbm4b:s2+s21], $0x80, s6, s21, $0xb8;
	[tilespmem:$0x1D000] =	vst v63  }
0xe4: {  	_ =	swait.ge [sflag:s28], $0x4000  }
0xe5: {  	[sflag:s28] =	ssyncset.done $0x0  }
0xe6: {  	s7 =	simm.s32 $0x14880;
	[sflag:s28] =	ssyncadd.s32 $0xFFFFC000  }
0xe7: {  	[spmem:s4] =	stream.indirect.scatter.add.f32 [tilespmem:s23], [sflag:$0x4], $0x80, s7, s21, $0xb8;
	[tilespmem:$0x1D000] =	vst v63  }
0xe8: {  	_ =	swait.ge [sflag:s30], $0x4000  }
0xe9: {  	[sflag:s30] =	ssyncset.done $0x0  }
0xea: {  	s3 =	simm.s32 $0x14180;
	[sflag:s30] =	ssyncadd.s32 $0xFFFFC000  }
0xeb: {  	[tilespmem:s23], [sflag:$0x2] =	stream.indirect.gather [hbm4b:s2+s21], $0x80, s3, s21, $0xb8;
	[tilespmem:$0x1D000] =	vst v63  }
0xec: {  	_ =	swait.ge [sflag:s24], $0x4000  }
0xed: {  	[sflag:s24] =	ssyncset.done $0x0  }
0xee: {  	s9 =	simm.s32 $0x14900;
	[sflag:s24] =	ssyncadd.s32 $0xFFFFC000  }
0xef: {  	[spmem:s4] =	stream.indirect.scatter.add.f32 [tilespmem:s17], [sflag:$0x3], $0x80, s9, s21, $0xb8;
	[tilespmem:$0x1D000] =	vst v63  }
0xf0: {  	_ =	swait.ge [sflag:s25], $0x4000  }
0xf1: {  	[sflag:s25] =	ssyncset.done $0x0  }
0xf2: {  	s10 =	simm.s32 $0x14200;
	[sflag:s25] =	ssyncadd.s32 $0xFFFFC000  }
0xf3: {  	[tilespmem:s17], [sflag:$0x1] =	stream.indirect.gather [hbm4b:s2+s21], $0x80, s10, s21, $0xb8;
	[tilespmem:$0x1D000] =	vst v63  }
0xf4: {  	_ =	swait.ge [sflag:s28], $0x4000  }
0xf5: {  	[sflag:s28] =	ssyncset.done $0x0  }
0xf6: {  	s11 =	simm.s32 $0x14980;
	[sflag:s28] =	ssyncadd.s32 $0xFFFFC000  }
0xf7: {  	[spmem:s4] =	stream.indirect.scatter.add.f32 [tilespmem:s23], [sflag:$0x4], $0x80, s11, s21, $0xb8;
	[tilespmem:$0x1D000] =	vst v63  }
0xf8: {  	_ =	swait.ge [sflag:s30], $0x4000  }
0xf9: {  	[sflag:s30] =	ssyncset.done $0x0  }
0xfa: {  	s12 =	simm.s32 $0x14280;
	[sflag:s30] =	ssyncadd.s32 $0xFFFFC000  }
0xfb: {  	[tilespmem:s23], [sflag:$0x2] =	stream.indirect.gather [hbm4b:s2+s21], $0x80, s12, s21, $0xb8;
	[tilespmem:$0x1D000] =	vst v63  }
0xfc: {  	_ =	swait.ge [sflag:s24], $0x4000  }
0xfd: {  	[sflag:s24] =	ssyncset.done $0x0  }
0xfe: {  	s13 =	simm.s32 $0x14A00;
	[sflag:s24] =	ssyncadd.s32 $0xFFFFC000  }
0xff: {  	[spmem:s4] =	stream.indirect.scatter.add.f32 [tilespmem:s17], [sflag:$0x3], $0x80, s13, s21, $0xb8;
	[tilespmem:$0x1D000] =	vst v63  }
0x100: {  	_ =	swait.ge [sflag:s25], $0x4000  }
0x101: {  	[sflag:s25] =	ssyncset.done $0x0  }
0x102: {  	s14 =	simm.s32 $0x14300;
	[sflag:s25] =	ssyncadd.s32 $0xFFFFC000  }
0x103: {  	[tilespmem:s17], [sflag:$0x1] =	stream.indirect.gather [hbm4b:s2+s21], $0x80, s14, s21, $0xb8;
	[tilespmem:$0x1D000] =	vst v63  }
0x104: {  	_ =	swait.ge [sflag:s28], $0x4000  }
0x105: {  	[sflag:s28] =	ssyncset.done $0x0  }
0x106: {  	s8 =	simm.s32 $0x14A80;
	[sflag:s28] =	ssyncadd.s32 $0xFFFFC000  }
0x107: {  	[spmem:s4] =	stream.indirect.scatter.add.f32 [tilespmem:s23], [sflag:$0x4], $0x80, s8, s21, $0xb8;
	[tilespmem:$0x1D000] =	vst v63  }
0x108: {  	_ =	swait.ge [sflag:s30], $0x4000  }
0x109: {  	[sflag:s30] =	ssyncset.done $0x0  }
0x10a: {  	s31 =	simm.s32 $0x14380;
	[sflag:s30] =	ssyncadd.s32 $0xFFFFC000  }
0x10b: {  	[tilespmem:s23], [sflag:$0x2] =	stream.indirect.gather [hbm4b:s2+s21], $0x80, s31, s21, $0xb8;
	[tilespmem:$0x1D000] =	vst v63  }
0x10c: {  	_ =	swait.ge [sflag:s24], $0x4000  }
0x10d: {  	[sflag:s24] =	ssyncset.done $0x0  }
0x10e: {  	s22 =	simm.s32 $0x14B00;
	[sflag:s24] =	ssyncadd.s32 $0xFFFFC000  }
0x10f: {  	[spmem:s4] =	stream.indirect.scatter.add.f32 [tilespmem:s17], [sflag:$0x3], $0x80, s22, s21, $0xb8;
	[tilespmem:$0x1D000] =	vst v63  }
0x110: {  	_ =	swait.ge [sflag:s25], $0x4000  }
0x111: {  	[sflag:s25] =	ssyncset.done $0x0  }
0x112: {  	s26 =	simm.s32 $0x14400;
	[sflag:s25] =	ssyncadd.s32 $0xFFFFC000  }
0x113: {  	[tilespmem:s17], [sflag:$0x1] =	stream.indirect.gather [hbm4b:s2+s21], $0x80, s26, s21, $0xb8;
	[tilespmem:$0x1D000] =	vst v63  }
0x114: {  	_ =	swait.ge [sflag:s28], $0x4000  }
0x115: {  	[sflag:s28] =	ssyncset.done $0x0  }
0x116: {  	s31 =	simm.s32 $0x14B80;
	[sflag:s28] =	ssyncadd.s32 $0xFFFFC000  }
0x117: {  	[spmem:s4] =	stream.indirect.scatter.add.f32 [tilespmem:s23], [sflag:$0x4], $0x80, s31, s21, $0xb8;
	[tilespmem:$0x1D000] =	vst v63  }
0x118: {  	_ =	swait.ge [sflag:s30], $0x4000  }
0x119: {  	[sflag:s30] =	ssyncset.done $0x0  }
0x11a: {  	s22 =	simm.s32 $0x14480;
	[sflag:s30] =	ssyncadd.s32 $0xFFFFC000  }
0x11b: {  	[tilespmem:s23], [sflag:$0x2] =	stream.indirect.gather [hbm4b:s2+s21], $0x80, s22, s21, $0xb8;
	[tilespmem:$0x1D000] =	vst v63  }
0x11c: {  	_ =	swait.ge [sflag:s24], $0x4000  }
0x11d: {  	[sflag:s24] =	ssyncset.done $0x0  }
0x11e: {  	s26 =	simm.s32 $0x14C00;
	[sflag:s24] =	ssyncadd.s32 $0xFFFFC000  }
0x11f: {  	[spmem:s4] =	stream.indirect.scatter.add.f32 [tilespmem:s17], [sflag:$0x3], $0x80, s26, s21, $0xb8;
	[tilespmem:$0x1D000] =	vst v63  }
0x120: {  	_ =	swait.ge [sflag:s25], $0x4000  }
0x121: {  	[sflag:s25] =	ssyncset.done $0x0  }
0x122: {  	s31 =	simm.s32 $0x14500;
	[sflag:s25] =	ssyncadd.s32 $0xFFFFC000  }
0x123: {  	[tilespmem:s17], [sflag:$0x1] =	stream.indirect.gather [hbm4b:s2+s21], $0x80, s31, s21, $0xb8;
	[tilespmem:$0x1D000] =	vst v63  }
0x124: {  	_ =	swait.ge [sflag:s28], $0x4000  }
0x125: {  	[sflag:s28] =	ssyncset.done $0x0  }
0x126: {  	s22 =	simm.s32 $0x14C80;
	[sflag:s28] =	ssyncadd.s32 $0xFFFFC000  }
0x127: {  	[spmem:s4] =	stream.indirect.scatter.add.f32 [tilespmem:s23], [sflag:$0x4], $0x80, s22, s21, $0xb8;
	[tilespmem:$0x1D000] =	vst v63  }
0x128: {  	_ =	swait.ge [sflag:s30], $0x4000  }
0x129: {  	[sflag:s30] =	ssyncset.done $0x0  }
0x12a: {  	s26 =	simm.s32 $0x14580;
	[sflag:s30] =	ssyncadd.s32 $0xFFFFC000  }
0x12b: {  	[tilespmem:s23], [sflag:$0x2] =	stream.indirect.gather [hbm4b:s2+s21], $0x80, s26, s21, $0xb8;
	[tilespmem:$0x1D000] =	vst v63  }
0x12c: {  	_ =	swait.ge [sflag:s24], $0x4000  }
0x12d: {  	[sflag:s24] =	ssyncset.done $0x0  }
0x12e: {  	s31 =	simm.s32 $0x14D00;
	[sflag:s24] =	ssyncadd.s32 $0xFFFFC000  }
0x12f: {  	[spmem:s4] =	stream.indirect.scatter.add.f32 [tilespmem:s17], [sflag:$0x3], $0x80, s31, s21, $0xb8;
	[tilespmem:$0x1D000] =	vst v63  }
0x130: {  	_ =	swait.ge [sflag:s25], $0x4000  }
0x131: {  	[sflag:s25] =	ssyncset.done $0x0  }
0x132: {  	s22 =	simm.s32 $0x14600;
	[sflag:s25] =	ssyncadd.s32 $0xFFFFC000  }
0x133: {  	[tilespmem:s17], [sflag:$0x1] =	stream.indirect.gather [hbm4b:s2+s21], $0x80, s22, s21, $0xb8;
	[tilespmem:$0x1D000] =	vst v63  }
0x134: {  	_ =	swait.ge [sflag:s28], $0x4000  }
0x135: {  	[sflag:s28] =	ssyncset.done $0x0  }
0x136: {  	s26 =	simm.s32 $0x14D80;
	[sflag:s28] =	ssyncadd.s32 $0xFFFFC000  }
0x137: {  	[spmem:s4] =	stream.indirect.scatter.add.f32 [tilespmem:s23], [sflag:$0x4], $0x80, s26, s21, $0xb8;
	[tilespmem:$0x1D000] =	vst v63  }
0x138: {  	_ =	swait.ge [sflag:s30], $0x4000  }
0x139: {  	[sflag:s30] =	ssyncset.done $0x0  }
0x13a: {  	s31 =	simm.s32 $0x14680;
	[sflag:s30] =	ssyncadd.s32 $0xFFFFC000  }
0x13b: {  	[tilespmem:s23], [sflag:$0x2] =	stream.indirect.gather [hbm4b:s2+s21], $0x80, s31, s21, $0xb8;
	[tilespmem:$0x1D000] =	vst v63  }
0x13c: {  	_ =	swait.ge [sflag:s24], $0x4000  }
0x13d: {  	[sflag:s24] =	ssyncset.done $0x0  }
0x13e: {  	s22 =	simm.s32 $0x14E00;
	[sflag:s24] =	ssyncadd.s32 $0xFFFFC000  }
0x13f: {  	[spmem:s4] =	stream.indirect.scatter.add.f32 [tilespmem:s17], [sflag:$0x3], $0x80, s22, s21, $0xb8;
	[tilespmem:$0x1D000] =	vst v63  }
0x140: {  	_ =	swait.ge [sflag:s25], $0x4000  }
0x141: {  	[sflag:s25] =	ssyncset.done $0x0  }
0x142: {  	s26 =	simm.s32 $0x14700;
	[sflag:s25] =	ssyncadd.s32 $0xFFFFC000  }
0x143: {  	[tilespmem:s17], [sflag:$0x1] =	stream.indirect.gather [hbm4b:s2+s21], $0x80, s26, s21, $0xb8;
	[tilespmem:$0x1D000] =	vst v63  }
0x144: {  	_ =	swait.ge [sflag:s28], $0x4000  }
0x145: {  	[sflag:s28] =	ssyncset.done $0x0  }
0x146: {  	s31 =	simm.s32 $0x14E80;
	[sflag:s28] =	ssyncadd.s32 $0xFFFFC000  }
0x147: {  	[spmem:s4] =	stream.indirect.scatter.add.f32 [tilespmem:s23], [sflag:$0x4], $0x80, s31, s21, $0xb8;
	[tilespmem:$0x1D000] =	vst v63  }
0x148: {  	_ =	swait.ge [sflag:s30], $0x4000  }
0x149: {  	[sflag:s30] =	ssyncset.done $0x0  }
0x14a: {  	s22 =	simm.s32 $0x14780;
	[sflag:s30] =	ssyncadd.s32 $0xFFFFC000  }
0x14b: {  	[tilespmem:s23], [sflag:$0x2] =	stream.indirect.gather [hbm4b:s2+s21], $0x80, s22, s21, $0xb8;
	[tilespmem:$0x1D000] =	vst v63  }
0x14c: {  	_ =	swait.ge [sflag:s24], $0x4000  }
0x14d: {  	[sflag:s24] =	ssyncset.done $0x0  }
0x14e: {  	s26 =	simm.s32 $0x14F00;
	[sflag:s24] =	ssyncadd.s32 $0xFFFFC000  }
0x14f: {  	[spmem:s4] =	stream.indirect.scatter.add.f32 [tilespmem:s17], [sflag:$0x3], $0x80, s26, s21, $0xb8;
	[tilespmem:$0x1D000] =	vst v63  }
0x150: {  	_ =	swait.ge [sflag:s28], $0x4000  }
0x151: {  	[sflag:s28] =	ssyncset.done $0x0  }
0x152: {  	s31 =	simm.s32 $0x14F80;
	[sflag:s28] =	ssyncadd.s32 $0xFFFFC000  }
0x153: {  	[spmem:s4] =	stream.indirect.scatter.add.f32 [tilespmem:s23], [sflag:$0x4], $0x80, s31, s21, $0xb8;
	[tilespmem:$0x1D000] =	vst v63  }
0x154: {  	_ =	swait.ge [sflag:s25], $0x4000  }
0x155: {  	[sflag:s25] =	ssyncset.done $0x0  }
0x156: {  	[sflag:s25] =	ssyncadd.s32 $0xFFFFC000  }
0x157: {  	_ =	swait.ge [sflag:s30], $0x4000  }
0x158: {  	s29 =	simm.s32 $0x200;
	s22 =	simm.s32 $0x100;
	[sflag:s30] =	ssyncset.done $0x0  }
.LBB2_8:
0x159: {  	s0 =	sadd.s32 s22, s16  }
0x15a: {  	[sflag:s30] =	ssyncadd.s32 $0xFFFFC000;
	s31 =	smov.u32 s29;
	s26 =	sadd.s32 $0x100, s29  }
0x15b: {  	[tilespmem:s19], [sflag:$0x5] =	stream.linear.gather [hbm4b:s0+s5], $0x800, $0x38;
	[tilespmem:$0x1D000] =	vst v63  }
0x15c: {  	p1 =	sne.s32 s29, $0x900;
	_ =	swait.ge [sflag:s18], $0x800  }
0x15d: {  	s0 =	sadd.s32 s22, s15;
	[sflag:s18] =	ssyncset.done $0x0  }
0x15e: {  	s22 =	smov.u32 s31;
	s31 =	simm.s32 $0x14080;
	[sflag:s18] =	ssyncadd.s32 $0xFFFFF800  }
0x15f: {  	[tilespmem:s20], [sflag:$0x5] =	stream.linear.gather [hbm4b:s0+s5], $0x800, $0x38;
	[tilespmem:$0x1D000] =	vst v63  }
0x160: {  	_ =	swait.ge [sflag:s18], $0x800  }
0x161: {  	[sflag:s18] =	ssyncset.done $0x0  }
0x162: {  	[sflag:s18] =	ssyncadd.s32 $0xFFFFF800  }
0x163: {  	[tilespmem:s17], [sflag:$0x1] =	stream.indirect.gather [hbm4b:s2+s21], $0x80, s19, s21, $0xb8;
	[tilespmem:$0x1D000] =	vst v63  }
0x164: {  	_ = 	snop  }
0x165: {  	[tilespmem:s23], [sflag:$0x2] =	stream.indirect.gather [hbm4b:s2+s21], $0x80, s31, s21, $0xb8;
	[tilespmem:$0x1D000] =	vst v63  }
0x166: {  	_ =	swait.ge [sflag:s24], $0x4000  }
0x167: {  	[sflag:s24] =	ssyncset.done $0x0  }
0x168: {  	[sflag:s24] =	ssyncadd.s32 $0xFFFFC000  }
0x169: {  	[spmem:s4] =	stream.indirect.scatter.add.f32 [tilespmem:s17], [sflag:$0x3], $0x80, s20, s21, $0xb8;
	[tilespmem:$0x1D000] =	vst v63  }
0x16a: {  	_ =	swait.ge [sflag:s25], $0x4000  }
0x16b: {  	[sflag:s25] =	ssyncset.done $0x0  }
0x16c: {  	[sflag:s25] =	ssyncadd.s32 $0xFFFFC000  }
0x16d: {  	[tilespmem:s17], [sflag:$0x1] =	stream.indirect.gather [hbm4b:s2+s21], $0x80, s6, s21, $0xb8;
	[tilespmem:$0x1D000] =	vst v63  }
0x16e: {  	_ =	swait.ge [sflag:s28], $0x4000  }
0x16f: {  	[sflag:s28] =	ssyncset.done $0x0  }
0x170: {  	[sflag:s28] =	ssyncadd.s32 $0xFFFFC000  }
0x171: {  	[spmem:s4] =	stream.indirect.scatter.add.f32 [tilespmem:s23], [sflag:$0x4], $0x80, s7, s21, $0xb8;
	[tilespmem:$0x1D000] =	vst v63  }
0x172: {  	_ =	swait.ge [sflag:s30], $0x4000  }
0x173: {  	[sflag:s30] =	ssyncset.done $0x0  }
0x174: {  	[sflag:s30] =	ssyncadd.s32 $0xFFFFC000  }
0x175: {  	[tilespmem:s23], [sflag:$0x2] =	stream.indirect.gather [hbm4b:s2+s21], $0x80, s3, s21, $0xb8;
	[tilespmem:$0x1D000] =	vst v63  }
0x176: {  	_ =	swait.ge [sflag:s24], $0x4000  }
0x177: {  	[sflag:s24] =	ssyncset.done $0x0  }
0x178: {  	[sflag:s24] =	ssyncadd.s32 $0xFFFFC000  }
0x179: {  	[spmem:s4] =	stream.indirect.scatter.add.f32 [tilespmem:s17], [sflag:$0x3], $0x80, s9, s21, $0xb8;
	[tilespmem:$0x1D000] =	vst v63  }
0x17a: {  	_ =	swait.ge [sflag:s25], $0x4000  }
0x17b: {  	[sflag:s25] =	ssyncset.done $0x0  }
0x17c: {  	[sflag:s25] =	ssyncadd.s32 $0xFFFFC000  }
0x17d: {  	[tilespmem:s17], [sflag:$0x1] =	stream.indirect.gather [hbm4b:s2+s21], $0x80, s10, s21, $0xb8;
	[tilespmem:$0x1D000] =	vst v63  }
0x17e: {  	_ =	swait.ge [sflag:s28], $0x4000  }
0x17f: {  	[sflag:s28] =	ssyncset.done $0x0  }
0x180: {  	[sflag:s28] =	ssyncadd.s32 $0xFFFFC000  }
0x181: {  	[spmem:s4] =	stream.indirect.scatter.add.f32 [tilespmem:s23], [sflag:$0x4], $0x80, s11, s21, $0xb8;
	[tilespmem:$0x1D000] =	vst v63  }
0x182: {  	_ =	swait.ge [sflag:s30], $0x4000  }
0x183: {  	[sflag:s30] =	ssyncset.done $0x0  }
0x184: {  	[sflag:s30] =	ssyncadd.s32 $0xFFFFC000  }
0x185: {  	[tilespmem:s23], [sflag:$0x2] =	stream.indirect.gather [hbm4b:s2+s21], $0x80, s12, s21, $0xb8;
	[tilespmem:$0x1D000] =	vst v63  }
0x186: {  	_ =	swait.ge [sflag:s24], $0x4000  }
0x187: {  	[sflag:s24] =	ssyncset.done $0x0  }
0x188: {  	[sflag:s24] =	ssyncadd.s32 $0xFFFFC000  }
0x189: {  	[spmem:s4] =	stream.indirect.scatter.add.f32 [tilespmem:s17], [sflag:$0x3], $0x80, s13, s21, $0xb8;
	[tilespmem:$0x1D000] =	vst v63  }
0x18a: {  	_ =	swait.ge [sflag:s25], $0x4000  }
0x18b: {  	[sflag:s25] =	ssyncset.done $0x0  }
0x18c: {  	[sflag:s25] =	ssyncadd.s32 $0xFFFFC000  }
0x18d: {  	[tilespmem:s17], [sflag:$0x1] =	stream.indirect.gather [hbm4b:s2+s21], $0x80, s14, s21, $0xb8;
	[tilespmem:$0x1D000] =	vst v63  }
0x18e: {  	_ =	swait.ge [sflag:s28], $0x4000  }
0x18f: {  	[sflag:s28] =	ssyncset.done $0x0  }
0x190: {  	[sflag:s28] =	ssyncadd.s32 $0xFFFFC000  }
0x191: {  	[spmem:s4] =	stream.indirect.scatter.add.f32 [tilespmem:s23], [sflag:$0x4], $0x80, s8, s21, $0xb8;
	[tilespmem:$0x1D000] =	vst v63  }
0x192: {  	_ =	swait.ge [sflag:s30], $0x4000  }
0x193: {  	[sflag:s30] =	ssyncset.done $0x0  }
0x194: {  	s0 =	simm.s32 $0x14380;
	[sflag:s30] =	ssyncadd.s32 $0xFFFFC000  }
0x195: {  	[tilespmem:s23], [sflag:$0x2] =	stream.indirect.gather [hbm4b:s2+s21], $0x80, s0, s21, $0xb8;
	[tilespmem:$0x1D000] =	vst v63  }
0x196: {  	_ =	swait.ge [sflag:s24], $0x4000  }
0x197: {  	[sflag:s24] =	ssyncset.done $0x0  }
0x198: {  	s0 =	simm.s32 $0x14B00;
	[sflag:s24] =	ssyncadd.s32 $0xFFFFC000  }
0x199: {  	[spmem:s4] =	stream.indirect.scatter.add.f32 [tilespmem:s17], [sflag:$0x3], $0x80, s0, s21, $0xb8;
	[tilespmem:$0x1D000] =	vst v63  }
0x19a: {  	_ =	swait.ge [sflag:s25], $0x4000  }
0x19b: {  	[sflag:s25] =	ssyncset.done $0x0  }
0x19c: {  	s0 =	simm.s32 $0x14400;
	[sflag:s25] =	ssyncadd.s32 $0xFFFFC000  }
0x19d: {  	[tilespmem:s17], [sflag:$0x1] =	stream.indirect.gather [hbm4b:s2+s21], $0x80, s0, s21, $0xb8;
	[tilespmem:$0x1D000] =	vst v63  }
0x19e: {  	_ =	swait.ge [sflag:s28], $0x4000  }
0x19f: {  	[sflag:s28] =	ssyncset.done $0x0  }
0x1a0: {  	s0 =	simm.s32 $0x14B80;
	[sflag:s28] =	ssyncadd.s32 $0xFFFFC000  }
0x1a1: {  	[spmem:s4] =	stream.indirect.scatter.add.f32 [tilespmem:s23], [sflag:$0x4], $0x80, s0, s21, $0xb8;
	[tilespmem:$0x1D000] =	vst v63  }
0x1a2: {  	_ =	swait.ge [sflag:s30], $0x4000  }
0x1a3: {  	[sflag:s30] =	ssyncset.done $0x0  }
0x1a4: {  	s0 =	simm.s32 $0x14480;
	[sflag:s30] =	ssyncadd.s32 $0xFFFFC000  }
0x1a5: {  	[tilespmem:s23], [sflag:$0x2] =	stream.indirect.gather [hbm4b:s2+s21], $0x80, s0, s21, $0xb8;
	[tilespmem:$0x1D000] =	vst v63  }
0x1a6: {  	_ =	swait.ge [sflag:s24], $0x4000  }
0x1a7: {  	[sflag:s24] =	ssyncset.done $0x0  }
0x1a8: {  	s0 =	simm.s32 $0x14C00;
	[sflag:s24] =	ssyncadd.s32 $0xFFFFC000  }
0x1a9: {  	[spmem:s4] =	stream.indirect.scatter.add.f32 [tilespmem:s17], [sflag:$0x3], $0x80, s0, s21, $0xb8;
	[tilespmem:$0x1D000] =	vst v63  }
0x1aa: {  	_ =	swait.ge [sflag:s25], $0x4000  }
0x1ab: {  	[sflag:s25] =	ssyncset.done $0x0  }
0x1ac: {  	s0 =	simm.s32 $0x14500;
	[sflag:s25] =	ssyncadd.s32 $0xFFFFC000  }
0x1ad: {  	[tilespmem:s17], [sflag:$0x1] =	stream.indirect.gather [hbm4b:s2+s21], $0x80, s0, s21, $0xb8;
	[tilespmem:$0x1D000] =	vst v63  }
0x1ae: {  	_ =	swait.ge [sflag:s28], $0x4000  }
0x1af: {  	[sflag:s28] =	ssyncset.done $0x0  }
0x1b0: {  	s0 =	simm.s32 $0x14C80;
	[sflag:s28] =	ssyncadd.s32 $0xFFFFC000  }
0x1b1: {  	[spmem:s4] =	stream.indirect.scatter.add.f32 [tilespmem:s23], [sflag:$0x4], $0x80, s0, s21, $0xb8;
	[tilespmem:$0x1D000] =	vst v63  }
0x1b2: {  	_ =	swait.ge [sflag:s30], $0x4000  }
0x1b3: {  	[sflag:s30] =	ssyncset.done $0x0  }
0x1b4: {  	s0 =	simm.s32 $0x14580;
	[sflag:s30] =	ssyncadd.s32 $0xFFFFC000  }
0x1b5: {  	[tilespmem:s23], [sflag:$0x2] =	stream.indirect.gather [hbm4b:s2+s21], $0x80, s0, s21, $0xb8;
	[tilespmem:$0x1D000] =	vst v63  }
0x1b6: {  	_ =	swait.ge [sflag:s24], $0x4000  }
0x1b7: {  	[sflag:s24] =	ssyncset.done $0x0  }
0x1b8: {  	s0 =	simm.s32 $0x14D00;
	[sflag:s24] =	ssyncadd.s32 $0xFFFFC000  }
0x1b9: {  	[spmem:s4] =	stream.indirect.scatter.add.f32 [tilespmem:s17], [sflag:$0x3], $0x80, s0, s21, $0xb8;
	[tilespmem:$0x1D000] =	vst v63  }
0x1ba: {  	_ =	swait.ge [sflag:s25], $0x4000  }
0x1bb: {  	[sflag:s25] =	ssyncset.done $0x0  }
0x1bc: {  	s0 =	simm.s32 $0x14600;
	[sflag:s25] =	ssyncadd.s32 $0xFFFFC000  }
0x1bd: {  	[tilespmem:s17], [sflag:$0x1] =	stream.indirect.gather [hbm4b:s2+s21], $0x80, s0, s21, $0xb8;
	[tilespmem:$0x1D000] =	vst v63  }
0x1be: {  	_ =	swait.ge [sflag:s28], $0x4000  }
0x1bf: {  	[sflag:s28] =	ssyncset.done $0x0  }
0x1c0: {  	s0 =	simm.s32 $0x14D80;
	[sflag:s28] =	ssyncadd.s32 $0xFFFFC000  }
0x1c1: {  	[spmem:s4] =	stream.indirect.scatter.add.f32 [tilespmem:s23], [sflag:$0x4], $0x80, s0, s21, $0xb8;
	[tilespmem:$0x1D000] =	vst v63  }
0x1c2: {  	_ =	swait.ge [sflag:s30], $0x4000  }
0x1c3: {  	[sflag:s30] =	ssyncset.done $0x0  }
0x1c4: {  	s0 =	simm.s32 $0x14680;
	[sflag:s30] =	ssyncadd.s32 $0xFFFFC000  }
0x1c5: {  	[tilespmem:s23], [sflag:$0x2] =	stream.indirect.gather [hbm4b:s2+s21], $0x80, s0, s21, $0xb8;
	[tilespmem:$0x1D000] =	vst v63  }
0x1c6: {  	_ =	swait.ge [sflag:s24], $0x4000  }
0x1c7: {  	[sflag:s24] =	ssyncset.done $0x0  }
0x1c8: {  	s0 =	simm.s32 $0x14E00;
	[sflag:s24] =	ssyncadd.s32 $0xFFFFC000  }
0x1c9: {  	[spmem:s4] =	stream.indirect.scatter.add.f32 [tilespmem:s17], [sflag:$0x3], $0x80, s0, s21, $0xb8;
	[tilespmem:$0x1D000] =	vst v63  }
0x1ca: {  	_ =	swait.ge [sflag:s25], $0x4000  }
0x1cb: {  	[sflag:s25] =	ssyncset.done $0x0  }
0x1cc: {  	s0 =	simm.s32 $0x14700;
	[sflag:s25] =	ssyncadd.s32 $0xFFFFC000  }
0x1cd: {  	[tilespmem:s17], [sflag:$0x1] =	stream.indirect.gather [hbm4b:s2+s21], $0x80, s0, s21, $0xb8;
	[tilespmem:$0x1D000] =	vst v63  }
0x1ce: {  	_ =	swait.ge [sflag:s28], $0x4000  }
0x1cf: {  	[sflag:s28] =	ssyncset.done $0x0  }
0x1d0: {  	s0 =	simm.s32 $0x14E80;
	[sflag:s28] =	ssyncadd.s32 $0xFFFFC000  }
0x1d1: {  	[spmem:s4] =	stream.indirect.scatter.add.f32 [tilespmem:s23], [sflag:$0x4], $0x80, s0, s21, $0xb8;
	[tilespmem:$0x1D000] =	vst v63  }
0x1d2: {  	_ =	swait.ge [sflag:s30], $0x4000  }
0x1d3: {  	[sflag:s30] =	ssyncset.done $0x0  }
0x1d4: {  	s0 =	simm.s32 $0x14780;
	[sflag:s30] =	ssyncadd.s32 $0xFFFFC000  }
0x1d5: {  	[tilespmem:s23], [sflag:$0x2] =	stream.indirect.gather [hbm4b:s2+s21], $0x80, s0, s21, $0xb8;
	[tilespmem:$0x1D000] =	vst v63  }
0x1d6: {  	_ =	swait.ge [sflag:s24], $0x4000  }
0x1d7: {  	[sflag:s24] =	ssyncset.done $0x0  }
0x1d8: {  	s0 =	simm.s32 $0x14F00;
	[sflag:s24] =	ssyncadd.s32 $0xFFFFC000  }
0x1d9: {  	[spmem:s4] =	stream.indirect.scatter.add.f32 [tilespmem:s17], [sflag:$0x3], $0x80, s0, s21, $0xb8;
	[tilespmem:$0x1D000] =	vst v63  }
0x1da: {  	_ =	swait.ge [sflag:s28], $0x4000  }
0x1db: {  	[sflag:s28] =	ssyncset.done $0x0  }
0x1dc: {  	s0 =	simm.s32 $0x14F80;
	[sflag:s28] =	ssyncadd.s32 $0xFFFFC000  }
0x1dd: {  	[spmem:s4] =	stream.indirect.scatter.add.f32 [tilespmem:s23], [sflag:$0x4], $0x80, s0, s21, $0xb8;
	[tilespmem:$0x1D000] =	vst v63  }
.Ltmp4:
0x1de: {  	_ =	swait.ge [sflag:s25], $0x4000;
	(pc) =	sbr.rel @p1 .LBB2_8-.Ltmp4, $4  }
0x1df: {  	[sflag:s25] =	ssyncset.done $0x0  }
0x1e0: {  	[sflag:s25] =	ssyncadd.s32 $0xFFFFC000  }
0x1e1: {  	_ =	swait.ge [sflag:s30], $0x4000  }
0x1e2: {  	s29 =	smov.u32 s26;
	[sflag:s30] =	ssyncset.done $0x0  }
0x1e3: {  	s0 =	sadd.s32 s22, s16;
	[sflag:s30] =	ssyncadd.s32 $0xFFFFC000  }
0x1e4: {  	[tilespmem:s19], [sflag:$0x5] =	stream.linear.gather [hbm4b:s0+s5], $0x800, $0x38;
	[tilespmem:$0x1D000] =	vst v63  }
0x1e5: {  	_ =	swait.ge [sflag:s18], $0x800  }
0x1e6: {  	[sflag:s18] =	ssyncset.done $0x0  }
0x1e7: {  	s29 =	sadd.s32 s22, s15;
	[sflag:s18] =	ssyncadd.s32 $0xFFFFF800  }
0x1e8: {  	[tilespmem:s20], [sflag:$0x5] =	stream.linear.gather [hbm4b:s29+s5], $0x800, $0x38;
	[tilespmem:$0x1D000] =	vst v63  }
0x1e9: {  	_ =	swait.ge [sflag:s18], $0x800  }
0x1ea: {  	[sflag:s18] =	ssyncset.done $0x0  }
0x1eb: {  	[sflag:s18] =	ssyncadd.s32 $0xFFFFF800  }
0x1ec: {  	[tilespmem:s17], [sflag:$0x1] =	stream.indirect.gather [hbm4b:s2+s21], $0x80, s19, s21, $0xb8;
	[tilespmem:$0x1D000] =	vst v63  }
0x1ed: {  	_ = 	snop  }
0x1ee: {  	[tilespmem:s23], [sflag:$0x2] =	stream.indirect.gather [hbm4b:s2+s21], $0x80, s31, s21, $0xb8;
	[tilespmem:$0x1D000] =	vst v63  }
0x1ef: {  	_ =	swait.ge [sflag:s24], $0x4000  }
0x1f0: {  	[sflag:s24] =	ssyncset.done $0x0  }
0x1f1: {  	[sflag:s24] =	ssyncadd.s32 $0xFFFFC000  }
0x1f2: {  	[spmem:s4] =	stream.indirect.scatter.add.f32 [tilespmem:s17], [sflag:$0x3], $0x80, s20, s21, $0xb8;
	[tilespmem:$0x1D000] =	vst v63  }
0x1f3: {  	_ =	swait.ge [sflag:s25], $0x4000  }
0x1f4: {  	[sflag:s25] =	ssyncset.done $0x0  }
0x1f5: {  	[sflag:s25] =	ssyncadd.s32 $0xFFFFC000  }
0x1f6: {  	[tilespmem:s17], [sflag:$0x1] =	stream.indirect.gather [hbm4b:s2+s21], $0x80, s6, s21, $0xb8;
	[tilespmem:$0x1D000] =	vst v63  }
0x1f7: {  	_ =	swait.ge [sflag:s28], $0x4000  }
0x1f8: {  	[sflag:s28] =	ssyncset.done $0x0  }
0x1f9: {  	[sflag:s28] =	ssyncadd.s32 $0xFFFFC000  }
0x1fa: {  	[spmem:s4] =	stream.indirect.scatter.add.f32 [tilespmem:s23], [sflag:$0x4], $0x80, s7, s21, $0xb8;
	[tilespmem:$0x1D000] =	vst v63  }
0x1fb: {  	_ =	swait.ge [sflag:s30], $0x4000  }
0x1fc: {  	[sflag:s30] =	ssyncset.done $0x0  }
0x1fd: {  	[sflag:s30] =	ssyncadd.s32 $0xFFFFC000  }
0x1fe: {  	[tilespmem:s23], [sflag:$0x2] =	stream.indirect.gather [hbm4b:s2+s21], $0x80, s3, s21, $0xb8;
	[tilespmem:$0x1D000] =	vst v63  }
0x1ff: {  	_ =	swait.ge [sflag:s24], $0x4000  }
0x200: {  	[sflag:s24] =	ssyncset.done $0x0  }
0x201: {  	[sflag:s24] =	ssyncadd.s32 $0xFFFFC000  }
0x202: {  	[spmem:s4] =	stream.indirect.scatter.add.f32 [tilespmem:s17], [sflag:$0x3], $0x80, s9, s21, $0xb8;
	[tilespmem:$0x1D000] =	vst v63  }
0x203: {  	_ =	swait.ge [sflag:s25], $0x4000  }
0x204: {  	[sflag:s25] =	ssyncset.done $0x0  }
0x205: {  	[sflag:s25] =	ssyncadd.s32 $0xFFFFC000  }
0x206: {  	[tilespmem:s17], [sflag:$0x1] =	stream.indirect.gather [hbm4b:s2+s21], $0x80, s10, s21, $0xb8;
	[tilespmem:$0x1D000] =	vst v63  }
0x207: {  	_ =	swait.ge [sflag:s28], $0x4000  }
0x208: {  	[sflag:s28] =	ssyncset.done $0x0  }
0x209: {  	[sflag:s28] =	ssyncadd.s32 $0xFFFFC000  }
0x20a: {  	[spmem:s4] =	stream.indirect.scatter.add.f32 [tilespmem:s23], [sflag:$0x4], $0x80, s11, s21, $0xb8;
	[tilespmem:$0x1D000] =	vst v63  }
0x20b: {  	_ =	swait.ge [sflag:s30], $0x4000  }
0x20c: {  	[sflag:s30] =	ssyncset.done $0x0  }
0x20d: {  	[sflag:s30] =	ssyncadd.s32 $0xFFFFC000  }
0x20e: {  	[tilespmem:s23], [sflag:$0x2] =	stream.indirect.gather [hbm4b:s2+s21], $0x80, s12, s21, $0xb8;
	[tilespmem:$0x1D000] =	vst v63  }
0x20f: {  	_ =	swait.ge [sflag:s24], $0x4000  }
0x210: {  	[sflag:s24] =	ssyncset.done $0x0  }
0x211: {  	[sflag:s24] =	ssyncadd.s32 $0xFFFFC000  }
0x212: {  	[spmem:s4] =	stream.indirect.scatter.add.f32 [tilespmem:s17], [sflag:$0x3], $0x80, s13, s21, $0xb8;
	[tilespmem:$0x1D000] =	vst v63  }
0x213: {  	_ =	swait.ge [sflag:s25], $0x4000  }
0x214: {  	[sflag:s25] =	ssyncset.done $0x0  }
0x215: {  	[sflag:s25] =	ssyncadd.s32 $0xFFFFC000  }
0x216: {  	[tilespmem:s17], [sflag:$0x1] =	stream.indirect.gather [hbm4b:s2+s21], $0x80, s14, s21, $0xb8;
	[tilespmem:$0x1D000] =	vst v63  }
0x217: {  	_ =	swait.ge [sflag:s28], $0x4000  }
0x218: {  	[sflag:s28] =	ssyncset.done $0x0  }
0x219: {  	[sflag:s28] =	ssyncadd.s32 $0xFFFFC000  }
0x21a: {  	[spmem:s4] =	stream.indirect.scatter.add.f32 [tilespmem:s23], [sflag:$0x4], $0x80, s8, s21, $0xb8;
	[tilespmem:$0x1D000] =	vst v63  }
0x21b: {  	_ =	swait.ge [sflag:s30], $0x4000  }
0x21c: {  	[sflag:s30] =	ssyncset.done $0x0  }
0x21d: {  	s12 =	simm.s32 $0x14380;
	[sflag:s30] =	ssyncadd.s32 $0xFFFFC000  }
0x21e: {  	[tilespmem:s23], [sflag:$0x2] =	stream.indirect.gather [hbm4b:s2+s21], $0x80, s12, s21, $0xb8;
	[tilespmem:$0x1D000] =	vst v63  }
0x21f: {  	_ =	swait.ge [sflag:s24], $0x4000  }
0x220: {  	[sflag:s24] =	ssyncset.done $0x0  }
0x221: {  	s13 =	simm.s32 $0x14B00;
	[sflag:s24] =	ssyncadd.s32 $0xFFFFC000  }
0x222: {  	[spmem:s4] =	stream.indirect.scatter.add.f32 [tilespmem:s17], [sflag:$0x3], $0x80, s13, s21, $0xb8;
	[tilespmem:$0x1D000] =	vst v63  }
0x223: {  	_ =	swait.ge [sflag:s25], $0x4000  }
0x224: {  	[sflag:s25] =	ssyncset.done $0x0  }
0x225: {  	s14 =	simm.s32 $0x14400;
	[sflag:s25] =	ssyncadd.s32 $0xFFFFC000  }
0x226: {  	[tilespmem:s17], [sflag:$0x1] =	stream.indirect.gather [hbm4b:s2+s21], $0x80, s14, s21, $0xb8;
	[tilespmem:$0x1D000] =	vst v63  }
0x227: {  	_ =	swait.ge [sflag:s28], $0x4000  }
0x228: {  	[sflag:s28] =	ssyncset.done $0x0  }
0x229: {  	s22 =	simm.s32 $0x14B80;
	[sflag:s28] =	ssyncadd.s32 $0xFFFFC000  }
0x22a: {  	[spmem:s4] =	stream.indirect.scatter.add.f32 [tilespmem:s23], [sflag:$0x4], $0x80, s22, s21, $0xb8;
	[tilespmem:$0x1D000] =	vst v63  }
0x22b: {  	_ =	swait.ge [sflag:s30], $0x4000  }
0x22c: {  	[sflag:s30] =	ssyncset.done $0x0  }
0x22d: {  	s26 =	simm.s32 $0x14480;
	[sflag:s30] =	ssyncadd.s32 $0xFFFFC000  }
0x22e: {  	[tilespmem:s23], [sflag:$0x2] =	stream.indirect.gather [hbm4b:s2+s21], $0x80, s26, s21, $0xb8;
	[tilespmem:$0x1D000] =	vst v63  }
0x22f: {  	_ =	swait.ge [sflag:s24], $0x4000  }
0x230: {  	[sflag:s24] =	ssyncset.done $0x0  }
0x231: {  	s29 =	simm.s32 $0x14C00;
	[sflag:s24] =	ssyncadd.s32 $0xFFFFC000  }
0x232: {  	[spmem:s4] =	stream.indirect.scatter.add.f32 [tilespmem:s17], [sflag:$0x3], $0x80, s29, s21, $0xb8;
	[tilespmem:$0x1D000] =	vst v63  }
0x233: {  	_ =	swait.ge [sflag:s25], $0x4000  }
0x234: {  	[sflag:s25] =	ssyncset.done $0x0  }
0x235: {  	s3 =	simm.s32 $0x14500;
	[sflag:s25] =	ssyncadd.s32 $0xFFFFC000  }
0x236: {  	[tilespmem:s17], [sflag:$0x1] =	stream.indirect.gather [hbm4b:s2+s21], $0x80, s3, s21, $0xb8;
	[tilespmem:$0x1D000] =	vst v63  }
0x237: {  	_ =	swait.ge [sflag:s28], $0x4000  }
0x238: {  	[sflag:s28] =	ssyncset.done $0x0  }
0x239: {  	s6 =	simm.s32 $0x14C80;
	[sflag:s28] =	ssyncadd.s32 $0xFFFFC000  }
0x23a: {  	[spmem:s4] =	stream.indirect.scatter.add.f32 [tilespmem:s23], [sflag:$0x4], $0x80, s6, s21, $0xb8;
	[tilespmem:$0x1D000] =	vst v63  }
0x23b: {  	_ =	swait.ge [sflag:s30], $0x4000  }
0x23c: {  	[sflag:s30] =	ssyncset.done $0x0  }
0x23d: {  	s7 =	simm.s32 $0x14580;
	[sflag:s30] =	ssyncadd.s32 $0xFFFFC000  }
0x23e: {  	[tilespmem:s23], [sflag:$0x2] =	stream.indirect.gather [hbm4b:s2+s21], $0x80, s7, s21, $0xb8;
	[tilespmem:$0x1D000] =	vst v63  }
0x23f: {  	_ =	swait.ge [sflag:s24], $0x4000  }
0x240: {  	[sflag:s24] =	ssyncset.done $0x0  }
0x241: {  	s8 =	simm.s32 $0x14D00;
	[sflag:s24] =	ssyncadd.s32 $0xFFFFC000  }
0x242: {  	[spmem:s4] =	stream.indirect.scatter.add.f32 [tilespmem:s17], [sflag:$0x3], $0x80, s8, s21, $0xb8;
	[tilespmem:$0x1D000] =	vst v63  }
0x243: {  	_ =	swait.ge [sflag:s25], $0x4000  }
0x244: {  	[sflag:s25] =	ssyncset.done $0x0  }
0x245: {  	s9 =	simm.s32 $0x14600;
	[sflag:s25] =	ssyncadd.s32 $0xFFFFC000  }
0x246: {  	[tilespmem:s17], [sflag:$0x1] =	stream.indirect.gather [hbm4b:s2+s21], $0x80, s9, s21, $0xb8;
	[tilespmem:$0x1D000] =	vst v63  }
0x247: {  	_ =	swait.ge [sflag:s28], $0x4000  }
0x248: {  	[sflag:s28] =	ssyncset.done $0x0  }
0x249: {  	s10 =	simm.s32 $0x14D80;
	[sflag:s28] =	ssyncadd.s32 $0xFFFFC000  }
0x24a: {  	[spmem:s4] =	stream.indirect.scatter.add.f32 [tilespmem:s23], [sflag:$0x4], $0x80, s10, s21, $0xb8;
	[tilespmem:$0x1D000] =	vst v63  }
0x24b: {  	_ =	swait.ge [sflag:s30], $0x4000  }
0x24c: {  	[sflag:s30] =	ssyncset.done $0x0  }
0x24d: {  	s11 =	simm.s32 $0x14680;
	[sflag:s30] =	ssyncadd.s32 $0xFFFFC000  }
0x24e: {  	[tilespmem:s23], [sflag:$0x2] =	stream.indirect.gather [hbm4b:s2+s21], $0x80, s11, s21, $0xb8;
	[tilespmem:$0x1D000] =	vst v63  }
0x24f: {  	_ =	swait.ge [sflag:s24], $0x4000  }
0x250: {  	[sflag:s24] =	ssyncset.done $0x0  }
0x251: {  	s12 =	simm.s32 $0x14E00;
	[sflag:s24] =	ssyncadd.s32 $0xFFFFC000  }
0x252: {  	[spmem:s4] =	stream.indirect.scatter.add.f32 [tilespmem:s17], [sflag:$0x3], $0x80, s12, s21, $0xb8;
	[tilespmem:$0x1D000] =	vst v63  }
0x253: {  	_ =	swait.ge [sflag:s25], $0x4000  }
0x254: {  	[sflag:s25] =	ssyncset.done $0x0  }
0x255: {  	s13 =	simm.s32 $0x14700;
	[sflag:s25] =	ssyncadd.s32 $0xFFFFC000  }
0x256: {  	[tilespmem:s17], [sflag:$0x1] =	stream.indirect.gather [hbm4b:s2+s21], $0x80, s13, s21, $0xb8;
	[tilespmem:$0x1D000] =	vst v63  }
0x257: {  	_ =	swait.ge [sflag:s28], $0x4000  }
0x258: {  	[sflag:s28] =	ssyncset.done $0x0  }
0x259: {  	s14 =	simm.s32 $0x14E80;
	[sflag:s28] =	ssyncadd.s32 $0xFFFFC000  }
0x25a: {  	[spmem:s4] =	stream.indirect.scatter.add.f32 [tilespmem:s23], [sflag:$0x4], $0x80, s14, s21, $0xb8;
	[tilespmem:$0x1D000] =	vst v63  }
0x25b: {  	_ =	swait.ge [sflag:s30], $0x4000  }
0x25c: {  	[sflag:s30] =	ssyncset.done $0x0  }
0x25d: {  	s22 =	simm.s32 $0x14780;
	[sflag:s30] =	ssyncadd.s32 $0xFFFFC000  }
0x25e: {  	[tilespmem:s23], [sflag:$0x2] =	stream.indirect.gather [hbm4b:s2+s21], $0x80, s22, s21, $0xb8;
	[tilespmem:$0x1D000] =	vst v63  }
0x25f: {  	_ =	swait.ge [sflag:s24], $0x4000  }
0x260: {  	[sflag:s24] =	ssyncset.done $0x0  }
0x261: {  	s26 =	simm.s32 $0x14F00;
	[sflag:s24] =	ssyncadd.s32 $0xFFFFC000  }
0x262: {  	[spmem:s4] =	stream.indirect.scatter.add.f32 [tilespmem:s17], [sflag:$0x3], $0x80, s26, s21, $0xb8;
	[tilespmem:$0x1D000] =	vst v63  }
0x263: {  	_ =	swait.ge [sflag:s28], $0x4000  }
0x264: {  	[sflag:s28] =	ssyncset.done $0x0  }
0x265: {  	s29 =	simm.s32 $0x14F80;
	[sflag:s28] =	ssyncadd.s32 $0xFFFFC000  }
0x266: {  	[spmem:s4] =	stream.indirect.scatter.add.f32 [tilespmem:s23], [sflag:$0x4], $0x80, s29, s21, $0xb8;
	[tilespmem:$0x1D000] =	vst v63  }
0x267: {  	_ =	swait.ge [sflag:s25], $0x4000  }
.Ltmp5:
0x268: {  	[sflag:s25] =	ssyncset.done $0x0;
	(pc) =	sbr.rel .LBB2_10-.Ltmp5, $4  }
0x269: {  	[sflag:s25] =	ssyncadd.s32 $0xFFFFC000  }
0x26a: {  	_ =	swait.ge [sflag:s30], $0x4000  }
0x26b: {  	[sflag:s30] =	ssyncset.done $0x0;
	s22 =	rddreg [dreg:$0x7]  }
0x26c: {  	s3 =	rddreg [dreg:$0xf];
	[sflag:s30] =	ssyncadd.s32 $0xFFFFC000  }
.LBB2_4:
0x26d: {  	s22 =	sadd.s32 $0x0, s16  }
0x26e: {  	[tilespmem:s19], [sflag:$0x5] =	stream.linear.gather [hbm4b:s22+s5], $0x800, $0x38;
	[tilespmem:$0x1D000] =	vst v63  }
0x26f: {  	_ =	swait.ge [sflag:s18], $0x800  }
0x270: {  	[sflag:s18] =	ssyncset.done $0x0  }
0x271: {  	s26 =	sadd.s32 $0x0, s15;
	[sflag:s18] =	ssyncadd.s32 $0xFFFFF800  }
0x272: {  	[tilespmem:s20], [sflag:$0x5] =	stream.linear.gather [hbm4b:s26+s5], $0x800, $0x38;
	[tilespmem:$0x1D000] =	vst v63  }
0x273: {  	_ =	swait.ge [sflag:s18], $0x800  }
0x274: {  	[sflag:s18] =	ssyncset.done $0x0  }
0x275: {  	[sflag:s18] =	ssyncadd.s32 $0xFFFFF800  }
0x276: {  	[tilespmem:s17], [sflag:$0x1] =	stream.indirect.gather [hbm4b:s1+s21], $0x80, s19, s21, $0xb8;
	[tilespmem:$0x1D000] =	vst v63  }
0x277: {  	_ = 	snop  }
0x278: {  	[tilespmem:s23], [sflag:$0x2] =	stream.indirect.gather [hbm4b:s1+s21], $0x80, s31, s21, $0xb8;
	[tilespmem:$0x1D000] =	vst v63  }
0x279: {  	_ =	swait.ge [sflag:s24], $0x4000  }
0x27a: {  	[sflag:s24] =	ssyncset.done $0x0  }
0x27b: {  	[sflag:s24] =	ssyncadd.s32 $0xFFFFC000  }
0x27c: {  	[spmem:s4] =	stream.indirect.scatter.add.f32 [tilespmem:s17], [sflag:$0x3], $0x80, s20, s21, $0xb8;
	[tilespmem:$0x1D000] =	vst v63  }
0x27d: {  	_ =	swait.ge [sflag:s25], $0x4000  }
0x27e: {  	[sflag:s25] =	ssyncset.done $0x0  }
0x27f: {  	s6 =	simm.s32 $0x14100;
	[sflag:s25] =	ssyncadd.s32 $0xFFFFC000  }
0x280: {  	[tilespmem:s17], [sflag:$0x1] =	stream.indirect.gather [hbm4b:s1+s21], $0x80, s6, s21, $0xb8;
	[tilespmem:$0x1D000] =	vst v63  }
0x281: {  	_ =	swait.ge [sflag:s28], $0x4000  }
0x282: {  	[sflag:s28] =	ssyncset.done $0x0  }
0x283: {  	s7 =	simm.s32 $0x14880;
	[sflag:s28] =	ssyncadd.s32 $0xFFFFC000  }
0x284: {  	[spmem:s4] =	stream.indirect.scatter.add.f32 [tilespmem:s23], [sflag:$0x4], $0x80, s7, s21, $0xb8;
	[tilespmem:$0x1D000] =	vst v63  }
0x285: {  	_ =	swait.ge [sflag:s30], $0x4000  }
0x286: {  	[sflag:s30] =	ssyncset.done $0x0  }
0x287: {  	s3 =	simm.s32 $0x14180;
	[sflag:s30] =	ssyncadd.s32 $0xFFFFC000  }
0x288: {  	[tilespmem:s23], [sflag:$0x2] =	stream.indirect.gather [hbm4b:s1+s21], $0x80, s3, s21, $0xb8;
	[tilespmem:$0x1D000] =	vst v63  }
0x289: {  	_ =	swait.ge [sflag:s24], $0x4000  }
0x28a: {  	[sflag:s24] =	ssyncset.done $0x0  }
0x28b: {  	s9 =	simm.s32 $0x14900;
	[sflag:s24] =	ssyncadd.s32 $0xFFFFC000  }
0x28c: {  	[spmem:s4] =	stream.indirect.scatter.add.f32 [tilespmem:s17], [sflag:$0x3], $0x80, s9, s21, $0xb8;
	[tilespmem:$0x1D000] =	vst v63  }
0x28d: {  	_ =	swait.ge [sflag:s25], $0x4000  }
0x28e: {  	[sflag:s25] =	ssyncset.done $0x0  }
0x28f: {  	s10 =	simm.s32 $0x14200;
	[sflag:s25] =	ssyncadd.s32 $0xFFFFC000  }
0x290: {  	[tilespmem:s17], [sflag:$0x1] =	stream.indirect.gather [hbm4b:s1+s21], $0x80, s10, s21, $0xb8;
	[tilespmem:$0x1D000] =	vst v63  }
0x291: {  	_ =	swait.ge [sflag:s28], $0x4000  }
0x292: {  	[sflag:s28] =	ssyncset.done $0x0  }
0x293: {  	s11 =	simm.s32 $0x14980;
	[sflag:s28] =	ssyncadd.s32 $0xFFFFC000  }
0x294: {  	[spmem:s4] =	stream.indirect.scatter.add.f32 [tilespmem:s23], [sflag:$0x4], $0x80, s11, s21, $0xb8;
	[tilespmem:$0x1D000] =	vst v63  }
0x295: {  	_ =	swait.ge [sflag:s30], $0x4000  }
0x296: {  	[sflag:s30] =	ssyncset.done $0x0  }
0x297: {  	s12 =	simm.s32 $0x14280;
	[sflag:s30] =	ssyncadd.s32 $0xFFFFC000  }
0x298: {  	[tilespmem:s23], [sflag:$0x2] =	stream.indirect.gather [hbm4b:s1+s21], $0x80, s12, s21, $0xb8;
	[tilespmem:$0x1D000] =	vst v63  }
0x299: {  	_ =	swait.ge [sflag:s24], $0x4000  }
0x29a: {  	[sflag:s24] =	ssyncset.done $0x0  }
0x29b: {  	s13 =	simm.s32 $0x14A00;
	[sflag:s24] =	ssyncadd.s32 $0xFFFFC000  }
0x29c: {  	[spmem:s4] =	stream.indirect.scatter.add.f32 [tilespmem:s17], [sflag:$0x3], $0x80, s13, s21, $0xb8;
	[tilespmem:$0x1D000] =	vst v63  }
0x29d: {  	_ =	swait.ge [sflag:s25], $0x4000  }
0x29e: {  	[sflag:s25] =	ssyncset.done $0x0  }
0x29f: {  	s14 =	simm.s32 $0x14300;
	[sflag:s25] =	ssyncadd.s32 $0xFFFFC000  }
0x2a0: {  	[tilespmem:s17], [sflag:$0x1] =	stream.indirect.gather [hbm4b:s1+s21], $0x80, s14, s21, $0xb8;
	[tilespmem:$0x1D000] =	vst v63  }
0x2a1: {  	_ =	swait.ge [sflag:s28], $0x4000  }
0x2a2: {  	[sflag:s28] =	ssyncset.done $0x0  }
0x2a3: {  	s8 =	simm.s32 $0x14A80;
	[sflag:s28] =	ssyncadd.s32 $0xFFFFC000  }
0x2a4: {  	[spmem:s4] =	stream.indirect.scatter.add.f32 [tilespmem:s23], [sflag:$0x4], $0x80, s8, s21, $0xb8;
	[tilespmem:$0x1D000] =	vst v63  }
0x2a5: {  	_ =	swait.ge [sflag:s30], $0x4000  }
0x2a6: {  	[sflag:s30] =	ssyncset.done $0x0  }
0x2a7: {  	s0 =	simm.s32 $0x14380;
	[sflag:s30] =	ssyncadd.s32 $0xFFFFC000  }
0x2a8: {  	[tilespmem:s23], [sflag:$0x2] =	stream.indirect.gather [hbm4b:s1+s21], $0x80, s0, s21, $0xb8;
	[tilespmem:$0x1D000] =	vst v63  }
0x2a9: {  	_ =	swait.ge [sflag:s24], $0x4000  }
0x2aa: {  	[sflag:s24] =	ssyncset.done $0x0  }
0x2ab: {  	s29 =	simm.s32 $0x14B00;
	[sflag:s24] =	ssyncadd.s32 $0xFFFFC000  }
0x2ac: {  	[spmem:s4] =	stream.indirect.scatter.add.f32 [tilespmem:s17], [sflag:$0x3], $0x80, s29, s21, $0xb8;
	[tilespmem:$0x1D000] =	vst v63  }
0x2ad: {  	_ =	swait.ge [sflag:s25], $0x4000  }
0x2ae: {  	[sflag:s25] =	ssyncset.done $0x0  }
0x2af: {  	s31 =	simm.s32 $0x14400;
	[sflag:s25] =	ssyncadd.s32 $0xFFFFC000  }
0x2b0: {  	[tilespmem:s17], [sflag:$0x1] =	stream.indirect.gather [hbm4b:s1+s21], $0x80, s31, s21, $0xb8;
	[tilespmem:$0x1D000] =	vst v63  }
0x2b1: {  	_ =	swait.ge [sflag:s28], $0x4000  }
0x2b2: {  	[sflag:s28] =	ssyncset.done $0x0  }
0x2b3: {  	s22 =	simm.s32 $0x14B80;
	[sflag:s28] =	ssyncadd.s32 $0xFFFFC000  }
0x2b4: {  	[spmem:s4] =	stream.indirect.scatter.add.f32 [tilespmem:s23], [sflag:$0x4], $0x80, s22, s21, $0xb8;
	[tilespmem:$0x1D000] =	vst v63  }
0x2b5: {  	_ =	swait.ge [sflag:s30], $0x4000  }
0x2b6: {  	[sflag:s30] =	ssyncset.done $0x0  }
0x2b7: {  	s26 =	simm.s32 $0x14480;
	[sflag:s30] =	ssyncadd.s32 $0xFFFFC000  }
0x2b8: {  	[tilespmem:s23], [sflag:$0x2] =	stream.indirect.gather [hbm4b:s1+s21], $0x80, s26, s21, $0xb8;
	[tilespmem:$0x1D000] =	vst v63  }
0x2b9: {  	_ =	swait.ge [sflag:s24], $0x4000  }
0x2ba: {  	[sflag:s24] =	ssyncset.done $0x0  }
0x2bb: {  	s29 =	simm.s32 $0x14C00;
	[sflag:s24] =	ssyncadd.s32 $0xFFFFC000  }
0x2bc: {  	[spmem:s4] =	stream.indirect.scatter.add.f32 [tilespmem:s17], [sflag:$0x3], $0x80, s29, s21, $0xb8;
	[tilespmem:$0x1D000] =	vst v63  }
0x2bd: {  	_ =	swait.ge [sflag:s25], $0x4000  }
0x2be: {  	[sflag:s25] =	ssyncset.done $0x0  }
0x2bf: {  	s31 =	simm.s32 $0x14500;
	[sflag:s25] =	ssyncadd.s32 $0xFFFFC000  }
0x2c0: {  	[tilespmem:s17], [sflag:$0x1] =	stream.indirect.gather [hbm4b:s1+s21], $0x80, s31, s21, $0xb8;
	[tilespmem:$0x1D000] =	vst v63  }
0x2c1: {  	_ =	swait.ge [sflag:s28], $0x4000  }
0x2c2: {  	[sflag:s28] =	ssyncset.done $0x0  }
0x2c3: {  	s22 =	simm.s32 $0x14C80;
	[sflag:s28] =	ssyncadd.s32 $0xFFFFC000  }
0x2c4: {  	[spmem:s4] =	stream.indirect.scatter.add.f32 [tilespmem:s23], [sflag:$0x4], $0x80, s22, s21, $0xb8;
	[tilespmem:$0x1D000] =	vst v63  }
0x2c5: {  	_ =	swait.ge [sflag:s30], $0x4000  }
0x2c6: {  	[sflag:s30] =	ssyncset.done $0x0  }
0x2c7: {  	s26 =	simm.s32 $0x14580;
	[sflag:s30] =	ssyncadd.s32 $0xFFFFC000  }
0x2c8: {  	[tilespmem:s23], [sflag:$0x2] =	stream.indirect.gather [hbm4b:s1+s21], $0x80, s26, s21, $0xb8;
	[tilespmem:$0x1D000] =	vst v63  }
0x2c9: {  	_ =	swait.ge [sflag:s24], $0x4000  }
0x2ca: {  	[sflag:s24] =	ssyncset.done $0x0  }
0x2cb: {  	s29 =	simm.s32 $0x14D00;
	[sflag:s24] =	ssyncadd.s32 $0xFFFFC000  }
0x2cc: {  	[spmem:s4] =	stream.indirect.scatter.add.f32 [tilespmem:s17], [sflag:$0x3], $0x80, s29, s21, $0xb8;
	[tilespmem:$0x1D000] =	vst v63  }
0x2cd: {  	_ =	swait.ge [sflag:s25], $0x4000  }
0x2ce: {  	[sflag:s25] =	ssyncset.done $0x0  }
0x2cf: {  	s31 =	simm.s32 $0x14600;
	[sflag:s25] =	ssyncadd.s32 $0xFFFFC000  }
0x2d0: {  	[tilespmem:s17], [sflag:$0x1] =	stream.indirect.gather [hbm4b:s1+s21], $0x80, s31, s21, $0xb8;
	[tilespmem:$0x1D000] =	vst v63  }
0x2d1: {  	_ =	swait.ge [sflag:s28], $0x4000  }
0x2d2: {  	[sflag:s28] =	ssyncset.done $0x0  }
0x2d3: {  	s22 =	simm.s32 $0x14D80;
	[sflag:s28] =	ssyncadd.s32 $0xFFFFC000  }
0x2d4: {  	[spmem:s4] =	stream.indirect.scatter.add.f32 [tilespmem:s23], [sflag:$0x4], $0x80, s22, s21, $0xb8;
	[tilespmem:$0x1D000] =	vst v63  }
0x2d5: {  	_ =	swait.ge [sflag:s30], $0x4000  }
0x2d6: {  	[sflag:s30] =	ssyncset.done $0x0  }
0x2d7: {  	s26 =	simm.s32 $0x14680;
	[sflag:s30] =	ssyncadd.s32 $0xFFFFC000  }
0x2d8: {  	[tilespmem:s23], [sflag:$0x2] =	stream.indirect.gather [hbm4b:s1+s21], $0x80, s26, s21, $0xb8;
	[tilespmem:$0x1D000] =	vst v63  }
0x2d9: {  	_ =	swait.ge [sflag:s24], $0x4000  }
0x2da: {  	[sflag:s24] =	ssyncset.done $0x0  }
0x2db: {  	s29 =	simm.s32 $0x14E00;
	[sflag:s24] =	ssyncadd.s32 $0xFFFFC000  }
0x2dc: {  	[spmem:s4] =	stream.indirect.scatter.add.f32 [tilespmem:s17], [sflag:$0x3], $0x80, s29, s21, $0xb8;
	[tilespmem:$0x1D000] =	vst v63  }
0x2dd: {  	_ =	swait.ge [sflag:s25], $0x4000  }
0x2de: {  	[sflag:s25] =	ssyncset.done $0x0  }
0x2df: {  	s31 =	simm.s32 $0x14700;
	[sflag:s25] =	ssyncadd.s32 $0xFFFFC000  }
0x2e0: {  	[tilespmem:s17], [sflag:$0x1] =	stream.indirect.gather [hbm4b:s1+s21], $0x80, s31, s21, $0xb8;
	[tilespmem:$0x1D000] =	vst v63  }
0x2e1: {  	_ =	swait.ge [sflag:s28], $0x4000  }
0x2e2: {  	[sflag:s28] =	ssyncset.done $0x0  }
0x2e3: {  	s22 =	simm.s32 $0x14E80;
	[sflag:s28] =	ssyncadd.s32 $0xFFFFC000  }
0x2e4: {  	[spmem:s4] =	stream.indirect.scatter.add.f32 [tilespmem:s23], [sflag:$0x4], $0x80, s22, s21, $0xb8;
	[tilespmem:$0x1D000] =	vst v63  }
0x2e5: {  	_ =	swait.ge [sflag:s30], $0x4000  }
0x2e6: {  	[sflag:s30] =	ssyncset.done $0x0  }
0x2e7: {  	s26 =	simm.s32 $0x14780;
	[sflag:s30] =	ssyncadd.s32 $0xFFFFC000  }
0x2e8: {  	[tilespmem:s23], [sflag:$0x2] =	stream.indirect.gather [hbm4b:s1+s21], $0x80, s26, s21, $0xb8;
	[tilespmem:$0x1D000] =	vst v63  }
0x2e9: {  	_ =	swait.ge [sflag:s24], $0x4000  }
0x2ea: {  	[sflag:s24] =	ssyncset.done $0x0  }
0x2eb: {  	s29 =	simm.s32 $0x14F00;
	[sflag:s24] =	ssyncadd.s32 $0xFFFFC000  }
0x2ec: {  	[spmem:s4] =	stream.indirect.scatter.add.f32 [tilespmem:s17], [sflag:$0x3], $0x80, s29, s21, $0xb8;
	[tilespmem:$0x1D000] =	vst v63  }
0x2ed: {  	_ =	swait.ge [sflag:s28], $0x4000  }
0x2ee: {  	[sflag:s28] =	ssyncset.done $0x0  }
0x2ef: {  	s31 =	simm.s32 $0x14F80;
	[sflag:s28] =	ssyncadd.s32 $0xFFFFC000  }
0x2f0: {  	[spmem:s4] =	stream.indirect.scatter.add.f32 [tilespmem:s23], [sflag:$0x4], $0x80, s31, s21, $0xb8;
	[tilespmem:$0x1D000] =	vst v63  }
0x2f1: {  	_ =	swait.ge [sflag:s25], $0x4000  }
0x2f2: {  	[sflag:s25] =	ssyncset.done $0x0  }
0x2f3: {  	[sflag:s25] =	ssyncadd.s32 $0xFFFFC000  }
0x2f4: {  	_ =	swait.ge [sflag:s30], $0x4000  }
0x2f5: {  	s22 =	simm.s32 $0x100;
	s26 =	simm.s32 $0x200;
	[sflag:s30] =	ssyncset.done $0x0  }
.LBB2_5:
0x2f6: {  	s31 =	sadd.s32 s22, s16  }
0x2f7: {  	[sflag:s30] =	ssyncadd.s32 $0xFFFFC000;
	s0 =	smov.u32 s26;
	s29 =	sadd.s32 $0x100, s26  }
0x2f8: {  	[tilespmem:s19], [sflag:$0x5] =	stream.linear.gather [hbm4b:s31+s5], $0x800, $0x38;
	[tilespmem:$0x1D000] =	vst v63  }
0x2f9: {  	s31 =	simm.s32 $0x14080  }
0x2fa: {  	p1 =	seq.s32 s26, $0x900;
	_ =	swait.ge [sflag:s18], $0x800  }
0x2fb: {  	[sflag:s18] =	ssyncset.done $0x0  }
0x2fc: {  	s26 =	sadd.s32 s22, s15;
	s22 =	smov.u32 s0;
	[sflag:s18] =	ssyncadd.s32 $0xFFFFF800  }
0x2fd: {  	[tilespmem:s20], [sflag:$0x5] =	stream.linear.gather [hbm4b:s26+s5], $0x800, $0x38;
	[tilespmem:$0x1D000] =	vst v63  }
0x2fe: {  	_ =	swait.ge [sflag:s18], $0x800  }
0x2ff: {  	[sflag:s18] =	ssyncset.done $0x0  }
0x300: {  	[sflag:s18] =	ssyncadd.s32 $0xFFFFF800  }
0x301: {  	[tilespmem:s17], [sflag:$0x1] =	stream.indirect.gather [hbm4b:s1+s21], $0x80, s19, s21, $0xb8;
	[tilespmem:$0x1D000] =	vst v63  }
0x302: {  	_ = 	snop  }
0x303: {  	[tilespmem:s23], [sflag:$0x2] =	stream.indirect.gather [hbm4b:s1+s21], $0x80, s31, s21, $0xb8;
	[tilespmem:$0x1D000] =	vst v63  }
0x304: {  	_ =	swait.ge [sflag:s24], $0x4000  }
0x305: {  	[sflag:s24] =	ssyncset.done $0x0  }
0x306: {  	[sflag:s24] =	ssyncadd.s32 $0xFFFFC000  }
0x307: {  	[spmem:s4] =	stream.indirect.scatter.add.f32 [tilespmem:s17], [sflag:$0x3], $0x80, s20, s21, $0xb8;
	[tilespmem:$0x1D000] =	vst v63  }
0x308: {  	_ =	swait.ge [sflag:s25], $0x4000  }
0x309: {  	[sflag:s25] =	ssyncset.done $0x0  }
0x30a: {  	[sflag:s25] =	ssyncadd.s32 $0xFFFFC000  }
0x30b: {  	[tilespmem:s17], [sflag:$0x1] =	stream.indirect.gather [hbm4b:s1+s21], $0x80, s6, s21, $0xb8;
	[tilespmem:$0x1D000] =	vst v63  }
0x30c: {  	_ =	swait.ge [sflag:s28], $0x4000  }
0x30d: {  	[sflag:s28] =	ssyncset.done $0x0  }
0x30e: {  	[sflag:s28] =	ssyncadd.s32 $0xFFFFC000  }
0x30f: {  	[spmem:s4] =	stream.indirect.scatter.add.f32 [tilespmem:s23], [sflag:$0x4], $0x80, s7, s21, $0xb8;
	[tilespmem:$0x1D000] =	vst v63  }
0x310: {  	_ =	swait.ge [sflag:s30], $0x4000  }
0x311: {  	[sflag:s30] =	ssyncset.done $0x0  }
0x312: {  	[sflag:s30] =	ssyncadd.s32 $0xFFFFC000  }
0x313: {  	[tilespmem:s23], [sflag:$0x2] =	stream.indirect.gather [hbm4b:s1+s21], $0x80, s3, s21, $0xb8;
	[tilespmem:$0x1D000] =	vst v63  }
0x314: {  	_ =	swait.ge [sflag:s24], $0x4000  }
0x315: {  	[sflag:s24] =	ssyncset.done $0x0  }
0x316: {  	[sflag:s24] =	ssyncadd.s32 $0xFFFFC000  }
0x317: {  	[spmem:s4] =	stream.indirect.scatter.add.f32 [tilespmem:s17], [sflag:$0x3], $0x80, s9, s21, $0xb8;
	[tilespmem:$0x1D000] =	vst v63  }
0x318: {  	_ =	swait.ge [sflag:s25], $0x4000  }
0x319: {  	[sflag:s25] =	ssyncset.done $0x0  }
0x31a: {  	[sflag:s25] =	ssyncadd.s32 $0xFFFFC000  }
0x31b: {  	[tilespmem:s17], [sflag:$0x1] =	stream.indirect.gather [hbm4b:s1+s21], $0x80, s10, s21, $0xb8;
	[tilespmem:$0x1D000] =	vst v63  }
0x31c: {  	_ =	swait.ge [sflag:s28], $0x4000  }
0x31d: {  	[sflag:s28] =	ssyncset.done $0x0  }
0x31e: {  	[sflag:s28] =	ssyncadd.s32 $0xFFFFC000  }
0x31f: {  	[spmem:s4] =	stream.indirect.scatter.add.f32 [tilespmem:s23], [sflag:$0x4], $0x80, s11, s21, $0xb8;
	[tilespmem:$0x1D000] =	vst v63  }
0x320: {  	_ =	swait.ge [sflag:s30], $0x4000  }
0x321: {  	[sflag:s30] =	ssyncset.done $0x0  }
0x322: {  	[sflag:s30] =	ssyncadd.s32 $0xFFFFC000  }
0x323: {  	[tilespmem:s23], [sflag:$0x2] =	stream.indirect.gather [hbm4b:s1+s21], $0x80, s12, s21, $0xb8;
	[tilespmem:$0x1D000] =	vst v63  }
0x324: {  	_ =	swait.ge [sflag:s24], $0x4000  }
0x325: {  	[sflag:s24] =	ssyncset.done $0x0  }
0x326: {  	[sflag:s24] =	ssyncadd.s32 $0xFFFFC000  }
0x327: {  	[spmem:s4] =	stream.indirect.scatter.add.f32 [tilespmem:s17], [sflag:$0x3], $0x80, s13, s21, $0xb8;
	[tilespmem:$0x1D000] =	vst v63  }
0x328: {  	_ =	swait.ge [sflag:s25], $0x4000  }
0x329: {  	[sflag:s25] =	ssyncset.done $0x0  }
0x32a: {  	[sflag:s25] =	ssyncadd.s32 $0xFFFFC000  }
0x32b: {  	[tilespmem:s17], [sflag:$0x1] =	stream.indirect.gather [hbm4b:s1+s21], $0x80, s14, s21, $0xb8;
	[tilespmem:$0x1D000] =	vst v63  }
0x32c: {  	_ =	swait.ge [sflag:s28], $0x4000  }
0x32d: {  	[sflag:s28] =	ssyncset.done $0x0  }
0x32e: {  	[sflag:s28] =	ssyncadd.s32 $0xFFFFC000  }
0x32f: {  	[spmem:s4] =	stream.indirect.scatter.add.f32 [tilespmem:s23], [sflag:$0x4], $0x80, s8, s21, $0xb8;
	[tilespmem:$0x1D000] =	vst v63  }
0x330: {  	_ =	swait.ge [sflag:s30], $0x4000  }
0x331: {  	[sflag:s30] =	ssyncset.done $0x0  }
0x332: {  	s0 =	simm.s32 $0x14380;
	[sflag:s30] =	ssyncadd.s32 $0xFFFFC000  }
0x333: {  	[tilespmem:s23], [sflag:$0x2] =	stream.indirect.gather [hbm4b:s1+s21], $0x80, s0, s21, $0xb8;
	[tilespmem:$0x1D000] =	vst v63  }
0x334: {  	_ =	swait.ge [sflag:s24], $0x4000  }
0x335: {  	[sflag:s24] =	ssyncset.done $0x0  }
0x336: {  	s0 =	simm.s32 $0x14B00;
	[sflag:s24] =	ssyncadd.s32 $0xFFFFC000  }
0x337: {  	[spmem:s4] =	stream.indirect.scatter.add.f32 [tilespmem:s17], [sflag:$0x3], $0x80, s0, s21, $0xb8;
	[tilespmem:$0x1D000] =	vst v63  }
0x338: {  	_ =	swait.ge [sflag:s25], $0x4000  }
0x339: {  	[sflag:s25] =	ssyncset.done $0x0  }
0x33a: {  	s0 =	simm.s32 $0x14400;
	[sflag:s25] =	ssyncadd.s32 $0xFFFFC000  }
0x33b: {  	[tilespmem:s17], [sflag:$0x1] =	stream.indirect.gather [hbm4b:s1+s21], $0x80, s0, s21, $0xb8;
	[tilespmem:$0x1D000] =	vst v63  }
0x33c: {  	_ =	swait.ge [sflag:s28], $0x4000  }
0x33d: {  	[sflag:s28] =	ssyncset.done $0x0  }
0x33e: {  	s0 =	simm.s32 $0x14B80;
	[sflag:s28] =	ssyncadd.s32 $0xFFFFC000  }
0x33f: {  	[spmem:s4] =	stream.indirect.scatter.add.f32 [tilespmem:s23], [sflag:$0x4], $0x80, s0, s21, $0xb8;
	[tilespmem:$0x1D000] =	vst v63  }
0x340: {  	_ =	swait.ge [sflag:s30], $0x4000  }
0x341: {  	[sflag:s30] =	ssyncset.done $0x0  }
0x342: {  	s0 =	simm.s32 $0x14480;
	[sflag:s30] =	ssyncadd.s32 $0xFFFFC000  }
0x343: {  	[tilespmem:s23], [sflag:$0x2] =	stream.indirect.gather [hbm4b:s1+s21], $0x80, s0, s21, $0xb8;
	[tilespmem:$0x1D000] =	vst v63  }
0x344: {  	_ =	swait.ge [sflag:s24], $0x4000  }
0x345: {  	[sflag:s24] =	ssyncset.done $0x0  }
0x346: {  	s0 =	simm.s32 $0x14C00;
	[sflag:s24] =	ssyncadd.s32 $0xFFFFC000  }
0x347: {  	[spmem:s4] =	stream.indirect.scatter.add.f32 [tilespmem:s17], [sflag:$0x3], $0x80, s0, s21, $0xb8;
	[tilespmem:$0x1D000] =	vst v63  }
0x348: {  	_ =	swait.ge [sflag:s25], $0x4000  }
0x349: {  	[sflag:s25] =	ssyncset.done $0x0  }
0x34a: {  	s0 =	simm.s32 $0x14500;
	[sflag:s25] =	ssyncadd.s32 $0xFFFFC000  }
0x34b: {  	[tilespmem:s17], [sflag:$0x1] =	stream.indirect.gather [hbm4b:s1+s21], $0x80, s0, s21, $0xb8;
	[tilespmem:$0x1D000] =	vst v63  }
0x34c: {  	_ =	swait.ge [sflag:s28], $0x4000  }
0x34d: {  	[sflag:s28] =	ssyncset.done $0x0  }
0x34e: {  	s0 =	simm.s32 $0x14C80;
	[sflag:s28] =	ssyncadd.s32 $0xFFFFC000  }
0x34f: {  	[spmem:s4] =	stream.indirect.scatter.add.f32 [tilespmem:s23], [sflag:$0x4], $0x80, s0, s21, $0xb8;
	[tilespmem:$0x1D000] =	vst v63  }
0x350: {  	_ =	swait.ge [sflag:s30], $0x4000  }
0x351: {  	[sflag:s30] =	ssyncset.done $0x0  }
0x352: {  	s0 =	simm.s32 $0x14580;
	[sflag:s30] =	ssyncadd.s32 $0xFFFFC000  }
0x353: {  	[tilespmem:s23], [sflag:$0x2] =	stream.indirect.gather [hbm4b:s1+s21], $0x80, s0, s21, $0xb8;
	[tilespmem:$0x1D000] =	vst v63  }
0x354: {  	_ =	swait.ge [sflag:s24], $0x4000  }
0x355: {  	[sflag:s24] =	ssyncset.done $0x0  }
0x356: {  	s0 =	simm.s32 $0x14D00;
	[sflag:s24] =	ssyncadd.s32 $0xFFFFC000  }
0x357: {  	[spmem:s4] =	stream.indirect.scatter.add.f32 [tilespmem:s17], [sflag:$0x3], $0x80, s0, s21, $0xb8;
	[tilespmem:$0x1D000] =	vst v63  }
0x358: {  	_ =	swait.ge [sflag:s25], $0x4000  }
0x359: {  	[sflag:s25] =	ssyncset.done $0x0  }
0x35a: {  	s0 =	simm.s32 $0x14600;
	[sflag:s25] =	ssyncadd.s32 $0xFFFFC000  }
0x35b: {  	[tilespmem:s17], [sflag:$0x1] =	stream.indirect.gather [hbm4b:s1+s21], $0x80, s0, s21, $0xb8;
	[tilespmem:$0x1D000] =	vst v63  }
0x35c: {  	_ =	swait.ge [sflag:s28], $0x4000  }
0x35d: {  	[sflag:s28] =	ssyncset.done $0x0  }
0x35e: {  	s0 =	simm.s32 $0x14D80;
	[sflag:s28] =	ssyncadd.s32 $0xFFFFC000  }
0x35f: {  	[spmem:s4] =	stream.indirect.scatter.add.f32 [tilespmem:s23], [sflag:$0x4], $0x80, s0, s21, $0xb8;
	[tilespmem:$0x1D000] =	vst v63  }
0x360: {  	_ =	swait.ge [sflag:s30], $0x4000  }
0x361: {  	[sflag:s30] =	ssyncset.done $0x0  }
0x362: {  	s0 =	simm.s32 $0x14680;
	[sflag:s30] =	ssyncadd.s32 $0xFFFFC000  }
0x363: {  	[tilespmem:s23], [sflag:$0x2] =	stream.indirect.gather [hbm4b:s1+s21], $0x80, s0, s21, $0xb8;
	[tilespmem:$0x1D000] =	vst v63  }
0x364: {  	_ =	swait.ge [sflag:s24], $0x4000  }
0x365: {  	[sflag:s24] =	ssyncset.done $0x0  }
0x366: {  	s0 =	simm.s32 $0x14E00;
	[sflag:s24] =	ssyncadd.s32 $0xFFFFC000  }
0x367: {  	[spmem:s4] =	stream.indirect.scatter.add.f32 [tilespmem:s17], [sflag:$0x3], $0x80, s0, s21, $0xb8;
	[tilespmem:$0x1D000] =	vst v63  }
0x368: {  	_ =	swait.ge [sflag:s25], $0x4000  }
0x369: {  	[sflag:s25] =	ssyncset.done $0x0  }
0x36a: {  	s0 =	simm.s32 $0x14700;
	[sflag:s25] =	ssyncadd.s32 $0xFFFFC000  }
0x36b: {  	[tilespmem:s17], [sflag:$0x1] =	stream.indirect.gather [hbm4b:s1+s21], $0x80, s0, s21, $0xb8;
	[tilespmem:$0x1D000] =	vst v63  }
0x36c: {  	_ =	swait.ge [sflag:s28], $0x4000  }
0x36d: {  	[sflag:s28] =	ssyncset.done $0x0  }
0x36e: {  	s0 =	simm.s32 $0x14E80;
	[sflag:s28] =	ssyncadd.s32 $0xFFFFC000  }
0x36f: {  	[spmem:s4] =	stream.indirect.scatter.add.f32 [tilespmem:s23], [sflag:$0x4], $0x80, s0, s21, $0xb8;
	[tilespmem:$0x1D000] =	vst v63  }
0x370: {  	_ =	swait.ge [sflag:s30], $0x4000  }
0x371: {  	[sflag:s30] =	ssyncset.done $0x0  }
0x372: {  	s0 =	simm.s32 $0x14780;
	[sflag:s30] =	ssyncadd.s32 $0xFFFFC000  }
0x373: {  	[tilespmem:s23], [sflag:$0x2] =	stream.indirect.gather [hbm4b:s1+s21], $0x80, s0, s21, $0xb8;
	[tilespmem:$0x1D000] =	vst v63  }
0x374: {  	_ =	swait.ge [sflag:s24], $0x4000  }
0x375: {  	[sflag:s24] =	ssyncset.done $0x0  }
0x376: {  	s0 =	simm.s32 $0x14F00;
	[sflag:s24] =	ssyncadd.s32 $0xFFFFC000  }
0x377: {  	[spmem:s4] =	stream.indirect.scatter.add.f32 [tilespmem:s17], [sflag:$0x3], $0x80, s0, s21, $0xb8;
	[tilespmem:$0x1D000] =	vst v63  }
0x378: {  	_ =	swait.ge [sflag:s28], $0x4000  }
0x379: {  	[sflag:s28] =	ssyncset.done $0x0  }
0x37a: {  	s0 =	simm.s32 $0x14F80;
	[sflag:s28] =	ssyncadd.s32 $0xFFFFC000  }
0x37b: {  	[spmem:s4] =	stream.indirect.scatter.add.f32 [tilespmem:s23], [sflag:$0x4], $0x80, s0, s21, $0xb8;
	[tilespmem:$0x1D000] =	vst v63  }
.Ltmp6:
0x37c: {  	_ =	swait.ge [sflag:s25], $0x4000;
	(pc) =	sbr.rel @!p1 .LBB2_5-.Ltmp6, $4  }
0x37d: {  	[sflag:s25] =	ssyncset.done $0x0  }
0x37e: {  	[sflag:s25] =	ssyncadd.s32 $0xFFFFC000  }
0x37f: {  	_ =	swait.ge [sflag:s30], $0x4000  }
0x380: {  	s26 =	smov.u32 s29;
	[sflag:s30] =	ssyncset.done $0x0  }
.Ltmp7:
0x381: {  	_ = 	snop;
	(pc) =	sbr.rel .LBB2_6-.Ltmp7, $1  }
0x382: {  	_ =	sdelay $0x3  }
.LBB2_11:
0x383: {  	_ =	sfence.sel $0x180000  }
0x384: {  	[bflag:$0x0] =	sbarrier.arrive $0xFFFF  }
0x385: {  	_ =	strace $0x90000047  }
0x386: {  	s0 =	stileid.u32;
	[bflag:$0x2] =	sbarrier.arrive $0xFFFF  }
0x387: {  	p0 =	sne.s32 s0, $0x0;
	s0 =	rddreg [dreg:$0x5]  }
0x388: {  	s0 =	sadd.s32 @!p0 $0x100000, s0  }
0x389: {  	[sflag:s0] =	ssyncadd.tile.s32 @!p0 $0x1;
	_ =	shalt  }
.Lfunc_end2:
_tile_overlayer_lowered:
.L_overlay_start_2:
0x38a: {  	(tag) =	ssettag $0x2  }
0x38b: {  	s0 =	rddreg [dreg:$0x0];
	s2 =	stileid.u32  }
0x38c: {  	s1 =	rddreg [dreg:$0x1];
	p0 =	sne.s32 s2, $0x0  }
0x38d: {  	s3 =	rddreg [dreg:$0x2];
	[bflag:$0x3] =	sbarrier.arrive $0xFFFF;
	s2 =	simm.s32 @!p0 $0x1C05  }
0x38e: {  	[timem:s3], [sflag:s2] =	dma.local @!p0 [hbm:s0], s1  }
0x38f: {  	s0 =	simm.s32 @!p0 $0x5  }
0x390: {  	_ =	swait.ge @!p0 [sflag:s0], s1  }
0x391: {  	s1 =	ssub.s32 @!p0 $0x0, s1;
	[sflag:s0] =	ssyncset.done @!p0 $0x0  }
0x392: {  	[sflag:s0] =	ssyncadd.s32 @!p0 s1  }
0x393: {  	[bflag:$0x3] =	sbarrier.arrive $0xFFFF  }
0x394: {  	_ =	shalt  }

</sc_bundles>
